<compile_context>
chip_gen: v7x
topology: tpu7x:2x2x1
jax: 0.10.2.dev20260603
libtpu: 0.0.44.dev20260713+nightly
codegen_flags: <defaults>
</compile_context>

<pallas_src>
import functools

import jax
import jax.numpy as jnp
from jax import lax
from jax.experimental import pallas as pl
from jax.experimental.pallas import tpu as pltpu
from jax.experimental.pallas import tpu_sc as plsc

_B, _P, _K = 16, 1024, 8
_N = _B * _P
_E = _N * _K
_D = 128
_ROWS = 256
_EPS = 512
_EPO = 1024

_NC, _NS = 2, 16
_NW = _NC * _NS
_EW = _E // _NW
_ECH = 128



def _knn_body(xblk_ref, xall_ref, idx_ref):
    b = pl.program_id(0)
    t = pl.program_id(1)
    rows = xblk_ref[0]
    x_all = xall_ref[0]

    g = lax.dot_general(rows, x_all, (((1,), (1,)), ((), ())),
                        preferred_element_type=jnp.float32)
    sq_all = jnp.sum(x_all * x_all, axis=1)
    sq_rows = jnp.sum(rows * rows, axis=1, keepdims=True)
    s = (sq_rows + sq_all[None, :]) - 2.0 * g

    fcol = lax.broadcasted_iota(jnp.int32, (_ROWS, _P), 1) \
        .astype(jnp.float32)
    frow = (t * _ROWS
            + lax.broadcasted_iota(jnp.int32, (_ROWS, 1), 0)) \
        .astype(jnp.float32)
    s = jnp.where(fcol == frow, s + 1e10, s)

    kio = lax.broadcasted_iota(jnp.int32, (_ROWS, _K), 1)
    idxf = jnp.zeros((_ROWS, _K), jnp.float32)
    big = jnp.float32(3.0e38)
    bigc = jnp.float32(2.0e9)
    for k in range(_K):
        m = jnp.min(s, axis=1, keepdims=True)
        amf = jnp.min(jnp.where(s == m, fcol, bigc), axis=1, keepdims=True)
        idxf = jnp.where(kio == k, amf, idxf)
        if k < _K - 1:
            s = jnp.where(fcol == amf, big, s)
    idx_ref[0] = idxf.astype(jnp.int32) + b * _P


def _knn(x3):
    return pl.pallas_call(
        _knn_body,
        grid=(_B, _P // _ROWS),
        in_specs=[
            pl.BlockSpec((1, _ROWS, _D), lambda b, t: (b, t, 0)),
            pl.BlockSpec((1, _P, _D), lambda b, t: (b, 0, 0)),
        ],
        out_specs=pl.BlockSpec((1, _ROWS, _K), lambda b, t: (b, t, 0)),
        out_shape=jax.ShapeDtypeStruct((_B, _P, _K), jnp.int32),
    )(x3, x3)



def _make_gather():
    mesh = plsc.VectorSubcoreMesh(core_axis_name="c", subcore_axis_name="s")
    n_chunks = _EW // _ECH

    @functools.partial(
        pl.kernel,
        mesh=mesh,
        out_type=jax.ShapeDtypeStruct((_E, _D), jnp.float32),
        scratch_types=[
            pltpu.VMEM((_ECH,), jnp.int32),
            pltpu.VMEM((_ECH, _D), jnp.float32),
            pltpu.SemaphoreType.DMA,
        ],
    )
    def gather(x_hbm, idx_hbm, xj_hbm, idx_v, rows_v, sem):
        wid = lax.axis_index("s") * _NC + lax.axis_index("c")
        base = wid * _EW

        def chunk(c, carry):
            eb = base + c * _ECH
            pltpu.sync_copy(idx_hbm.at[pl.ds(eb, _ECH)], idx_v)
            pltpu.async_copy(x_hbm.at[idx_v], rows_v, sem).wait()
            pltpu.sync_copy(rows_v, xj_hbm.at[pl.ds(eb, _ECH)])
            return carry

        lax.fori_loop(0, n_chunks, chunk, 0)

    return gather


_GATHER = None


def _gather_rows(x_pad, idx_e):
    global _GATHER
    if _GATHER is None:
        _GATHER = _make_gather()
    return _GATHER(x_pad, idx_e)



def _edge_h(xi, xj, w_ref, b_ref):
    m = jnp.concatenate([xi - xj, xj], axis=1)
    return jnp.dot(m, w_ref[...],
                   preferred_element_type=jnp.float32) + b_ref[...]


def _stats_body(xj_ref, xi_ref, w_ref, b_ref, out_ref):
    k = pl.program_id(0)
    t = pl.program_id(1)
    h = _edge_h(xi_ref[...], xj_ref[0], w_ref, b_ref)
    r0 = jnp.sum(h, axis=0)
    r1 = jnp.sum(h * h, axis=0)
    rio = lax.broadcasted_iota(jnp.int32, (16, h.shape[-1]), 0)
    part = (jnp.where(rio == k, r0[None, :], 0.0)
            + jnp.where(rio == k + 8, r1[None, :], 0.0))

    @pl.when(jnp.logical_and(k == 0, t == 0))
    def _():
        out_ref[...] = jnp.zeros_like(out_ref)

    out_ref[...] += part


def _bn_stats(xj3, x_pad, w, bvec):
    dout = w.shape[-1]
    return pl.pallas_call(
        _stats_body,
        grid=(_K, _N // _EPS),
        in_specs=[
            pl.BlockSpec((1, _EPS, _D), lambda k, t: (k, t, 0)),
            pl.BlockSpec((_EPS, _D), lambda k, t: (t, 0)),
            pl.BlockSpec((2 * _D, dout), lambda k, t: (0, 0)),
            pl.BlockSpec((1, dout), lambda k, t: (0, 0)),
        ],
        out_specs=pl.BlockSpec((16, dout), lambda k, t: (0, 0)),
        out_shape=jax.ShapeDtypeStruct((16, dout), jnp.float32),
    )(xj3, x_pad, w, bvec)



def _out_body(xj_ref, xi_ref, w_ref, b_ref, st_ref, g_ref, be_ref, out_ref,
              *, dpad):
    xi = xi_ref[...]
    hmax = _edge_h(xi, xj_ref[0], w_ref, b_ref)
    for k in range(1, _K):
        hmax = jnp.maximum(hmax, _edge_h(xi, xj_ref[k], w_ref, b_ref))
    st = st_ref[...]
    inv_e = jnp.float32(1.0 / _E)
    s1 = ((st[0] + st[1]) + (st[2] + st[3])) \
        + ((st[4] + st[5]) + (st[6] + st[7]))
    s2 = ((st[8] + st[9]) + (st[10] + st[11])) \
        + ((st[12] + st[13]) + (st[14] + st[15]))
    mu = s1 * inv_e
    var = s2 * inv_e - mu * mu
    t = g_ref[...] * (hmax - mu[None, :])
    t = t / jnp.sqrt(var + 1e-5)[None, :]
    o = jnp.maximum(t + be_ref[...], 0.0)
    if dpad:
        o = jnp.pad(o, ((0, 0), (0, dpad)))
    out_ref[...] = o


def _edge_out(xj3, x_pad, w, bvec, st, g, be):
    dout = w.shape[-1]
    dpad = max(_D - dout, 0)
    return pl.pallas_call(
        functools.partial(_out_body, dpad=dpad),
        grid=(_N // _EPO,),
        in_specs=[
            pl.BlockSpec((_K, _EPO, _D), lambda t: (0, t, 0)),
            pl.BlockSpec((_EPO, _D), lambda t: (t, 0)),
            pl.BlockSpec((2 * _D, dout), lambda t: (0, 0)),
            pl.BlockSpec((1, dout), lambda t: (0, 0)),
            pl.BlockSpec((16, dout), lambda t: (0, 0)),
            pl.BlockSpec((1, dout), lambda t: (0, 0)),
            pl.BlockSpec((1, dout), lambda t: (0, 0)),
        ],
        out_specs=pl.BlockSpec((_EPO, dout + dpad), lambda t: (t, 0)),
        out_shape=jax.ShapeDtypeStruct((_N, dout + dpad), jnp.float32),
    )(xj3, x_pad, w, bvec, st, g, be)



def _pool_body(x_ref, out_ref):
    out_ref[0, 0] = jnp.max(x_ref[0], axis=0)


def _pool(x3):
    d = x3.shape[-1]
    return pl.pallas_call(
        _pool_body,
        grid=(_B,),
        in_specs=[pl.BlockSpec((1, _P, d), lambda b: (b, 0, 0))],
        out_specs=pl.BlockSpec((1, 1, d), lambda b: (b, 0, 0)),
        out_shape=jax.ShapeDtypeStruct((_B, 1, d), jnp.float32),
    )(x3).reshape(_B, d)


def _head_body(p_ref, w1_ref, b1_ref, w2_ref, b2_ref, out_ref):
    h = jnp.dot(p_ref[...], w1_ref[...],
                preferred_element_type=jnp.float32) + b1_ref[...]
    h = jnp.maximum(h, 0.0)
    out_ref[...] = jnp.dot(h, w2_ref[...],
                           preferred_element_type=jnp.float32) + b2_ref[...]


def _head(pooled, wc1, bc1, wc2, bc2):
    return pl.pallas_call(
        _head_body,
        out_shape=jax.ShapeDtypeStruct((_B, 40), jnp.float32),
    )(pooled, wc1, bc1.reshape(1, -1), wc2, bc2.reshape(1, -1))



def _edge_layer(x_pad, w, bvec, g, be):
    din = w.shape[0] // 2
    dout = w.shape[-1]
    wp = jnp.zeros((2 * _D, dout), jnp.float32)
    wp = wp.at[:din].set(w[:din]).at[_D:_D + din].set(w[din:])
    idx = _knn(x_pad.reshape(_B, _P, _D))
    idx_e = idx.reshape(_N, _K).transpose(1, 0).reshape(_E)
    xj = _gather_rows(x_pad, idx_e)
    xj3 = xj.reshape(_K, _N, _D)
    st = _bn_stats(xj3, x_pad, wp, bvec.reshape(1, dout))
    return _edge_out(xj3, x_pad, wp, bvec.reshape(1, dout), st,
                     g.reshape(1, dout), be.reshape(1, dout))


def kernel(pos, batch, W1, b1, g1, be1, W2, b2, g2, be2, W3, b3, g3, be3,
           W4, b4, g4, be4, Wc1, bc1, Wc2, bc2):
    x = jnp.pad(pos, ((0, 0), (0, _D - pos.shape[-1])))
    x = _edge_layer(x, W1, b1, g1, be1)
    x = _edge_layer(x, W2, b2, g2, be2)
    x = _edge_layer(x, W3, b3, g3, be3)
    x = _edge_layer(x, W4, b4, g4, be4)
    pooled = _pool(x.reshape(_B, _P, x.shape[-1]))
    return _head(pooled, Wc1, bc1, Wc2, bc2)

# --- scband reference (transcript-rebuilt; emitter-appended) ---
"""Pipeline reference for scband-dgcnn-61959198212099 (READ-ONLY COPY).

The authoritative reference and input builder live on the scoring server;
editing this copy changes nothing except your own understanding.
"""

import jax, jax.numpy as jnp
import numpy as np

B, P, K = 16, 1024, 8

def _knn_idx(x):
    xb = x.reshape(B, P, -1)
    sq = jnp.sum(xb * xb, axis=-1)
    d = sq[:, :, None] + sq[:, None, :] - 2.0 * jnp.einsum('bpd,bqd->bpq', xb, xb)
    d = d + jnp.eye(P, dtype=x.dtype)[None, :, :] * 1e10
    _, idx = jax.lax.top_k(-d, K)
    return idx

def _edge_conv(x, W, b, gamma, beta):
    idx = _knn_idx(x)
    xb = x.reshape(B, P, -1)
    x_j = jax.vmap(lambda a, i: jnp.take(a, i, axis=0))(xb, idx)
    x_i = jnp.broadcast_to(xb[:, :, None, :], x_j.shape)
    m = jnp.concatenate([x_i - x_j, x_j], axis=-1).reshape(B * P * K, -1)
    h = m @ W + b
    mu = jnp.mean(h, axis=0)
    var = jnp.var(h, axis=0)
    h = gamma * (h - mu) / jnp.sqrt(var + 1e-5) + beta
    h = jax.nn.relu(h)
    return h.reshape(B, P, K, -1).max(axis=2).reshape(B * P, -1)

def _forward(pos, W1, b1, g1, be1, W2, b2, g2, be2, W3, b3, g3, be3, W4, b4, g4, be4, Wc1, bc1, Wc2, bc2):
    x = _edge_conv(pos, W1, b1, g1, be1)
    x = _edge_conv(x, W2, b2, g2, be2)
    x = _edge_conv(x, W3, b3, g3, be3)
    x = _edge_conv(x, W4, b4, g4, be4)
    x = x.reshape(B, P, -1).max(axis=1)
    x = jax.nn.relu(x @ Wc1 + bc1)
    return x @ Wc2 + bc2

def setup_inputs(seed: int = 0):
    key = jax.random.key(seed)
    ks = jax.random.split(key, 12)
    def rn(k, shape):
        return jax.random.normal(k, shape, dtype=jnp.float32) * 0.05
    inp = {}
    inp['pos'] = jax.random.normal(ks[0], (B * P, 3), dtype=jnp.float32)
    inp['batch'] = jnp.repeat(jnp.arange(B, dtype=jnp.int32), P)
    dims = [(3, 64), (64, 64), (64, 128), (128, 256)]
    for li, (din, dout) in enumerate(dims):
        inp['W%d' % (li + 1)] = rn(ks[1 + li], (2 * din, dout))
        inp['b%d' % (li + 1)] = jnp.zeros((dout,), dtype=jnp.float32)
        inp['g%d' % (li + 1)] = jnp.ones((dout,), dtype=jnp.float32)
        inp['be%d' % (li + 1)] = jnp.zeros((dout,), dtype=jnp.float32)
    inp['Wc1'] = rn(ks[5], (256, 512))
    inp['bc1'] = jnp.zeros((512,), dtype=jnp.float32)
    inp['Wc2'] = rn(ks[6], (512, 40))
    inp['bc2'] = jnp.zeros((40,), dtype=jnp.float32)
    return inp

def reference(pos, batch, W1, b1, g1, be1, W2, b2, g2, be2, W3, b3, g3, be3, W4, b4, g4, be4, Wc1, bc1, Wc2, bc2):
    return _forward(pos, W1, b1, g1, be1, W2, b2, g2, be2, W3, b3, g3, be3, W4, b4, g4, be4, Wc1, bc1, Wc2, bc2)

if __name__ == "__main__":
    import jax
    _d = setup_inputs()
    print(jax.jit(kernel)(*tuple(_d.values())))

</pallas_src>

<mosaic_0001>
#map = affine_map<(d0, d1) -> (0, 0)>
#map1 = affine_map<(d0, d1) -> (0)>
module attributes {stable_mosaic.version = 14 : i64} {
  func.func @gather(%arg0: i32, %arg1: i32, %arg2: memref<16384x128xf32, #tpu.memory_space<hbm>>, %arg3: memref<131072xi32, #tpu.memory_space<hbm>>, %arg4: memref<131072x128xf32, #tpu.memory_space<hbm>>, %arg5: memref<128xi32, #tpu.memory_space<vmem>>, %arg6: memref<128x128xf32, #tpu.memory_space<vmem>>, %arg7: memref<!tpu.dma_semaphore, #tpu.memory_space<semaphore_mem>>) attributes {dimension_semantics = [#tpu.dimension_semantics<core_parallel>, #tpu.dimension_semantics<subcore_parallel>], iteration_bounds = array<i64: 2, 16>, scalar_prefetch = 0 : i64, scratch_operands = 3 : i64, tpu.core_type = #tpu.core_type<sc_vector_subcore>, window_params = [{transform_indices = #map}, {transform_indices = #map1}, {transform_indices = #map}]} {
    %mul3A = arith.constant 2 : i32
    %mul3A_0 = arith.muli %arg1, %mul3A : i32
    %add3A = arith.addi %mul3A_0, %arg0 : i32
    %mul3A_1 = arith.constant 4096 : i32
    %mul3A_2 = arith.muli %add3A, %mul3A_1 : i32
    %scan3A = arith.constant 0 : i32
    %scan3A_3 = arith.constant 0 : i32
    %scan3A_4 = arith.constant 32 : i32
    %scan3A_5 = arith.addi %scan3A_3, %scan3A_4 : i32
    %scan3A_6 = arith.constant 1 : i32
    scf.for %scan3A_8 = %scan3A_3 to %scan3A_5 step %scan3A_6  : i32 {
      %mul3A_9 = arith.constant 128 : i32
      %mul3A_10 = arith.muli %scan3A_8, %mul3A_9 : i32
      %add3A_11 = arith.addi %mul3A_2, %mul3A_10 : i32
      "tpu.region"() ({
        %run_scoped3A = tpu.sem_alloc : memref<!tpu.dma_semaphore, #tpu.memory_space<semaphore_mem>>
        %dma_start3A_16 = tpu.memref_slice %arg3[%add3A_11] : memref<131072xi32, #tpu.memory_space<hbm>> -> memref<128xi32, #tpu.memory_space<hbm>>
        %dma_start3A_17 = tpu.memref_slice %arg3[%add3A_11] : memref<131072xi32, #tpu.memory_space<hbm>> -> memref<128xi32, #tpu.memory_space<hbm>>
        tpu.enqueue_dma source(%dma_start3A_17 : memref<128xi32, #tpu.memory_space<hbm>>) target(%arg5 : memref<128xi32, #tpu.memory_space<vmem>>) target_semaphore(%run_scoped3A : memref<!tpu.dma_semaphore, #tpu.memory_space<semaphore_mem>>)
        %dma_wait3A_18 = tpu.memref_slice %arg3[%add3A_11] : memref<131072xi32, #tpu.memory_space<hbm>> -> memref<128xi32, #tpu.memory_space<hbm>>
        %dma_wait3A_19 = tpu.memref_slice %arg3[%add3A_11] : memref<131072xi32, #tpu.memory_space<hbm>> -> memref<128xi32, #tpu.memory_space<hbm>>
        tpu.wait_dma2 semaphore(%run_scoped3A : memref<!tpu.dma_semaphore, #tpu.memory_space<semaphore_mem>>) src(%dma_wait3A_19 : memref<128xi32, #tpu.memory_space<hbm>>) dst(%arg5 : memref<128xi32, #tpu.memory_space<vmem>>)
        tpu.yield
      }) : () -> ()
      %dma_start3A = arith.constant 0 : i32
      %dma_start3A_12 = arith.constant 0 : i32
      %dma_start3A_13 = tpu.memref_slice %arg2[%dma_start3A, %dma_start3A_12] : memref<16384x128xf32, #tpu.memory_space<hbm>> -> memref<16384x128xf32, #tpu.memory_space<hbm>>
      tpu.enqueue_indirect_dma source(%dma_start3A_13 : memref<16384x128xf32, #tpu.memory_space<hbm>>) target(%arg6 : memref<128x128xf32, #tpu.memory_space<vmem>>) offsets(%arg5 : memref<128xi32, #tpu.memory_space<vmem>>) semaphore(%arg7 : memref<!tpu.dma_semaphore, #tpu.memory_space<semaphore_mem>>)
      %dma_wait3A = arith.constant 0 : i32
      %dma_wait3A_14 = arith.constant 0 : i32
      %dma_wait3A_15 = tpu.memref_slice %arg2[%dma_wait3A, %dma_wait3A_14] : memref<16384x128xf32, #tpu.memory_space<hbm>> -> memref<16384x128xf32, #tpu.memory_space<hbm>>
      tpu.wait_indirect_dma semaphore(%arg7 : memref<!tpu.dma_semaphore, #tpu.memory_space<semaphore_mem>>) src(%dma_wait3A_15 : memref<16384x128xf32, #tpu.memory_space<hbm>>) dst(%arg6 : memref<128x128xf32, #tpu.memory_space<vmem>>)
      "tpu.region"() ({
        %run_scoped3A = tpu.sem_alloc : memref<!tpu.dma_semaphore, #tpu.memory_space<semaphore_mem>>
        %dma_start3A_16 = arith.constant 0 : i32
        %dma_start3A_17 = tpu.memref_slice %arg4[%add3A_11, %dma_start3A_16] : memref<131072x128xf32, #tpu.memory_space<hbm>> -> memref<128x128xf32, #tpu.memory_space<hbm>>
        %dma_start3A_18 = arith.constant 0 : i32
        %dma_start3A_19 = tpu.memref_slice %arg4[%add3A_11, %dma_start3A_18] : memref<131072x128xf32, #tpu.memory_space<hbm>> -> memref<128x128xf32, #tpu.memory_space<hbm>>
        tpu.enqueue_dma source(%arg6 : memref<128x128xf32, #tpu.memory_space<vmem>>) target(%dma_start3A_19 : memref<128x128xf32, #tpu.memory_space<hbm>>) target_semaphore(%run_scoped3A : memref<!tpu.dma_semaphore, #tpu.memory_space<semaphore_mem>>)
        %dma_wait3A_20 = arith.constant 0 : i32
        %dma_wait3A_21 = tpu.memref_slice %arg4[%add3A_11, %dma_wait3A_20] : memref<131072x128xf32, #tpu.memory_space<hbm>> -> memref<128x128xf32, #tpu.memory_space<hbm>>
        %dma_wait3A_22 = arith.constant 0 : i32
        %dma_wait3A_23 = tpu.memref_slice %arg4[%add3A_11, %dma_wait3A_22] : memref<131072x128xf32, #tpu.memory_space<hbm>> -> memref<128x128xf32, #tpu.memory_space<hbm>>
        tpu.wait_dma2 semaphore(%run_scoped3A : memref<!tpu.dma_semaphore, #tpu.memory_space<semaphore_mem>>) src(%arg6 : memref<128x128xf32, #tpu.memory_space<vmem>>) dst(%dma_wait3A_23 : memref<128x128xf32, #tpu.memory_space<hbm>>)
        tpu.yield
      }) : () -> ()
    }
    %scan3A_7 = arith.constant 32 : i32
    return
  }
}

#map = affine_map<(d0, d1) -> (0, 0)>
#map1 = affine_map<(d0, d1) -> (0)>
module attributes {stable_mosaic.version = 14 : i64} {
  func.func @gather(%arg0: i32, %arg1: i32, %arg2: memref<16384x128xf32, #tpu.memory_space<hbm>>, %arg3: memref<131072xi32, #tpu.memory_space<hbm>>, %arg4: memref<131072x128xf32, #tpu.memory_space<hbm>>, %arg5: memref<128xi32, #tpu.memory_space<vmem>>, %arg6: memref<128x128xf32, #tpu.memory_space<vmem>>, %arg7: memref<!tpu.dma_semaphore, #tpu.memory_space<semaphore_mem>>) attributes {dimension_semantics = [#tpu.dimension_semantics<core_parallel>, #tpu.dimension_semantics<subcore_parallel>], iteration_bounds = array<i64: 2, 16>, scalar_prefetch = 0 : i64, scratch_operands = 3 : i64, tpu.core_type = #tpu.core_type<sc_vector_subcore>, window_params = [{transform_indices = #map}, {transform_indices = #map1}, {transform_indices = #map}]} {
    %mul3A = arith.constant 2 : i32
    %mul3A_0 = arith.muli %arg1, %mul3A : i32
    %add3A = arith.addi %mul3A_0, %arg0 : i32
    %mul3A_1 = arith.constant 4096 : i32
    %mul3A_2 = arith.muli %add3A, %mul3A_1 : i32
    %scan3A = arith.constant 0 : i32
    %scan3A_3 = arith.constant 0 : i32
    %scan3A_4 = arith.constant 32 : i32
    %scan3A_5 = arith.addi %scan3A_3, %scan3A_4 : i32
    %scan3A_6 = arith.constant 1 : i32
    scf.for %scan3A_8 = %scan3A_3 to %scan3A_5 step %scan3A_6  : i32 {
      %mul3A_9 = arith.constant 128 : i32
      %mul3A_10 = arith.muli %scan3A_8, %mul3A_9 : i32
      %add3A_11 = arith.addi %mul3A_2, %mul3A_10 : i32
      "tpu.region"() ({
        %run_scoped3A = tpu.sem_alloc : memref<!tpu.dma_semaphore, #tpu.memory_space<semaphore_mem>>
        %dma_start3A_16 = tpu.memref_slice %arg3[%add3A_11] : memref<131072xi32, #tpu.memory_space<hbm>> -> memref<128xi32, #tpu.memory_space<hbm>>
        %dma_start3A_17 = tpu.memref_slice %arg3[%add3A_11] : memref<131072xi32, #tpu.memory_space<hbm>> -> memref<128xi32, #tpu.memory_space<hbm>>
        tpu.enqueue_dma source(%dma_start3A_17 : memref<128xi32, #tpu.memory_space<hbm>>) target(%arg5 : memref<128xi32, #tpu.memory_space<vmem>>) target_semaphore(%run_scoped3A : memref<!tpu.dma_semaphore, #tpu.memory_space<semaphore_mem>>)
        %dma_wait3A_18 = tpu.memref_slice %arg3[%add3A_11] : memref<131072xi32, #tpu.memory_space<hbm>> -> memref<128xi32, #tpu.memory_space<hbm>>
        %dma_wait3A_19 = tpu.memref_slice %arg3[%add3A_11] : memref<131072xi32, #tpu.memory_space<hbm>> -> memref<128xi32, #tpu.memory_space<hbm>>
        tpu.wait_dma2 semaphore(%run_scoped3A : memref<!tpu.dma_semaphore, #tpu.memory_space<semaphore_mem>>) src(%dma_wait3A_19 : memref<128xi32, #tpu.memory_space<hbm>>) dst(%arg5 : memref<128xi32, #tpu.memory_space<vmem>>)
        tpu.yield
      }) : () -> ()
      %dma_start3A = arith.constant 0 : i32
      %dma_start3A_12 = arith.constant 0 : i32
      %dma_start3A_13 = tpu.memref_slice %arg2[%dma_start3A, %dma_start3A_12] : memref<16384x128xf32, #tpu.memory_space<hbm>> -> memref<16384x128xf32, #tpu.memory_space<hbm>>
      tpu.enqueue_indirect_dma source(%dma_start3A_13 : memref<16384x128xf32, #tpu.memory_space<hbm>>) target(%arg6 : memref<128x128xf32, #tpu.memory_space<vmem>>) offsets(%arg5 : memref<128xi32, #tpu.memory_space<vmem>>) semaphore(%arg7 : memref<!tpu.dma_semaphore, #tpu.memory_space<semaphore_mem>>)
      %dma_wait3A = arith.constant 0 : i32
      %dma_wait3A_14 = arith.constant 0 : i32
      %dma_wait3A_15 = tpu.memref_slice %arg2[%dma_wait3A, %dma_wait3A_14] : memref<16384x128xf32, #tpu.memory_space<hbm>> -> memref<16384x128xf32, #tpu.memory_space<hbm>>
      tpu.wait_indirect_dma semaphore(%arg7 : memref<!tpu.dma_semaphore, #tpu.memory_space<semaphore_mem>>) src(%dma_wait3A_15 : memref<16384x128xf32, #tpu.memory_space<hbm>>) dst(%arg6 : memref<128x128xf32, #tpu.memory_space<vmem>>)
      "tpu.region"() ({
        %run_scoped3A = tpu.sem_alloc : memref<!tpu.dma_semaphore, #tpu.memory_space<semaphore_mem>>
        %dma_start3A_16 = arith.constant 0 : i32
        %dma_start3A_17 = tpu.memref_slice %arg4[%add3A_11, %dma_start3A_16] : memref<131072x128xf32, #tpu.memory_space<hbm>> -> memref<128x128xf32, #tpu.memory_space<hbm>>
        %dma_start3A_18 = arith.constant 0 : i32
        %dma_start3A_19 = tpu.memref_slice %arg4[%add3A_11, %dma_start3A_18] : memref<131072x128xf32, #tpu.memory_space<hbm>> -> memref<128x128xf32, #tpu.memory_space<hbm>>
        tpu.enqueue_dma source(%arg6 : memref<128x128xf32, #tpu.memory_space<vmem>>) target(%dma_start3A_19 : memref<128x128xf32, #tpu.memory_space<hbm>>) target_semaphore(%run_scoped3A : memref<!tpu.dma_semaphore, #tpu.memory_space<semaphore_mem>>)
        %dma_wait3A_20 = arith.constant 0 : i32
        %dma_wait3A_21 = tpu.memref_slice %arg4[%add3A_11, %dma_wait3A_20] : memref<131072x128xf32, #tpu.memory_space<hbm>> -> memref<128x128xf32, #tpu.memory_space<hbm>>
        %dma_wait3A_22 = arith.constant 0 : i32
        %dma_wait3A_23 = tpu.memref_slice %arg4[%add3A_11, %dma_wait3A_22] : memref<131072x128xf32, #tpu.memory_space<hbm>> -> memref<128x128xf32, #tpu.memory_space<hbm>>
        tpu.wait_dma2 semaphore(%run_scoped3A : memref<!tpu.dma_semaphore, #tpu.memory_space<semaphore_mem>>) src(%arg6 : memref<128x128xf32, #tpu.memory_space<vmem>>) dst(%dma_wait3A_23 : memref<128x128xf32, #tpu.memory_space<hbm>>)
        tpu.yield
      }) : () -> ()
    }
    %scan3A_7 = arith.constant 32 : i32
    return
  }
}

#map = affine_map<(d0, d1) -> (0, 0)>
#map1 = affine_map<(d0, d1) -> (0)>
module attributes {stable_mosaic.version = 14 : i64} {
  func.func @gather(%arg0: i32, %arg1: i32, %arg2: memref<16384x128xf32, #tpu.memory_space<hbm>>, %arg3: memref<131072xi32, #tpu.memory_space<hbm>>, %arg4: memref<131072x128xf32, #tpu.memory_space<hbm>>, %arg5: memref<128xi32, #tpu.memory_space<vmem>>, %arg6: memref<128x128xf32, #tpu.memory_space<vmem>>, %arg7: memref<!tpu.dma_semaphore, #tpu.memory_space<semaphore_mem>>) attributes {dimension_semantics = [#tpu.dimension_semantics<core_parallel>, #tpu.dimension_semantics<subcore_parallel>], iteration_bounds = array<i64: 2, 16>, scalar_prefetch = 0 : i64, scratch_operands = 3 : i64, tpu.core_type = #tpu.core_type<sc_vector_subcore>, window_params = [{transform_indices = #map}, {transform_indices = #map1}, {transform_indices = #map}]} {
    %mul3A = arith.constant 2 : i32
    %mul3A_0 = arith.muli %arg1, %mul3A : i32
    %add3A = arith.addi %mul3A_0, %arg0 : i32
    %mul3A_1 = arith.constant 4096 : i32
    %mul3A_2 = arith.muli %add3A, %mul3A_1 : i32
    %scan3A = arith.constant 0 : i32
    %scan3A_3 = arith.constant 0 : i32
    %scan3A_4 = arith.constant 32 : i32
    %scan3A_5 = arith.addi %scan3A_3, %scan3A_4 : i32
    %scan3A_6 = arith.constant 1 : i32
    scf.for %scan3A_8 = %scan3A_3 to %scan3A_5 step %scan3A_6  : i32 {
      %mul3A_9 = arith.constant 128 : i32
      %mul3A_10 = arith.muli %scan3A_8, %mul3A_9 : i32
      %add3A_11 = arith.addi %mul3A_2, %mul3A_10 : i32
      "tpu.region"() ({
        %run_scoped3A = tpu.sem_alloc : memref<!tpu.dma_semaphore, #tpu.memory_space<semaphore_mem>>
        %dma_start3A_16 = tpu.memref_slice %arg3[%add3A_11] : memref<131072xi32, #tpu.memory_space<hbm>> -> memref<128xi32, #tpu.memory_space<hbm>>
        %dma_start3A_17 = tpu.memref_slice %arg3[%add3A_11] : memref<131072xi32, #tpu.memory_space<hbm>> -> memref<128xi32, #tpu.memory_space<hbm>>
        tpu.enqueue_dma source(%dma_start3A_17 : memref<128xi32, #tpu.memory_space<hbm>>) target(%arg5 : memref<128xi32, #tpu.memory_space<vmem>>) target_semaphore(%run_scoped3A : memref<!tpu.dma_semaphore, #tpu.memory_space<semaphore_mem>>)
        %dma_wait3A_18 = tpu.memref_slice %arg3[%add3A_11] : memref<131072xi32, #tpu.memory_space<hbm>> -> memref<128xi32, #tpu.memory_space<hbm>>
        %dma_wait3A_19 = tpu.memref_slice %arg3[%add3A_11] : memref<131072xi32, #tpu.memory_space<hbm>> -> memref<128xi32, #tpu.memory_space<hbm>>
        tpu.wait_dma2 semaphore(%run_scoped3A : memref<!tpu.dma_semaphore, #tpu.memory_space<semaphore_mem>>) src(%dma_wait3A_19 : memref<128xi32, #tpu.memory_space<hbm>>) dst(%arg5 : memref<128xi32, #tpu.memory_space<vmem>>)
        tpu.yield
      }) : () -> ()
      %dma_start3A = arith.constant 0 : i32
      %dma_start3A_12 = arith.constant 0 : i32
      %dma_start3A_13 = tpu.memref_slice %arg2[%dma_start3A, %dma_start3A_12] : memref<16384x128xf32, #tpu.memory_space<hbm>> -> memref<16384x128xf32, #tpu.memory_space<hbm>>
      tpu.enqueue_indirect_dma source(%dma_start3A_13 : memref<16384x128xf32, #tpu.memory_space<hbm>>) target(%arg6 : memref<128x128xf32, #tpu.memory_space<vmem>>) offsets(%arg5 : memref<128xi32, #tpu.memory_space<vmem>>) semaphore(%arg7 : memref<!tpu.dma_semaphore, #tpu.memory_space<semaphore_mem>>)
      %dma_wait3A = arith.constant 0 : i32
      %dma_wait3A_14 = arith.constant 0 : i32
      %dma_wait3A_15 = tpu.memref_slice %arg2[%dma_wait3A, %dma_wait3A_14] : memref<16384x128xf32, #tpu.memory_space<hbm>> -> memref<16384x128xf32, #tpu.memory_space<hbm>>
      tpu.wait_indirect_dma semaphore(%arg7 : memref<!tpu.dma_semaphore, #tpu.memory_space<semaphore_mem>>) src(%dma_wait3A_15 : memref<16384x128xf32, #tpu.memory_space<hbm>>) dst(%arg6 : memref<128x128xf32, #tpu.memory_space<vmem>>)
      "tpu.region"() ({
        %run_scoped3A = tpu.sem_alloc : memref<!tpu.dma_semaphore, #tpu.memory_space<semaphore_mem>>
        %dma_start3A_16 = arith.constant 0 : i32
        %dma_start3A_17 = tpu.memref_slice %arg4[%add3A_11, %dma_start3A_16] : memref<131072x128xf32, #tpu.memory_space<hbm>> -> memref<128x128xf32, #tpu.memory_space<hbm>>
        %dma_start3A_18 = arith.constant 0 : i32
        %dma_start3A_19 = tpu.memref_slice %arg4[%add3A_11, %dma_start3A_18] : memref<131072x128xf32, #tpu.memory_space<hbm>> -> memref<128x128xf32, #tpu.memory_space<hbm>>
        tpu.enqueue_dma source(%arg6 : memref<128x128xf32, #tpu.memory_space<vmem>>) target(%dma_start3A_19 : memref<128x128xf32, #tpu.memory_space<hbm>>) target_semaphore(%run_scoped3A : memref<!tpu.dma_semaphore, #tpu.memory_space<semaphore_mem>>)
        %dma_wait3A_20 = arith.constant 0 : i32
        %dma_wait3A_21 = tpu.memref_slice %arg4[%add3A_11, %dma_wait3A_20] : memref<131072x128xf32, #tpu.memory_space<hbm>> -> memref<128x128xf32, #tpu.memory_space<hbm>>
        %dma_wait3A_22 = arith.constant 0 : i32
        %dma_wait3A_23 = tpu.memref_slice %arg4[%add3A_11, %dma_wait3A_22] : memref<131072x128xf32, #tpu.memory_space<hbm>> -> memref<128x128xf32, #tpu.memory_space<hbm>>
        tpu.wait_dma2 semaphore(%run_scoped3A : memref<!tpu.dma_semaphore, #tpu.memory_space<semaphore_mem>>) src(%arg6 : memref<128x128xf32, #tpu.memory_space<vmem>>) dst(%dma_wait3A_23 : memref<128x128xf32, #tpu.memory_space<hbm>>)
        tpu.yield
      }) : () -> ()
    }
    %scan3A_7 = arith.constant 32 : i32
    return
  }
}

#map = affine_map<(d0, d1) -> (0, 0)>
#map1 = affine_map<(d0, d1) -> (0)>
module attributes {stable_mosaic.version = 14 : i64} {
  func.func @gather(%arg0: i32, %arg1: i32, %arg2: memref<16384x128xf32, #tpu.memory_space<hbm>>, %arg3: memref<131072xi32, #tpu.memory_space<hbm>>, %arg4: memref<131072x128xf32, #tpu.memory_space<hbm>>, %arg5: memref<128xi32, #tpu.memory_space<vmem>>, %arg6: memref<128x128xf32, #tpu.memory_space<vmem>>, %arg7: memref<!tpu.dma_semaphore, #tpu.memory_space<semaphore_mem>>) attributes {dimension_semantics = [#tpu.dimension_semantics<core_parallel>, #tpu.dimension_semantics<subcore_parallel>], iteration_bounds = array<i64: 2, 16>, scalar_prefetch = 0 : i64, scratch_operands = 3 : i64, tpu.core_type = #tpu.core_type<sc_vector_subcore>, window_params = [{transform_indices = #map}, {transform_indices = #map1}, {transform_indices = #map}]} {
    %mul3A = arith.constant 2 : i32
    %mul3A_0 = arith.muli %arg1, %mul3A : i32
    %add3A = arith.addi %mul3A_0, %arg0 : i32
    %mul3A_1 = arith.constant 4096 : i32
    %mul3A_2 = arith.muli %add3A, %mul3A_1 : i32
    %scan3A = arith.constant 0 : i32
    %scan3A_3 = arith.constant 0 : i32
    %scan3A_4 = arith.constant 32 : i32
    %scan3A_5 = arith.addi %scan3A_3, %scan3A_4 : i32
    %scan3A_6 = arith.constant 1 : i32
    scf.for %scan3A_8 = %scan3A_3 to %scan3A_5 step %scan3A_6  : i32 {
      %mul3A_9 = arith.constant 128 : i32
      %mul3A_10 = arith.muli %scan3A_8, %mul3A_9 : i32
      %add3A_11 = arith.addi %mul3A_2, %mul3A_10 : i32
      "tpu.region"() ({
        %run_scoped3A = tpu.sem_alloc : memref<!tpu.dma_semaphore, #tpu.memory_space<semaphore_mem>>
        %dma_start3A_16 = tpu.memref_slice %arg3[%add3A_11] : memref<131072xi32, #tpu.memory_space<hbm>> -> memref<128xi32, #tpu.memory_space<hbm>>
        %dma_start3A_17 = tpu.memref_slice %arg3[%add3A_11] : memref<131072xi32, #tpu.memory_space<hbm>> -> memref<128xi32, #tpu.memory_space<hbm>>
        tpu.enqueue_dma source(%dma_start3A_17 : memref<128xi32, #tpu.memory_space<hbm>>) target(%arg5 : memref<128xi32, #tpu.memory_space<vmem>>) target_semaphore(%run_scoped3A : memref<!tpu.dma_semaphore, #tpu.memory_space<semaphore_mem>>)
        %dma_wait3A_18 = tpu.memref_slice %arg3[%add3A_11] : memref<131072xi32, #tpu.memory_space<hbm>> -> memref<128xi32, #tpu.memory_space<hbm>>
        %dma_wait3A_19 = tpu.memref_slice %arg3[%add3A_11] : memref<131072xi32, #tpu.memory_space<hbm>> -> memref<128xi32, #tpu.memory_space<hbm>>
        tpu.wait_dma2 semaphore(%run_scoped3A : memref<!tpu.dma_semaphore, #tpu.memory_space<semaphore_mem>>) src(%dma_wait3A_19 : memref<128xi32, #tpu.memory_space<hbm>>) dst(%arg5 : memref<128xi32, #tpu.memory_space<vmem>>)
        tpu.yield
      }) : () -> ()
      %dma_start3A = arith.constant 0 : i32
      %dma_start3A_12 = arith.constant 0 : i32
      %dma_start3A_13 = tpu.memref_slice %arg2[%dma_start3A, %dma_start3A_12] : memref<16384x128xf32, #tpu.memory_space<hbm>> -> memref<16384x128xf32, #tpu.memory_space<hbm>>
      tpu.enqueue_indirect_dma source(%dma_start3A_13 : memref<16384x128xf32, #tpu.memory_space<hbm>>) target(%arg6 : memref<128x128xf32, #tpu.memory_space<vmem>>) offsets(%arg5 : memref<128xi32, #tpu.memory_space<vmem>>) semaphore(%arg7 : memref<!tpu.dma_semaphore, #tpu.memory_space<semaphore_mem>>)
      %dma_wait3A = arith.constant 0 : i32
      %dma_wait3A_14 = arith.constant 0 : i32
      %dma_wait3A_15 = tpu.memref_slice %arg2[%dma_wait3A, %dma_wait3A_14] : memref<16384x128xf32, #tpu.memory_space<hbm>> -> memref<16384x128xf32, #tpu.memory_space<hbm>>
      tpu.wait_indirect_dma semaphore(%arg7 : memref<!tpu.dma_semaphore, #tpu.memory_space<semaphore_mem>>) src(%dma_wait3A_15 : memref<16384x128xf32, #tpu.memory_space<hbm>>) dst(%arg6 : memref<128x128xf32, #tpu.memory_space<vmem>>)
      "tpu.region"() ({
        %run_scoped3A = tpu.sem_alloc : memref<!tpu.dma_semaphore, #tpu.memory_space<semaphore_mem>>
        %dma_start3A_16 = arith.constant 0 : i32
        %dma_start3A_17 = tpu.memref_slice %arg4[%add3A_11, %dma_start3A_16] : memref<131072x128xf32, #tpu.memory_space<hbm>> -> memref<128x128xf32, #tpu.memory_space<hbm>>
        %dma_start3A_18 = arith.constant 0 : i32
        %dma_start3A_19 = tpu.memref_slice %arg4[%add3A_11, %dma_start3A_18] : memref<131072x128xf32, #tpu.memory_space<hbm>> -> memref<128x128xf32, #tpu.memory_space<hbm>>
        tpu.enqueue_dma source(%arg6 : memref<128x128xf32, #tpu.memory_space<vmem>>) target(%dma_start3A_19 : memref<128x128xf32, #tpu.memory_space<hbm>>) target_semaphore(%run_scoped3A : memref<!tpu.dma_semaphore, #tpu.memory_space<semaphore_mem>>)
        %dma_wait3A_20 = arith.constant 0 : i32
        %dma_wait3A_21 = tpu.memref_slice %arg4[%add3A_11, %dma_wait3A_20] : memref<131072x128xf32, #tpu.memory_space<hbm>> -> memref<128x128xf32, #tpu.memory_space<hbm>>
        %dma_wait3A_22 = arith.constant 0 : i32
        %dma_wait3A_23 = tpu.memref_slice %arg4[%add3A_11, %dma_wait3A_22] : memref<131072x128xf32, #tpu.memory_space<hbm>> -> memref<128x128xf32, #tpu.memory_space<hbm>>
        tpu.wait_dma2 semaphore(%run_scoped3A : memref<!tpu.dma_semaphore, #tpu.memory_space<semaphore_mem>>) src(%arg6 : memref<128x128xf32, #tpu.memory_space<vmem>>) dst(%dma_wait3A_23 : memref<128x128xf32, #tpu.memory_space<hbm>>)
        tpu.yield
      }) : () -> ()
    }
    %scan3A_7 = arith.constant 32 : i32
    return
  }
}

module attributes {stable_mosaic.version = 14 : i64} {
  func.func @_knn_body(%arg0: i32, %arg1: i32, %arg2: memref<1x256x128xf32, #tpu.memory_space<vmem>>, %arg3: memref<1x1024x128xf32, #tpu.memory_space<vmem>>, %arg4: memref<1x256x8xi32, #tpu.memory_space<vmem>>) attributes {dimension_semantics = [#tpu.dimension_semantics<arbitrary>, #tpu.dimension_semantics<arbitrary>], iteration_bounds = array<i64: 16, 4>, scalar_prefetch = 0 : i64, scratch_operands = 0 : i64, tpu.core_type = #tpu.core_type<tc>, window_params = [{transform_indices = @transform_0, window_bounds = array<i64: 1, 256, 128>}, {transform_indices = @transform_1, window_bounds = array<i64: 1, 1024, 128>}, {transform_indices = @transform_2, window_bounds = array<i64: 1, 256, 8>}]} {
    %get3A = arith.constant 0 : index
    %get3A_0 = arith.constant 0 : index
    %get3A_1 = arith.constant 0 : index
    %get3A_2 = vector.load %arg2[%get3A, %get3A_0, %get3A_1] : memref<1x256x128xf32, #tpu.memory_space<vmem>>, vector<1x256x128xf32>
    %get3A_3 = vector.shape_cast %get3A_2 : vector<1x256x128xf32> to vector<256x128xf32>
    %get3A_4 = arith.constant 0 : index
    %get3A_5 = arith.constant 0 : index
    %get3A_6 = arith.constant 0 : index
    %get3A_7 = vector.load %arg3[%get3A_4, %get3A_5, %get3A_6] : memref<1x1024x128xf32, #tpu.memory_space<vmem>>, vector<1x1024x128xf32>
    %get3A_8 = vector.shape_cast %get3A_7 : vector<1x1024x128xf32> to vector<1024x128xf32>
    %dot_general3A = arith.constant dense<0.000000e+00> : vector<256x1024xf32>
    %dot_general3A_9 = tpu.matmul %get3A_3, %get3A_8, %dot_general3A {dimension_numbers = #tpu.dot_dimension_numbers<[1], [1], [0], [0], [0, 0, 1, 0], [], []>, transpose_lhs_hint = false} : vector<256x128xf32>, vector<1024x128xf32>, vector<256x1024xf32> -> vector<256x1024xf32>
    %mul3A = arith.mulf %get3A_8, %get3A_8 : vector<1024x128xf32>
    %reduce_sum3A = arith.constant dense<0.000000e+00> : vector<1024xf32>
    %reduce_sum3A_10 = vector.multi_reduction <add>, %mul3A, %reduce_sum3A [1] : vector<1024x128xf32> to vector<1024xf32>
    %mul3A_11 = arith.mulf %get3A_3, %get3A_3 : vector<256x128xf32>
    %reduce_sum3A_12 = arith.constant dense<0.000000e+00> : vector<256xf32>
    %reduce_sum3A_13 = vector.multi_reduction <add>, %mul3A_11, %reduce_sum3A_12 [1] : vector<256x128xf32> to vector<256xf32>
    %broadcast_in_dim3A = vector.shape_cast %reduce_sum3A_13 : vector<256xf32> to vector<256x1xf32>
    %broadcast_in_dim3A_14 = vector.shape_cast %reduce_sum3A_10 : vector<1024xf32> to vector<1x1024xf32>
    %add3A = vector.broadcast %broadcast_in_dim3A : vector<256x1xf32> to vector<256x1024xf32>
    %add3A_15 = vector.broadcast %broadcast_in_dim3A_14 : vector<1x1024xf32> to vector<256x1024xf32>
    %add3A_16 = arith.addf %add3A, %add3A_15 : vector<256x1024xf32>
    %mul3A_17 = arith.constant 2.000000e+00 : f32
    %mul3A_18 = vector.broadcast %mul3A_17 : f32 to vector<256x1024xf32>
    %mul3A_19 = arith.mulf %mul3A_18, %dot_general3A_9 : vector<256x1024xf32>
    %sub3A = arith.subf %add3A_16, %mul3A_19 : vector<256x1024xf32>
    %iota3A = tpu.iota {dimensions = array<i32: 1>} : vector<256x1024xi32>
    %convert_element_type3A = arith.sitofp %iota3A : vector<256x1024xi32> to vector<256x1024xf32>
    %mul3A_20 = arith.constant 256 : i32
    %mul3A_21 = arith.muli %arg1, %mul3A_20 : i32
    %iota3A_22 = tpu.iota {dimensions = array<i32: 0>} : vector<256x1xi32>
    %add3A_23 = vector.broadcast %mul3A_21 : i32 to vector<256x1xi32>
    %add3A_24 = arith.addi %add3A_23, %iota3A_22 : vector<256x1xi32>
    %convert_element_type3A_25 = arith.sitofp %add3A_24 : vector<256x1xi32> to vector<256x1xf32>
    %eq3A = vector.broadcast %convert_element_type3A_25 : vector<256x1xf32> to vector<256x1024xf32>
    %eq3A_26 = arith.cmpf oeq, %convert_element_type3A, %eq3A : vector<256x1024xf32>
    %add3A_27 = arith.constant 1.000000e+10 : f32
    %add3A_28 = vector.broadcast %add3A_27 : f32 to vector<256x1024xf32>
    %add3A_29 = arith.addf %sub3A, %add3A_28 : vector<256x1024xf32>
    %select_n3A = arith.select %eq3A_26, %add3A_29, %sub3A : vector<256x1024xi1>, vector<256x1024xf32>
    %iota3A_30 = tpu.iota {dimensions = array<i32: 1>} : vector<256x8xi32>
    %broadcast_in_dim3A_31 = arith.constant 0.000000e+00 : f32
    %broadcast_in_dim3A_32 = vector.broadcast %broadcast_in_dim3A_31 : f32 to vector<256x8xf32>
    %reduce_min3A = arith.constant dense<0x7F800000> : vector<256xf32>
    %reduce_min3A_33 = vector.multi_reduction <minimumf>, %select_n3A, %reduce_min3A [1] : vector<256x1024xf32> to vector<256xf32>
    %broadcast_in_dim3A_34 = vector.shape_cast %reduce_min3A_33 : vector<256xf32> to vector<256x1xf32>
    %eq3A_35 = vector.broadcast %broadcast_in_dim3A_34 : vector<256x1xf32> to vector<256x1024xf32>
    %eq3A_36 = arith.cmpf oeq, %select_n3A, %eq3A_35 : vector<256x1024xf32>
    %jit3A = arith.constant 2.000000e+09 : f32
    %broadcast_in_dim3A_37 = vector.broadcast %jit3A : f32 to vector<256x1024xf32>
    %select_n3A_38 = arith.select %eq3A_36, %convert_element_type3A, %broadcast_in_dim3A_37 : vector<256x1024xi1>, vector<256x1024xf32>
    %reduce_min3A_39 = arith.constant dense<0x7F800000> : vector<256xf32>
    %reduce_min3A_40 = vector.multi_reduction <minimumf>, %select_n3A_38, %reduce_min3A_39 [1] : vector<256x1024xf32> to vector<256xf32>
    %broadcast_in_dim3A_41 = vector.shape_cast %reduce_min3A_40 : vector<256xf32> to vector<256x1xf32>
    %eq3A_42 = arith.constant 0 : i32
    %eq3A_43 = vector.broadcast %eq3A_42 : i32 to vector<256x8xi32>
    %eq3A_44 = arith.cmpi eq, %iota3A_30, %eq3A_43 : vector<256x8xi32>
    %broadcast_in_dim3A_45 = vector.shape_cast %broadcast_in_dim3A_41 : vector<256x1xf32> to vector<256x1xf32>
    %broadcast_in_dim3A_46 = vector.broadcast %broadcast_in_dim3A_45 : vector<256x1xf32> to vector<256x8xf32>
    %select_n3A_47 = arith.select %eq3A_44, %broadcast_in_dim3A_46, %broadcast_in_dim3A_32 : vector<256x8xi1>, vector<256x8xf32>
    %eq3A_48 = vector.broadcast %broadcast_in_dim3A_41 : vector<256x1xf32> to vector<256x1024xf32>
    %eq3A_49 = arith.cmpf oeq, %convert_element_type3A, %eq3A_48 : vector<256x1024xf32>
    %jit3A_50 = arith.constant 3.000000e+38 : f32
    %broadcast_in_dim3A_51 = vector.broadcast %jit3A_50 : f32 to vector<256x1024xf32>
    %select_n3A_52 = arith.select %eq3A_49, %broadcast_in_dim3A_51, %select_n3A : vector<256x1024xi1>, vector<256x1024xf32>
    %reduce_min3A_53 = arith.constant dense<0x7F800000> : vector<256xf32>
    %reduce_min3A_54 = vector.multi_reduction <minimumf>, %select_n3A_52, %reduce_min3A_53 [1] : vector<256x1024xf32> to vector<256xf32>
    %broadcast_in_dim3A_55 = vector.shape_cast %reduce_min3A_54 : vector<256xf32> to vector<256x1xf32>
    %eq3A_56 = vector.broadcast %broadcast_in_dim3A_55 : vector<256x1xf32> to vector<256x1024xf32>
    %eq3A_57 = arith.cmpf oeq, %select_n3A_52, %eq3A_56 : vector<256x1024xf32>
    %jit3A_58 = arith.constant 2.000000e+09 : f32
    %broadcast_in_dim3A_59 = vector.broadcast %jit3A_58 : f32 to vector<256x1024xf32>
    %select_n3A_60 = arith.select %eq3A_57, %convert_element_type3A, %broadcast_in_dim3A_59 : vector<256x1024xi1>, vector<256x1024xf32>
    %reduce_min3A_61 = arith.constant dense<0x7F800000> : vector<256xf32>
    %reduce_min3A_62 = vector.multi_reduction <minimumf>, %select_n3A_60, %reduce_min3A_61 [1] : vector<256x1024xf32> to vector<256xf32>
    %broadcast_in_dim3A_63 = vector.shape_cast %reduce_min3A_62 : vector<256xf32> to vector<256x1xf32>
    %eq3A_64 = arith.constant 1 : i32
    %eq3A_65 = vector.broadcast %eq3A_64 : i32 to vector<256x8xi32>
    %eq3A_66 = arith.cmpi eq, %iota3A_30, %eq3A_65 : vector<256x8xi32>
    %broadcast_in_dim3A_67 = vector.shape_cast %broadcast_in_dim3A_63 : vector<256x1xf32> to vector<256x1xf32>
    %broadcast_in_dim3A_68 = vector.broadcast %broadcast_in_dim3A_67 : vector<256x1xf32> to vector<256x8xf32>
    %select_n3A_69 = arith.select %eq3A_66, %broadcast_in_dim3A_68, %select_n3A_47 : vector<256x8xi1>, vector<256x8xf32>
    %eq3A_70 = vector.broadcast %broadcast_in_dim3A_63 : vector<256x1xf32> to vector<256x1024xf32>
    %eq3A_71 = arith.cmpf oeq, %convert_element_type3A, %eq3A_70 : vector<256x1024xf32>
    %jit3A_72 = arith.constant 3.000000e+38 : f32
    %broadcast_in_dim3A_73 = vector.broadcast %jit3A_72 : f32 to vector<256x1024xf32>
    %select_n3A_74 = arith.select %eq3A_71, %broadcast_in_dim3A_73, %select_n3A_52 : vector<256x1024xi1>, vector<256x1024xf32>
    %reduce_min3A_75 = arith.constant dense<0x7F800000> : vector<256xf32>
    %reduce_min3A_76 = vector.multi_reduction <minimumf>, %select_n3A_74, %reduce_min3A_75 [1] : vector<256x1024xf32> to vector<256xf32>
    %broadcast_in_dim3A_77 = vector.shape_cast %reduce_min3A_76 : vector<256xf32> to vector<256x1xf32>
    %eq3A_78 = vector.broadcast %broadcast_in_dim3A_77 : vector<256x1xf32> to vector<256x1024xf32>
    %eq3A_79 = arith.cmpf oeq, %select_n3A_74, %eq3A_78 : vector<256x1024xf32>
    %jit3A_80 = arith.constant 2.000000e+09 : f32
    %broadcast_in_dim3A_81 = vector.broadcast %jit3A_80 : f32 to vector<256x1024xf32>
    %select_n3A_82 = arith.select %eq3A_79, %convert_element_type3A, %broadcast_in_dim3A_81 : vector<256x1024xi1>, vector<256x1024xf32>
    %reduce_min3A_83 = arith.constant dense<0x7F800000> : vector<256xf32>
    %reduce_min3A_84 = vector.multi_reduction <minimumf>, %select_n3A_82, %reduce_min3A_83 [1] : vector<256x1024xf32> to vector<256xf32>
    %broadcast_in_dim3A_85 = vector.shape_cast %reduce_min3A_84 : vector<256xf32> to vector<256x1xf32>
    %eq3A_86 = arith.constant 2 : i32
    %eq3A_87 = vector.broadcast %eq3A_86 : i32 to vector<256x8xi32>
    %eq3A_88 = arith.cmpi eq, %iota3A_30, %eq3A_87 : vector<256x8xi32>
    %broadcast_in_dim3A_89 = vector.shape_cast %broadcast_in_dim3A_85 : vector<256x1xf32> to vector<256x1xf32>
    %broadcast_in_dim3A_90 = vector.broadcast %broadcast_in_dim3A_89 : vector<256x1xf32> to vector<256x8xf32>
    %select_n3A_91 = arith.select %eq3A_88, %broadcast_in_dim3A_90, %select_n3A_69 : vector<256x8xi1>, vector<256x8xf32>
    %eq3A_92 = vector.broadcast %broadcast_in_dim3A_85 : vector<256x1xf32> to vector<256x1024xf32>
    %eq3A_93 = arith.cmpf oeq, %convert_element_type3A, %eq3A_92 : vector<256x1024xf32>
    %jit3A_94 = arith.constant 3.000000e+38 : f32
    %broadcast_in_dim3A_95 = vector.broadcast %jit3A_94 : f32 to vector<256x1024xf32>
    %select_n3A_96 = arith.select %eq3A_93, %broadcast_in_dim3A_95, %select_n3A_74 : vector<256x1024xi1>, vector<256x1024xf32>
    %reduce_min3A_97 = arith.constant dense<0x7F800000> : vector<256xf32>
    %reduce_min3A_98 = vector.multi_reduction <minimumf>, %select_n3A_96, %reduce_min3A_97 [1] : vector<256x1024xf32> to vector<256xf32>
    %broadcast_in_dim3A_99 = vector.shape_cast %reduce_min3A_98 : vector<256xf32> to vector<256x1xf32>
    %eq3A_100 = vector.broadcast %broadcast_in_dim3A_99 : vector<256x1xf32> to vector<256x1024xf32>
    %eq3A_101 = arith.cmpf oeq, %select_n3A_96, %eq3A_100 : vector<256x1024xf32>
    %jit3A_102 = arith.constant 2.000000e+09 : f32
    %broadcast_in_dim3A_103 = vector.broadcast %jit3A_102 : f32 to vector<256x1024xf32>
    %select_n3A_104 = arith.select %eq3A_101, %convert_element_type3A, %broadcast_in_dim3A_103 : vector<256x1024xi1>, vector<256x1024xf32>
    %reduce_min3A_105 = arith.constant dense<0x7F800000> : vector<256xf32>
    %reduce_min3A_106 = vector.multi_reduction <minimumf>, %select_n3A_104, %reduce_min3A_105 [1] : vector<256x1024xf32> to vector<256xf32>
    %broadcast_in_dim3A_107 = vector.shape_cast %reduce_min3A_106 : vector<256xf32> to vector<256x1xf32>
    %eq3A_108 = arith.constant 3 : i32
    %eq3A_109 = vector.broadcast %eq3A_108 : i32 to vector<256x8xi32>
    %eq3A_110 = arith.cmpi eq, %iota3A_30, %eq3A_109 : vector<256x8xi32>
    %broadcast_in_dim3A_111 = vector.shape_cast %broadcast_in_dim3A_107 : vector<256x1xf32> to vector<256x1xf32>
    %broadcast_in_dim3A_112 = vector.broadcast %broadcast_in_dim3A_111 : vector<256x1xf32> to vector<256x8xf32>
    %select_n3A_113 = arith.select %eq3A_110, %broadcast_in_dim3A_112, %select_n3A_91 : vector<256x8xi1>, vector<256x8xf32>
    %eq3A_114 = vector.broadcast %broadcast_in_dim3A_107 : vector<256x1xf32> to vector<256x1024xf32>
    %eq3A_115 = arith.cmpf oeq, %convert_element_type3A, %eq3A_114 : vector<256x1024xf32>
    %jit3A_116 = arith.constant 3.000000e+38 : f32
    %broadcast_in_dim3A_117 = vector.broadcast %jit3A_116 : f32 to vector<256x1024xf32>
    %select_n3A_118 = arith.select %eq3A_115, %broadcast_in_dim3A_117, %select_n3A_96 : vector<256x1024xi1>, vector<256x1024xf32>
    %reduce_min3A_119 = arith.constant dense<0x7F800000> : vector<256xf32>
    %reduce_min3A_120 = vector.multi_reduction <minimumf>, %select_n3A_118, %reduce_min3A_119 [1] : vector<256x1024xf32> to vector<256xf32>
    %broadcast_in_dim3A_121 = vector.shape_cast %reduce_min3A_120 : vector<256xf32> to vector<256x1xf32>
    %eq3A_122 = vector.broadcast %broadcast_in_dim3A_121 : vector<256x1xf32> to vector<256x1024xf32>
    %eq3A_123 = arith.cmpf oeq, %select_n3A_118, %eq3A_122 : vector<256x1024xf32>
    %jit3A_124 = arith.constant 2.000000e+09 : f32
    %broadcast_in_dim3A_125 = vector.broadcast %jit3A_124 : f32 to vector<256x1024xf32>
    %select_n3A_126 = arith.select %eq3A_123, %convert_element_type3A, %broadcast_in_dim3A_125 : vector<256x1024xi1>, vector<256x1024xf32>
    %reduce_min3A_127 = arith.constant dense<0x7F800000> : vector<256xf32>
    %reduce_min3A_128 = vector.multi_reduction <minimumf>, %select_n3A_126, %reduce_min3A_127 [1] : vector<256x1024xf32> to vector<256xf32>
    %broadcast_in_dim3A_129 = vector.shape_cast %reduce_min3A_128 : vector<256xf32> to vector<256x1xf32>
    %eq3A_130 = arith.constant 4 : i32
    %eq3A_131 = vector.broadcast %eq3A_130 : i32 to vector<256x8xi32>
    %eq3A_132 = arith.cmpi eq, %iota3A_30, %eq3A_131 : vector<256x8xi32>
    %broadcast_in_dim3A_133 = vector.shape_cast %broadcast_in_dim3A_129 : vector<256x1xf32> to vector<256x1xf32>
    %broadcast_in_dim3A_134 = vector.broadcast %broadcast_in_dim3A_133 : vector<256x1xf32> to vector<256x8xf32>
    %select_n3A_135 = arith.select %eq3A_132, %broadcast_in_dim3A_134, %select_n3A_113 : vector<256x8xi1>, vector<256x8xf32>
    %eq3A_136 = vector.broadcast %broadcast_in_dim3A_129 : vector<256x1xf32> to vector<256x1024xf32>
    %eq3A_137 = arith.cmpf oeq, %convert_element_type3A, %eq3A_136 : vector<256x1024xf32>
    %jit3A_138 = arith.constant 3.000000e+38 : f32
    %broadcast_in_dim3A_139 = vector.broadcast %jit3A_138 : f32 to vector<256x1024xf32>
    %select_n3A_140 = arith.select %eq3A_137, %broadcast_in_dim3A_139, %select_n3A_118 : vector<256x1024xi1>, vector<256x1024xf32>
    %reduce_min3A_141 = arith.constant dense<0x7F800000> : vector<256xf32>
    %reduce_min3A_142 = vector.multi_reduction <minimumf>, %select_n3A_140, %reduce_min3A_141 [1] : vector<256x1024xf32> to vector<256xf32>
    %broadcast_in_dim3A_143 = vector.shape_cast %reduce_min3A_142 : vector<256xf32> to vector<256x1xf32>
    %eq3A_144 = vector.broadcast %broadcast_in_dim3A_143 : vector<256x1xf32> to vector<256x1024xf32>
    %eq3A_145 = arith.cmpf oeq, %select_n3A_140, %eq3A_144 : vector<256x1024xf32>
    %jit3A_146 = arith.constant 2.000000e+09 : f32
    %broadcast_in_dim3A_147 = vector.broadcast %jit3A_146 : f32 to vector<256x1024xf32>
    %select_n3A_148 = arith.select %eq3A_145, %convert_element_type3A, %broadcast_in_dim3A_147 : vector<256x1024xi1>, vector<256x1024xf32>
    %reduce_min3A_149 = arith.constant dense<0x7F800000> : vector<256xf32>
    %reduce_min3A_150 = vector.multi_reduction <minimumf>, %select_n3A_148, %reduce_min3A_149 [1] : vector<256x1024xf32> to vector<256xf32>
    %broadcast_in_dim3A_151 = vector.shape_cast %reduce_min3A_150 : vector<256xf32> to vector<256x1xf32>
    %eq3A_152 = arith.constant 5 : i32
    %eq3A_153 = vector.broadcast %eq3A_152 : i32 to vector<256x8xi32>
    %eq3A_154 = arith.cmpi eq, %iota3A_30, %eq3A_153 : vector<256x8xi32>
    %broadcast_in_dim3A_155 = vector.shape_cast %broadcast_in_dim3A_151 : vector<256x1xf32> to vector<256x1xf32>
    %broadcast_in_dim3A_156 = vector.broadcast %broadcast_in_dim3A_155 : vector<256x1xf32> to vector<256x8xf32>
    %select_n3A_157 = arith.select %eq3A_154, %broadcast_in_dim3A_156, %select_n3A_135 : vector<256x8xi1>, vector<256x8xf32>
    %eq3A_158 = vector.broadcast %broadcast_in_dim3A_151 : vector<256x1xf32> to vector<256x1024xf32>
    %eq3A_159 = arith.cmpf oeq, %convert_element_type3A, %eq3A_158 : vector<256x1024xf32>
    %jit3A_160 = arith.constant 3.000000e+38 : f32
    %broadcast_in_dim3A_161 = vector.broadcast %jit3A_160 : f32 to vector<256x1024xf32>
    %select_n3A_162 = arith.select %eq3A_159, %broadcast_in_dim3A_161, %select_n3A_140 : vector<256x1024xi1>, vector<256x1024xf32>
    %reduce_min3A_163 = arith.constant dense<0x7F800000> : vector<256xf32>
    %reduce_min3A_164 = vector.multi_reduction <minimumf>, %select_n3A_162, %reduce_min3A_163 [1] : vector<256x1024xf32> to vector<256xf32>
    %broadcast_in_dim3A_165 = vector.shape_cast %reduce_min3A_164 : vector<256xf32> to vector<256x1xf32>
    %eq3A_166 = vector.broadcast %broadcast_in_dim3A_165 : vector<256x1xf32> to vector<256x1024xf32>
    %eq3A_167 = arith.cmpf oeq, %select_n3A_162, %eq3A_166 : vector<256x1024xf32>
    %jit3A_168 = arith.constant 2.000000e+09 : f32
    %broadcast_in_dim3A_169 = vector.broadcast %jit3A_168 : f32 to vector<256x1024xf32>
    %select_n3A_170 = arith.select %eq3A_167, %convert_element_type3A, %broadcast_in_dim3A_169 : vector<256x1024xi1>, vector<256x1024xf32>
    %reduce_min3A_171 = arith.constant dense<0x7F800000> : vector<256xf32>
    %reduce_min3A_172 = vector.multi_reduction <minimumf>, %select_n3A_170, %reduce_min3A_171 [1] : vector<256x1024xf32> to vector<256xf32>
    %broadcast_in_dim3A_173 = vector.shape_cast %reduce_min3A_172 : vector<256xf32> to vector<256x1xf32>
    %eq3A_174 = arith.constant 6 : i32
    %eq3A_175 = vector.broadcast %eq3A_174 : i32 to vector<256x8xi32>
    %eq3A_176 = arith.cmpi eq, %iota3A_30, %eq3A_175 : vector<256x8xi32>
    %broadcast_in_dim3A_177 = vector.shape_cast %broadcast_in_dim3A_173 : vector<256x1xf32> to vector<256x1xf32>
    %broadcast_in_dim3A_178 = vector.broadcast %broadcast_in_dim3A_177 : vector<256x1xf32> to vector<256x8xf32>
    %select_n3A_179 = arith.select %eq3A_176, %broadcast_in_dim3A_178, %select_n3A_157 : vector<256x8xi1>, vector<256x8xf32>
    %eq3A_180 = vector.broadcast %broadcast_in_dim3A_173 : vector<256x1xf32> to vector<256x1024xf32>
    %eq3A_181 = arith.cmpf oeq, %convert_element_type3A, %eq3A_180 : vector<256x1024xf32>
    %jit3A_182 = arith.constant 3.000000e+38 : f32
    %broadcast_in_dim3A_183 = vector.broadcast %jit3A_182 : f32 to vector<256x1024xf32>
    %select_n3A_184 = arith.select %eq3A_181, %broadcast_in_dim3A_183, %select_n3A_162 : vector<256x1024xi1>, vector<256x1024xf32>
    %reduce_min3A_185 = arith.constant dense<0x7F800000> : vector<256xf32>
    %reduce_min3A_186 = vector.multi_reduction <minimumf>, %select_n3A_184, %reduce_min3A_185 [1] : vector<256x1024xf32> to vector<256xf32>
    %broadcast_in_dim3A_187 = vector.shape_cast %reduce_min3A_186 : vector<256xf32> to vector<256x1xf32>
    %eq3A_188 = vector.broadcast %broadcast_in_dim3A_187 : vector<256x1xf32> to vector<256x1024xf32>
    %eq3A_189 = arith.cmpf oeq, %select_n3A_184, %eq3A_188 : vector<256x1024xf32>
    %jit3A_190 = arith.constant 2.000000e+09 : f32
    %broadcast_in_dim3A_191 = vector.broadcast %jit3A_190 : f32 to vector<256x1024xf32>
    %select_n3A_192 = arith.select %eq3A_189, %convert_element_type3A, %broadcast_in_dim3A_191 : vector<256x1024xi1>, vector<256x1024xf32>
    %reduce_min3A_193 = arith.constant dense<0x7F800000> : vector<256xf32>
    %reduce_min3A_194 = vector.multi_reduction <minimumf>, %select_n3A_192, %reduce_min3A_193 [1] : vector<256x1024xf32> to vector<256xf32>
    %broadcast_in_dim3A_195 = vector.shape_cast %reduce_min3A_194 : vector<256xf32> to vector<256x1xf32>
    %eq3A_196 = arith.constant 7 : i32
    %eq3A_197 = vector.broadcast %eq3A_196 : i32 to vector<256x8xi32>
    %eq3A_198 = arith.cmpi eq, %iota3A_30, %eq3A_197 : vector<256x8xi32>
    %broadcast_in_dim3A_199 = vector.shape_cast %broadcast_in_dim3A_195 : vector<256x1xf32> to vector<256x1xf32>
    %broadcast_in_dim3A_200 = vector.broadcast %broadcast_in_dim3A_199 : vector<256x1xf32> to vector<256x8xf32>
    %select_n3A_201 = arith.select %eq3A_198, %broadcast_in_dim3A_200, %select_n3A_179 : vector<256x8xi1>, vector<256x8xf32>
    %convert_element_type3A_202 = arith.fptosi %select_n3A_201 : vector<256x8xf32> to vector<256x8xi32>
    %mul3A_203 = arith.constant 1024 : i32
    %mul3A_204 = arith.muli %arg0, %mul3A_203 : i32
    %add3A_205 = vector.broadcast %mul3A_204 : i32 to vector<256x8xi32>
    %add3A_206 = arith.addi %convert_element_type3A_202, %add3A_205 : vector<256x8xi32>
    %swap3A = arith.constant 0 : index
    %swap3A_207 = arith.constant 0 : index
    %swap3A_208 = arith.constant 0 : index
    %swap3A_209 = vector.load %arg4[%swap3A, %swap3A_207, %swap3A_208] : memref<1x256x8xi32, #tpu.memory_space<vmem>>, vector<1x256x8xi32>
    %swap3A_210 = vector.shape_cast %swap3A_209 : vector<1x256x8xi32> to vector<256x8xi32>
    %swap3A_211 = vector.shape_cast %add3A_206 : vector<256x8xi32> to vector<1x256x8xi32>
    tpu.vector_store %arg4[%swap3A, %swap3A_207, %swap3A_208], %swap3A_211 {strides = array<i32>} : memref<1x256x8xi32, #tpu.memory_space<vmem>>, vector<1x256x8xi32>,
    return
  }
  func.func @transform_0(%arg0: i32, %arg1: i32) -> (i32, i32, i32) {
    %c0_i32 = arith.constant 0 : i32
    %c0_i32_0 = arith.constant 0 : i32
    return %arg0, %arg1, %c0_i32 : i32, i32, i32
  }
  func.func @transform_1(%arg0: i32, %arg1: i32) -> (i32, i32, i32) {
    %c0_i32 = arith.constant 0 : i32
    %c0_i32_0 = arith.constant 0 : i32
    %c0_i32_1 = arith.constant 0 : i32
    return %arg0, %c0_i32, %c0_i32_0 : i32, i32, i32
  }
  func.func @transform_2(%arg0: i32, %arg1: i32) -> (i32, i32, i32) {
    %c0_i32 = arith.constant 0 : i32
    %c0_i32_0 = arith.constant 0 : i32
    return %arg0, %arg1, %c0_i32 : i32, i32, i32
  }
}

module attributes {stable_mosaic.version = 14 : i64} {
  func.func @_stats_body(%arg0: i32, %arg1: i32, %arg2: memref<1x512x128xf32, #tpu.memory_space<vmem>>, %arg3: memref<512x128xf32, #tpu.memory_space<vmem>>, %arg4: memref<256x64xf32, #tpu.memory_space<vmem>>, %arg5: memref<1x64xf32, #tpu.memory_space<vmem>>, %arg6: memref<16x64xf32, #tpu.memory_space<vmem>>) attributes {dimension_semantics = [#tpu.dimension_semantics<arbitrary>, #tpu.dimension_semantics<arbitrary>], iteration_bounds = array<i64: 8, 32>, scalar_prefetch = 0 : i64, scratch_operands = 0 : i64, tpu.core_type = #tpu.core_type<tc>, window_params = [{transform_indices = @transform_0, window_bounds = array<i64: 1, 512, 128>}, {transform_indices = @transform_1, window_bounds = array<i64: 512, 128>}, {pipeline_mode = #tpu.pipeline_mode<synchronous>, transform_indices = @transform_2, window_bounds = array<i64: 256, 64>}, {pipeline_mode = #tpu.pipeline_mode<synchronous>, transform_indices = @transform_3, window_bounds = array<i64: 1, 64>}, {pipeline_mode = #tpu.pipeline_mode<synchronous>, transform_indices = @transform_4, window_bounds = array<i64: 16, 64>}]} {
    %get3A = arith.constant 0 : index
    %get3A_0 = arith.constant 0 : index
    %get3A_1 = vector.load %arg3[%get3A, %get3A_0] : memref<512x128xf32, #tpu.memory_space<vmem>>, vector<512x128xf32>
    %get3A_2 = arith.constant 0 : index
    %get3A_3 = arith.constant 0 : index
    %get3A_4 = arith.constant 0 : index
    %get3A_5 = vector.load %arg2[%get3A_2, %get3A_3, %get3A_4] : memref<1x512x128xf32, #tpu.memory_space<vmem>>, vector<1x512x128xf32>
    %get3A_6 = vector.shape_cast %get3A_5 : vector<1x512x128xf32> to vector<512x128xf32>
    %sub3A = arith.subf %get3A_1, %get3A_6 : vector<512x128xf32>
    %concatenate3A = tpu.concatenate %sub3A, %get3A_6 in 1 : vector<512x128xf32>, vector<512x128xf32> -> vector<512x256xf32>
    %get3A_7 = arith.constant 0 : index
    %get3A_8 = arith.constant 0 : index
    %get3A_9 = vector.load %arg4[%get3A_7, %get3A_8] : memref<256x64xf32, #tpu.memory_space<vmem>>, vector<256x64xf32>
    %dot_general3A = arith.constant dense<0.000000e+00> : vector<512x64xf32>
    %dot_general3A_10 = tpu.matmul %concatenate3A, %get3A_9, %dot_general3A {dimension_numbers = #tpu.dot_dimension_numbers<[1], [0], [0], [1], [0, 0, 1, 1], [], []>, transpose_lhs_hint = false} : vector<512x256xf32>, vector<256x64xf32>, vector<512x64xf32> -> vector<512x64xf32>
    %get3A_11 = arith.constant 0 : index
    %get3A_12 = arith.constant 0 : index
    %get3A_13 = vector.load %arg5[%get3A_11, %get3A_12] : memref<1x64xf32, #tpu.memory_space<vmem>>, vector<1x64xf32>
    %add3A = vector.broadcast %get3A_13 : vector<1x64xf32> to vector<512x64xf32>
    %add3A_14 = arith.addf %dot_general3A_10, %add3A : vector<512x64xf32>
    %reduce_sum3A = arith.constant dense<0.000000e+00> : vector<64xf32>
    %reduce_sum3A_15 = vector.multi_reduction <add>, %add3A_14, %reduce_sum3A [0] : vector<512x64xf32> to vector<64xf32>
    %mul3A = arith.mulf %add3A_14, %add3A_14 : vector<512x64xf32>
    %reduce_sum3A_16 = arith.constant dense<0.000000e+00> : vector<64xf32>
    %reduce_sum3A_17 = vector.multi_reduction <add>, %mul3A, %reduce_sum3A_16 [0] : vector<512x64xf32> to vector<64xf32>
    %iota3A = tpu.iota {dimensions = array<i32: 0>} : vector<16x64xi32>
    %eq3A = vector.broadcast %arg0 : i32 to vector<16x64xi32>
    %eq3A_18 = arith.cmpi eq, %iota3A, %eq3A : vector<16x64xi32>
    %broadcast_in_dim3A = vector.shape_cast %reduce_sum3A_15 : vector<64xf32> to vector<1x64xf32>
    %jit3A = arith.constant 0.000000e+00 : f32
    %broadcast_in_dim3A_19 = vector.shape_cast %broadcast_in_dim3A : vector<1x64xf32> to vector<1x64xf32>
    %broadcast_in_dim3A_20 = vector.broadcast %broadcast_in_dim3A_19 : vector<1x64xf32> to vector<16x64xf32>
    %broadcast_in_dim3A_21 = vector.broadcast %jit3A : f32 to vector<16x64xf32>
    %select_n3A = arith.select %eq3A_18, %broadcast_in_dim3A_20, %broadcast_in_dim3A_21 : vector<16x64xi1>, vector<16x64xf32>
    %add3A_22 = arith.constant 8 : i32
    %add3A_23 = arith.addi %arg0, %add3A_22 : i32
    %eq3A_24 = vector.broadcast %add3A_23 : i32 to vector<16x64xi32>
    %eq3A_25 = arith.cmpi eq, %iota3A, %eq3A_24 : vector<16x64xi32>
    %broadcast_in_dim3A_26 = vector.shape_cast %reduce_sum3A_17 : vector<64xf32> to vector<1x64xf32>
    %jit3A_27 = arith.constant 0.000000e+00 : f32
    %broadcast_in_dim3A_28 = vector.shape_cast %broadcast_in_dim3A_26 : vector<1x64xf32> to vector<1x64xf32>
    %broadcast_in_dim3A_29 = vector.broadcast %broadcast_in_dim3A_28 : vector<1x64xf32> to vector<16x64xf32>
    %broadcast_in_dim3A_30 = vector.broadcast %jit3A_27 : f32 to vector<16x64xf32>
    %select_n3A_31 = arith.select %eq3A_25, %broadcast_in_dim3A_29, %broadcast_in_dim3A_30 : vector<16x64xi1>, vector<16x64xf32>
    %add3A_32 = arith.addf %select_n3A, %select_n3A_31 : vector<16x64xf32>
    %eq3A_33 = arith.constant 0 : i32
    %eq3A_34 = arith.cmpi eq, %arg0, %eq3A_33 : i32
    %eq3A_35 = arith.constant 0 : i32
    %eq3A_36 = arith.cmpi eq, %arg1, %eq3A_35 : i32
    %and3A = arith.andi %eq3A_34, %eq3A_36 : i1
    %convert_element_type3A = arith.extui %and3A : i1 to i32
    %cond3A = arith.constant 0 : i32
    %cond3A_37 = arith.cmpi ne, %convert_element_type3A, %cond3A : i32
    scf.if %cond3A_37 {
      %broadcast_in_dim3A_44 = arith.constant 0.000000e+00 : f32
      %broadcast_in_dim3A_45 = vector.broadcast %broadcast_in_dim3A_44 : f32 to vector<16x64xf32>
      %swap3A_46 = arith.constant 0 : index
      %swap3A_47 = arith.constant 0 : index
      %swap3A_48 = vector.load %arg6[%swap3A_46, %swap3A_47] : memref<16x64xf32, #tpu.memory_space<vmem>>, vector<16x64xf32>
      tpu.vector_store %arg6[%swap3A_46, %swap3A_47], %broadcast_in_dim3A_45 {strides = array<i32>} : memref<16x64xf32, #tpu.memory_space<vmem>>, vector<16x64xf32>,
    } else {
    }
    %get3A_38 = arith.constant 0 : index
    %get3A_39 = arith.constant 0 : index
    %get3A_40 = vector.load %arg6[%get3A_38, %get3A_39] : memref<16x64xf32, #tpu.memory_space<vmem>>, vector<16x64xf32>
    %add3A_41 = arith.addf %get3A_40, %add3A_32 : vector<16x64xf32>
    %swap3A = arith.constant 0 : index
    %swap3A_42 = arith.constant 0 : index
    %swap3A_43 = vector.load %arg6[%swap3A, %swap3A_42] : memref<16x64xf32, #tpu.memory_space<vmem>>, vector<16x64xf32>
    tpu.vector_store %arg6[%swap3A, %swap3A_42], %add3A_41 {strides = array<i32>} : memref<16x64xf32, #tpu.memory_space<vmem>>, vector<16x64xf32>,
    return
  }
  func.func @transform_0(%arg0: i32, %arg1: i32) -> (i32, i32, i32) {
    %c0_i32 = arith.constant 0 : i32
    %c0_i32_0 = arith.constant 0 : i32
    return %arg0, %arg1, %c0_i32 : i32, i32, i32
  }
  func.func @transform_1(%arg0: i32, %arg1: i32) -> (i32, i32) {
    %c0_i32 = arith.constant 0 : i32
    %c0_i32_0 = arith.constant 0 : i32
    return %arg1, %c0_i32 : i32, i32
  }
  func.func @transform_2(%arg0: i32, %arg1: i32) -> (i32, i32) {
    %c0_i32 = arith.constant 0 : i32
    %c0_i32_0 = arith.constant 0 : i32
    %c0_i32_1 = arith.constant 0 : i32
    return %c0_i32, %c0_i32_0 : i32, i32
  }
  func.func @transform_3(%arg0: i32, %arg1: i32) -> (i32, i32) {
    %c0_i32 = arith.constant 0 : i32
    %c0_i32_0 = arith.constant 0 : i32
    %c0_i32_1 = arith.constant 0 : i32
    return %c0_i32, %c0_i32_0 : i32, i32
  }
  func.func @transform_4(%arg0: i32, %arg1: i32) -> (i32, i32) {
    %c0_i32 = arith.constant 0 : i32
    %c0_i32_0 = arith.constant 0 : i32
    %c0_i32_1 = arith.constant 0 : i32
    return %c0_i32, %c0_i32_0 : i32, i32
  }
}

module attributes {stable_mosaic.version = 14 : i64} {
  func.func @_out_body(%arg0: i32, %arg1: memref<8x1024x128xf32, #tpu.memory_space<vmem>>, %arg2: memref<1024x128xf32, #tpu.memory_space<vmem>>, %arg3: memref<256x64xf32, #tpu.memory_space<vmem>>, %arg4: memref<1x64xf32, #tpu.memory_space<vmem>>, %arg5: memref<16x64xf32, #tpu.memory_space<vmem>>, %arg6: memref<1x64xf32, #tpu.memory_space<vmem>>, %arg7: memref<1x64xf32, #tpu.memory_space<vmem>>, %arg8: memref<1024x128xf32, #tpu.memory_space<vmem>>) attributes {dimension_semantics = [#tpu.dimension_semantics<arbitrary>], iteration_bounds = array<i64: 16>, scalar_prefetch = 0 : i64, scratch_operands = 0 : i64, tpu.core_type = #tpu.core_type<tc>, window_params = [{transform_indices = @transform_0, window_bounds = array<i64: 8, 1024, 128>}, {transform_indices = @transform_1, window_bounds = array<i64: 1024, 128>}, {pipeline_mode = #tpu.pipeline_mode<synchronous>, transform_indices = @transform_2, window_bounds = array<i64: 256, 64>}, {pipeline_mode = #tpu.pipeline_mode<synchronous>, transform_indices = @transform_3, window_bounds = array<i64: 1, 64>}, {pipeline_mode = #tpu.pipeline_mode<synchronous>, transform_indices = @transform_4, window_bounds = array<i64: 16, 64>}, {pipeline_mode = #tpu.pipeline_mode<synchronous>, transform_indices = @transform_5, window_bounds = array<i64: 1, 64>}, {pipeline_mode = #tpu.pipeline_mode<synchronous>, transform_indices = @transform_6, window_bounds = array<i64: 1, 64>}, {transform_indices = @transform_7, window_bounds = array<i64: 1024, 128>}]} {
    %get3A = arith.constant 0 : index
    %get3A_0 = arith.constant 0 : index
    %get3A_1 = vector.load %arg2[%get3A, %get3A_0] : memref<1024x128xf32, #tpu.memory_space<vmem>>, vector<1024x128xf32>
    %get3A_2 = arith.constant 0 : index
    %get3A_3 = arith.constant 0 : index
    %get3A_4 = arith.constant 0 : index
    %get3A_5 = vector.load %arg1[%get3A_2, %get3A_3, %get3A_4] : memref<8x1024x128xf32, #tpu.memory_space<vmem>>, vector<1x1024x128xf32>
    %get3A_6 = vector.shape_cast %get3A_5 : vector<1x1024x128xf32> to vector<1024x128xf32>
    %sub3A = arith.subf %get3A_1, %get3A_6 : vector<1024x128xf32>
    %concatenate3A = tpu.concatenate %sub3A, %get3A_6 in 1 : vector<1024x128xf32>, vector<1024x128xf32> -> vector<1024x256xf32>
    %get3A_7 = arith.constant 0 : index
    %get3A_8 = arith.constant 0 : index
    %get3A_9 = vector.load %arg3[%get3A_7, %get3A_8] : memref<256x64xf32, #tpu.memory_space<vmem>>, vector<256x64xf32>
    %dot_general3A = arith.constant dense<0.000000e+00> : vector<1024x64xf32>
    %dot_general3A_10 = tpu.matmul %concatenate3A, %get3A_9, %dot_general3A {dimension_numbers = #tpu.dot_dimension_numbers<[1], [0], [0], [1], [0, 0, 1, 1], [], []>, transpose_lhs_hint = false} : vector<1024x256xf32>, vector<256x64xf32>, vector<1024x64xf32> -> vector<1024x64xf32>
    %get3A_11 = arith.constant 0 : index
    %get3A_12 = arith.constant 0 : index
    %get3A_13 = vector.load %arg4[%get3A_11, %get3A_12] : memref<1x64xf32, #tpu.memory_space<vmem>>, vector<1x64xf32>
    %add3A = vector.broadcast %get3A_13 : vector<1x64xf32> to vector<1024x64xf32>
    %add3A_14 = arith.addf %dot_general3A_10, %add3A : vector<1024x64xf32>
    %get3A_15 = arith.constant 1 : index
    %get3A_16 = arith.constant 0 : index
    %get3A_17 = arith.constant 0 : index
    %get3A_18 = vector.load %arg1[%get3A_15, %get3A_16, %get3A_17] : memref<8x1024x128xf32, #tpu.memory_space<vmem>>, vector<1x1024x128xf32>
    %get3A_19 = vector.shape_cast %get3A_18 : vector<1x1024x128xf32> to vector<1024x128xf32>
    %sub3A_20 = arith.subf %get3A_1, %get3A_19 : vector<1024x128xf32>
    %concatenate3A_21 = tpu.concatenate %sub3A_20, %get3A_19 in 1 : vector<1024x128xf32>, vector<1024x128xf32> -> vector<1024x256xf32>
    %get3A_22 = arith.constant 0 : index
    %get3A_23 = arith.constant 0 : index
    %get3A_24 = vector.load %arg3[%get3A_22, %get3A_23] : memref<256x64xf32, #tpu.memory_space<vmem>>, vector<256x64xf32>
    %dot_general3A_25 = arith.constant dense<0.000000e+00> : vector<1024x64xf32>
    %dot_general3A_26 = tpu.matmul %concatenate3A_21, %get3A_24, %dot_general3A_25 {dimension_numbers = #tpu.dot_dimension_numbers<[1], [0], [0], [1], [0, 0, 1, 1], [], []>, transpose_lhs_hint = false} : vector<1024x256xf32>, vector<256x64xf32>, vector<1024x64xf32> -> vector<1024x64xf32>
    %get3A_27 = arith.constant 0 : index
    %get3A_28 = arith.constant 0 : index
    %get3A_29 = vector.load %arg4[%get3A_27, %get3A_28] : memref<1x64xf32, #tpu.memory_space<vmem>>, vector<1x64xf32>
    %add3A_30 = vector.broadcast %get3A_29 : vector<1x64xf32> to vector<1024x64xf32>
    %add3A_31 = arith.addf %dot_general3A_26, %add3A_30 : vector<1024x64xf32>
    %max3A = arith.maximumf %add3A_14, %add3A_31 : vector<1024x64xf32>
    %get3A_32 = arith.constant 2 : index
    %get3A_33 = arith.constant 0 : index
    %get3A_34 = arith.constant 0 : index
    %get3A_35 = vector.load %arg1[%get3A_32, %get3A_33, %get3A_34] : memref<8x1024x128xf32, #tpu.memory_space<vmem>>, vector<1x1024x128xf32>
    %get3A_36 = vector.shape_cast %get3A_35 : vector<1x1024x128xf32> to vector<1024x128xf32>
    %sub3A_37 = arith.subf %get3A_1, %get3A_36 : vector<1024x128xf32>
    %concatenate3A_38 = tpu.concatenate %sub3A_37, %get3A_36 in 1 : vector<1024x128xf32>, vector<1024x128xf32> -> vector<1024x256xf32>
    %get3A_39 = arith.constant 0 : index
    %get3A_40 = arith.constant 0 : index
    %get3A_41 = vector.load %arg3[%get3A_39, %get3A_40] : memref<256x64xf32, #tpu.memory_space<vmem>>, vector<256x64xf32>
    %dot_general3A_42 = arith.constant dense<0.000000e+00> : vector<1024x64xf32>
    %dot_general3A_43 = tpu.matmul %concatenate3A_38, %get3A_41, %dot_general3A_42 {dimension_numbers = #tpu.dot_dimension_numbers<[1], [0], [0], [1], [0, 0, 1, 1], [], []>, transpose_lhs_hint = false} : vector<1024x256xf32>, vector<256x64xf32>, vector<1024x64xf32> -> vector<1024x64xf32>
    %get3A_44 = arith.constant 0 : index
    %get3A_45 = arith.constant 0 : index
    %get3A_46 = vector.load %arg4[%get3A_44, %get3A_45] : memref<1x64xf32, #tpu.memory_space<vmem>>, vector<1x64xf32>
    %add3A_47 = vector.broadcast %get3A_46 : vector<1x64xf32> to vector<1024x64xf32>
    %add3A_48 = arith.addf %dot_general3A_43, %add3A_47 : vector<1024x64xf32>
    %max3A_49 = arith.maximumf %max3A, %add3A_48 : vector<1024x64xf32>
    %get3A_50 = arith.constant 3 : index
    %get3A_51 = arith.constant 0 : index
    %get3A_52 = arith.constant 0 : index
    %get3A_53 = vector.load %arg1[%get3A_50, %get3A_51, %get3A_52] : memref<8x1024x128xf32, #tpu.memory_space<vmem>>, vector<1x1024x128xf32>
    %get3A_54 = vector.shape_cast %get3A_53 : vector<1x1024x128xf32> to vector<1024x128xf32>
    %sub3A_55 = arith.subf %get3A_1, %get3A_54 : vector<1024x128xf32>
    %concatenate3A_56 = tpu.concatenate %sub3A_55, %get3A_54 in 1 : vector<1024x128xf32>, vector<1024x128xf32> -> vector<1024x256xf32>
    %get3A_57 = arith.constant 0 : index
    %get3A_58 = arith.constant 0 : index
    %get3A_59 = vector.load %arg3[%get3A_57, %get3A_58] : memref<256x64xf32, #tpu.memory_space<vmem>>, vector<256x64xf32>
    %dot_general3A_60 = arith.constant dense<0.000000e+00> : vector<1024x64xf32>
    %dot_general3A_61 = tpu.matmul %concatenate3A_56, %get3A_59, %dot_general3A_60 {dimension_numbers = #tpu.dot_dimension_numbers<[1], [0], [0], [1], [0, 0, 1, 1], [], []>, transpose_lhs_hint = false} : vector<1024x256xf32>, vector<256x64xf32>, vector<1024x64xf32> -> vector<1024x64xf32>
    %get3A_62 = arith.constant 0 : index
    %get3A_63 = arith.constant 0 : index
    %get3A_64 = vector.load %arg4[%get3A_62, %get3A_63] : memref<1x64xf32, #tpu.memory_space<vmem>>, vector<1x64xf32>
    %add3A_65 = vector.broadcast %get3A_64 : vector<1x64xf32> to vector<1024x64xf32>
    %add3A_66 = arith.addf %dot_general3A_61, %add3A_65 : vector<1024x64xf32>
    %max3A_67 = arith.maximumf %max3A_49, %add3A_66 : vector<1024x64xf32>
    %get3A_68 = arith.constant 4 : index
    %get3A_69 = arith.constant 0 : index
    %get3A_70 = arith.constant 0 : index
    %get3A_71 = vector.load %arg1[%get3A_68, %get3A_69, %get3A_70] : memref<8x1024x128xf32, #tpu.memory_space<vmem>>, vector<1x1024x128xf32>
    %get3A_72 = vector.shape_cast %get3A_71 : vector<1x1024x128xf32> to vector<1024x128xf32>
    %sub3A_73 = arith.subf %get3A_1, %get3A_72 : vector<1024x128xf32>
    %concatenate3A_74 = tpu.concatenate %sub3A_73, %get3A_72 in 1 : vector<1024x128xf32>, vector<1024x128xf32> -> vector<1024x256xf32>
    %get3A_75 = arith.constant 0 : index
    %get3A_76 = arith.constant 0 : index
    %get3A_77 = vector.load %arg3[%get3A_75, %get3A_76] : memref<256x64xf32, #tpu.memory_space<vmem>>, vector<256x64xf32>
    %dot_general3A_78 = arith.constant dense<0.000000e+00> : vector<1024x64xf32>
    %dot_general3A_79 = tpu.matmul %concatenate3A_74, %get3A_77, %dot_general3A_78 {dimension_numbers = #tpu.dot_dimension_numbers<[1], [0], [0], [1], [0, 0, 1, 1], [], []>, transpose_lhs_hint = false} : vector<1024x256xf32>, vector<256x64xf32>, vector<1024x64xf32> -> vector<1024x64xf32>
    %get3A_80 = arith.constant 0 : index
    %get3A_81 = arith.constant 0 : index
    %get3A_82 = vector.load %arg4[%get3A_80, %get3A_81] : memref<1x64xf32, #tpu.memory_space<vmem>>, vector<1x64xf32>
    %add3A_83 = vector.broadcast %get3A_82 : vector<1x64xf32> to vector<1024x64xf32>
    %add3A_84 = arith.addf %dot_general3A_79, %add3A_83 : vector<1024x64xf32>
    %max3A_85 = arith.maximumf %max3A_67, %add3A_84 : vector<1024x64xf32>
    %get3A_86 = arith.constant 5 : index
    %get3A_87 = arith.constant 0 : index
    %get3A_88 = arith.constant 0 : index
    %get3A_89 = vector.load %arg1[%get3A_86, %get3A_87, %get3A_88] : memref<8x1024x128xf32, #tpu.memory_space<vmem>>, vector<1x1024x128xf32>
    %get3A_90 = vector.shape_cast %get3A_89 : vector<1x1024x128xf32> to vector<1024x128xf32>
    %sub3A_91 = arith.subf %get3A_1, %get3A_90 : vector<1024x128xf32>
    %concatenate3A_92 = tpu.concatenate %sub3A_91, %get3A_90 in 1 : vector<1024x128xf32>, vector<1024x128xf32> -> vector<1024x256xf32>
    %get3A_93 = arith.constant 0 : index
    %get3A_94 = arith.constant 0 : index
    %get3A_95 = vector.load %arg3[%get3A_93, %get3A_94] : memref<256x64xf32, #tpu.memory_space<vmem>>, vector<256x64xf32>
    %dot_general3A_96 = arith.constant dense<0.000000e+00> : vector<1024x64xf32>
    %dot_general3A_97 = tpu.matmul %concatenate3A_92, %get3A_95, %dot_general3A_96 {dimension_numbers = #tpu.dot_dimension_numbers<[1], [0], [0], [1], [0, 0, 1, 1], [], []>, transpose_lhs_hint = false} : vector<1024x256xf32>, vector<256x64xf32>, vector<1024x64xf32> -> vector<1024x64xf32>
    %get3A_98 = arith.constant 0 : index
    %get3A_99 = arith.constant 0 : index
    %get3A_100 = vector.load %arg4[%get3A_98, %get3A_99] : memref<1x64xf32, #tpu.memory_space<vmem>>, vector<1x64xf32>
    %add3A_101 = vector.broadcast %get3A_100 : vector<1x64xf32> to vector<1024x64xf32>
    %add3A_102 = arith.addf %dot_general3A_97, %add3A_101 : vector<1024x64xf32>
    %max3A_103 = arith.maximumf %max3A_85, %add3A_102 : vector<1024x64xf32>
    %get3A_104 = arith.constant 6 : index
    %get3A_105 = arith.constant 0 : index
    %get3A_106 = arith.constant 0 : index
    %get3A_107 = vector.load %arg1[%get3A_104, %get3A_105, %get3A_106] : memref<8x1024x128xf32, #tpu.memory_space<vmem>>, vector<1x1024x128xf32>
    %get3A_108 = vector.shape_cast %get3A_107 : vector<1x1024x128xf32> to vector<1024x128xf32>
    %sub3A_109 = arith.subf %get3A_1, %get3A_108 : vector<1024x128xf32>
    %concatenate3A_110 = tpu.concatenate %sub3A_109, %get3A_108 in 1 : vector<1024x128xf32>, vector<1024x128xf32> -> vector<1024x256xf32>
    %get3A_111 = arith.constant 0 : index
    %get3A_112 = arith.constant 0 : index
    %get3A_113 = vector.load %arg3[%get3A_111, %get3A_112] : memref<256x64xf32, #tpu.memory_space<vmem>>, vector<256x64xf32>
    %dot_general3A_114 = arith.constant dense<0.000000e+00> : vector<1024x64xf32>
    %dot_general3A_115 = tpu.matmul %concatenate3A_110, %get3A_113, %dot_general3A_114 {dimension_numbers = #tpu.dot_dimension_numbers<[1], [0], [0], [1], [0, 0, 1, 1], [], []>, transpose_lhs_hint = false} : vector<1024x256xf32>, vector<256x64xf32>, vector<1024x64xf32> -> vector<1024x64xf32>
    %get3A_116 = arith.constant 0 : index
    %get3A_117 = arith.constant 0 : index
    %get3A_118 = vector.load %arg4[%get3A_116, %get3A_117] : memref<1x64xf32, #tpu.memory_space<vmem>>, vector<1x64xf32>
    %add3A_119 = vector.broadcast %get3A_118 : vector<1x64xf32> to vector<1024x64xf32>
    %add3A_120 = arith.addf %dot_general3A_115, %add3A_119 : vector<1024x64xf32>
    %max3A_121 = arith.maximumf %max3A_103, %add3A_120 : vector<1024x64xf32>
    %get3A_122 = arith.constant 7 : index
    %get3A_123 = arith.constant 0 : index
    %get3A_124 = arith.constant 0 : index
    %get3A_125 = vector.load %arg1[%get3A_122, %get3A_123, %get3A_124] : memref<8x1024x128xf32, #tpu.memory_space<vmem>>, vector<1x1024x128xf32>
    %get3A_126 = vector.shape_cast %get3A_125 : vector<1x1024x128xf32> to vector<1024x128xf32>
    %sub3A_127 = arith.subf %get3A_1, %get3A_126 : vector<1024x128xf32>
    %concatenate3A_128 = tpu.concatenate %sub3A_127, %get3A_126 in 1 : vector<1024x128xf32>, vector<1024x128xf32> -> vector<1024x256xf32>
    %get3A_129 = arith.constant 0 : index
    %get3A_130 = arith.constant 0 : index
    %get3A_131 = vector.load %arg3[%get3A_129, %get3A_130] : memref<256x64xf32, #tpu.memory_space<vmem>>, vector<256x64xf32>
    %dot_general3A_132 = arith.constant dense<0.000000e+00> : vector<1024x64xf32>
    %dot_general3A_133 = tpu.matmul %concatenate3A_128, %get3A_131, %dot_general3A_132 {dimension_numbers = #tpu.dot_dimension_numbers<[1], [0], [0], [1], [0, 0, 1, 1], [], []>, transpose_lhs_hint = false} : vector<1024x256xf32>, vector<256x64xf32>, vector<1024x64xf32> -> vector<1024x64xf32>
    %get3A_134 = arith.constant 0 : index
    %get3A_135 = arith.constant 0 : index
    %get3A_136 = vector.load %arg4[%get3A_134, %get3A_135] : memref<1x64xf32, #tpu.memory_space<vmem>>, vector<1x64xf32>
    %add3A_137 = vector.broadcast %get3A_136 : vector<1x64xf32> to vector<1024x64xf32>
    %add3A_138 = arith.addf %dot_general3A_133, %add3A_137 : vector<1024x64xf32>
    %max3A_139 = arith.maximumf %max3A_121, %add3A_138 : vector<1024x64xf32>
    %get3A_140 = arith.constant 0 : index
    %get3A_141 = arith.constant 0 : index
    %get3A_142 = vector.load %arg5[%get3A_140, %get3A_141] : memref<16x64xf32, #tpu.memory_space<vmem>>, vector<16x64xf32>
    %slice3A = vector.extract_strided_slice %get3A_142 {offsets = [0, 0], sizes = [1, 64], strides = [1, 1]} : vector<16x64xf32> to vector<1x64xf32>
    %squeeze3A = vector.shape_cast %slice3A : vector<1x64xf32> to vector<64xf32>
    %slice3A_143 = vector.extract_strided_slice %get3A_142 {offsets = [1, 0], sizes = [1, 64], strides = [1, 1]} : vector<16x64xf32> to vector<1x64xf32>
    %squeeze3A_144 = vector.shape_cast %slice3A_143 : vector<1x64xf32> to vector<64xf32>
    %add3A_145 = arith.addf %squeeze3A, %squeeze3A_144 : vector<64xf32>
    %slice3A_146 = vector.extract_strided_slice %get3A_142 {offsets = [2, 0], sizes = [1, 64], strides = [1, 1]} : vector<16x64xf32> to vector<1x64xf32>
    %squeeze3A_147 = vector.shape_cast %slice3A_146 : vector<1x64xf32> to vector<64xf32>
    %slice3A_148 = vector.extract_strided_slice %get3A_142 {offsets = [3, 0], sizes = [1, 64], strides = [1, 1]} : vector<16x64xf32> to vector<1x64xf32>
    %squeeze3A_149 = vector.shape_cast %slice3A_148 : vector<1x64xf32> to vector<64xf32>
    %add3A_150 = arith.addf %squeeze3A_147, %squeeze3A_149 : vector<64xf32>
    %add3A_151 = arith.addf %add3A_145, %add3A_150 : vector<64xf32>
    %slice3A_152 = vector.extract_strided_slice %get3A_142 {offsets = [4, 0], sizes = [1, 64], strides = [1, 1]} : vector<16x64xf32> to vector<1x64xf32>
    %squeeze3A_153 = vector.shape_cast %slice3A_152 : vector<1x64xf32> to vector<64xf32>
    %slice3A_154 = vector.extract_strided_slice %get3A_142 {offsets = [5, 0], sizes = [1, 64], strides = [1, 1]} : vector<16x64xf32> to vector<1x64xf32>
    %squeeze3A_155 = vector.shape_cast %slice3A_154 : vector<1x64xf32> to vector<64xf32>
    %add3A_156 = arith.addf %squeeze3A_153, %squeeze3A_155 : vector<64xf32>
    %slice3A_157 = vector.extract_strided_slice %get3A_142 {offsets = [6, 0], sizes = [1, 64], strides = [1, 1]} : vector<16x64xf32> to vector<1x64xf32>
    %squeeze3A_158 = vector.shape_cast %slice3A_157 : vector<1x64xf32> to vector<64xf32>
    %slice3A_159 = vector.extract_strided_slice %get3A_142 {offsets = [7, 0], sizes = [1, 64], strides = [1, 1]} : vector<16x64xf32> to vector<1x64xf32>
    %squeeze3A_160 = vector.shape_cast %slice3A_159 : vector<1x64xf32> to vector<64xf32>
    %add3A_161 = arith.addf %squeeze3A_158, %squeeze3A_160 : vector<64xf32>
    %add3A_162 = arith.addf %add3A_156, %add3A_161 : vector<64xf32>
    %add3A_163 = arith.addf %add3A_151, %add3A_162 : vector<64xf32>
    %slice3A_164 = vector.extract_strided_slice %get3A_142 {offsets = [8, 0], sizes = [1, 64], strides = [1, 1]} : vector<16x64xf32> to vector<1x64xf32>
    %squeeze3A_165 = vector.shape_cast %slice3A_164 : vector<1x64xf32> to vector<64xf32>
    %slice3A_166 = vector.extract_strided_slice %get3A_142 {offsets = [9, 0], sizes = [1, 64], strides = [1, 1]} : vector<16x64xf32> to vector<1x64xf32>
    %squeeze3A_167 = vector.shape_cast %slice3A_166 : vector<1x64xf32> to vector<64xf32>
    %add3A_168 = arith.addf %squeeze3A_165, %squeeze3A_167 : vector<64xf32>
    %slice3A_169 = vector.extract_strided_slice %get3A_142 {offsets = [10, 0], sizes = [1, 64], strides = [1, 1]} : vector<16x64xf32> to vector<1x64xf32>
    %squeeze3A_170 = vector.shape_cast %slice3A_169 : vector<1x64xf32> to vector<64xf32>
    %slice3A_171 = vector.extract_strided_slice %get3A_142 {offsets = [11, 0], sizes = [1, 64], strides = [1, 1]} : vector<16x64xf32> to vector<1x64xf32>
    %squeeze3A_172 = vector.shape_cast %slice3A_171 : vector<1x64xf32> to vector<64xf32>
    %add3A_173 = arith.addf %squeeze3A_170, %squeeze3A_172 : vector<64xf32>
    %add3A_174 = arith.addf %add3A_168, %add3A_173 : vector<64xf32>
    %slice3A_175 = vector.extract_strided_slice %get3A_142 {offsets = [12, 0], sizes = [1, 64], strides = [1, 1]} : vector<16x64xf32> to vector<1x64xf32>
    %squeeze3A_176 = vector.shape_cast %slice3A_175 : vector<1x64xf32> to vector<64xf32>
    %slice3A_177 = vector.extract_strided_slice %get3A_142 {offsets = [13, 0], sizes = [1, 64], strides = [1, 1]} : vector<16x64xf32> to vector<1x64xf32>
    %squeeze3A_178 = vector.shape_cast %slice3A_177 : vector<1x64xf32> to vector<64xf32>
    %add3A_179 = arith.addf %squeeze3A_176, %squeeze3A_178 : vector<64xf32>
    %slice3A_180 = vector.extract_strided_slice %get3A_142 {offsets = [14, 0], sizes = [1, 64], strides = [1, 1]} : vector<16x64xf32> to vector<1x64xf32>
    %squeeze3A_181 = vector.shape_cast %slice3A_180 : vector<1x64xf32> to vector<64xf32>
    %slice3A_182 = vector.extract_strided_slice %get3A_142 {offsets = [15, 0], sizes = [1, 64], strides = [1, 1]} : vector<16x64xf32> to vector<1x64xf32>
    %squeeze3A_183 = vector.shape_cast %slice3A_182 : vector<1x64xf32> to vector<64xf32>
    %add3A_184 = arith.addf %squeeze3A_181, %squeeze3A_183 : vector<64xf32>
    %add3A_185 = arith.addf %add3A_179, %add3A_184 : vector<64xf32>
    %add3A_186 = arith.addf %add3A_174, %add3A_185 : vector<64xf32>
    %mul3A = arith.constant 7.62939453E-6 : f32
    %mul3A_187 = vector.broadcast %mul3A : f32 to vector<64xf32>
    %mul3A_188 = arith.mulf %add3A_163, %mul3A_187 : vector<64xf32>
    %mul3A_189 = arith.constant 7.62939453E-6 : f32
    %mul3A_190 = vector.broadcast %mul3A_189 : f32 to vector<64xf32>
    %mul3A_191 = arith.mulf %add3A_186, %mul3A_190 : vector<64xf32>
    %mul3A_192 = arith.mulf %mul3A_188, %mul3A_188 : vector<64xf32>
    %sub3A_193 = arith.subf %mul3A_191, %mul3A_192 : vector<64xf32>
    %get3A_194 = arith.constant 0 : index
    %get3A_195 = arith.constant 0 : index
    %get3A_196 = vector.load %arg6[%get3A_194, %get3A_195] : memref<1x64xf32, #tpu.memory_space<vmem>>, vector<1x64xf32>
    %broadcast_in_dim3A = vector.shape_cast %mul3A_188 : vector<64xf32> to vector<1x64xf32>
    %sub3A_197 = vector.broadcast %broadcast_in_dim3A : vector<1x64xf32> to vector<1024x64xf32>
    %sub3A_198 = arith.subf %max3A_139, %sub3A_197 : vector<1024x64xf32>
    %mul3A_199 = vector.broadcast %get3A_196 : vector<1x64xf32> to vector<1024x64xf32>
    %mul3A_200 = arith.mulf %mul3A_199, %sub3A_198 : vector<1024x64xf32>
    %add3A_201 = arith.constant 9.99999974E-6 : f32
    %add3A_202 = vector.broadcast %add3A_201 : f32 to vector<64xf32>
    %add3A_203 = arith.addf %sub3A_193, %add3A_202 : vector<64xf32>
    %sqrt3A = math.sqrt %add3A_203 : vector<64xf32>
    %broadcast_in_dim3A_204 = vector.shape_cast %sqrt3A : vector<64xf32> to vector<1x64xf32>
    %div3A = vector.broadcast %broadcast_in_dim3A_204 : vector<1x64xf32> to vector<1024x64xf32>
    %div3A_205 = arith.divf %mul3A_200, %div3A : vector<1024x64xf32>
    %get3A_206 = arith.constant 0 : index
    %get3A_207 = arith.constant 0 : index
    %get3A_208 = vector.load %arg7[%get3A_206, %get3A_207] : memref<1x64xf32, #tpu.memory_space<vmem>>, vector<1x64xf32>
    %add3A_209 = vector.broadcast %get3A_208 : vector<1x64xf32> to vector<1024x64xf32>
    %add3A_210 = arith.addf %div3A_205, %add3A_209 : vector<1024x64xf32>
    %max3A_211 = arith.constant 0.000000e+00 : f32
    %max3A_212 = vector.broadcast %max3A_211 : f32 to vector<1024x64xf32>
    %max3A_213 = arith.maximumf %add3A_210, %max3A_212 : vector<1024x64xf32>
    %jit3A = arith.constant 0 : i32
    %convert_element_type3A = arith.sitofp %jit3A : i32 to f32
    %pad3A = vector.broadcast %convert_element_type3A : f32 to vector<1024x64xf32>
    %pad3A_214 = tpu.concatenate %max3A_213, %pad3A in 1 : vector<1024x64xf32>, vector<1024x64xf32> -> vector<1024x128xf32>
    %swap3A = arith.constant 0 : index
    %swap3A_215 = arith.constant 0 : index
    %swap3A_216 = vector.load %arg8[%swap3A, %swap3A_215] : memref<1024x128xf32, #tpu.memory_space<vmem>>, vector<1024x128xf32>
    tpu.vector_store %arg8[%swap3A, %swap3A_215], %pad3A_214 {strides = array<i32>} : memref<1024x128xf32, #tpu.memory_space<vmem>>, vector<1024x128xf32>,
    return
  }
  func.func @transform_0(%arg0: i32) -> (i32, i32, i32) {
    %c0_i32 = arith.constant 0 : i32
    %c0_i32_0 = arith.constant 0 : i32
    %c0_i32_1 = arith.constant 0 : i32
    return %c0_i32, %arg0, %c0_i32_0 : i32, i32, i32
  }
  func.func @transform_1(%arg0: i32) -> (i32, i32) {
    %c0_i32 = arith.constant 0 : i32
    %c0_i32_0 = arith.constant 0 : i32
    return %arg0, %c0_i32 : i32, i32
  }
  func.func @transform_2(%arg0: i32) -> (i32, i32) {
    %c0_i32 = arith.constant 0 : i32
    %c0_i32_0 = arith.constant 0 : i32
    %c0_i32_1 = arith.constant 0 : i32
    return %c0_i32, %c0_i32_0 : i32, i32
  }
  func.func @transform_3(%arg0: i32) -> (i32, i32) {
    %c0_i32 = arith.constant 0 : i32
    %c0_i32_0 = arith.constant 0 : i32
    %c0_i32_1 = arith.constant 0 : i32
    return %c0_i32, %c0_i32_0 : i32, i32
  }
  func.func @transform_4(%arg0: i32) -> (i32, i32) {
    %c0_i32 = arith.constant 0 : i32
    %c0_i32_0 = arith.constant 0 : i32
    %c0_i32_1 = arith.constant 0 : i32
    return %c0_i32, %c0_i32_0 : i32, i32
  }
  func.func @transform_5(%arg0: i32) -> (i32, i32) {
    %c0_i32 = arith.constant 0 : i32
    %c0_i32_0 = arith.constant 0 : i32
    %c0_i32_1 = arith.constant 0 : i32
    return %c0_i32, %c0_i32_0 : i32, i32
  }
  func.func @transform_6(%arg0: i32) -> (i32, i32) {
    %c0_i32 = arith.constant 0 : i32
    %c0_i32_0 = arith.constant 0 : i32
    %c0_i32_1 = arith.constant 0 : i32
    return %c0_i32, %c0_i32_0 : i32, i32
  }
  func.func @transform_7(%arg0: i32) -> (i32, i32) {
    %c0_i32 = arith.constant 0 : i32
    %c0_i32_0 = arith.constant 0 : i32
    return %arg0, %c0_i32 : i32, i32
  }
}

module attributes {stable_mosaic.version = 14 : i64} {
  func.func @_out_body(%arg0: i32, %arg1: memref<8x1024x128xf32, #tpu.memory_space<vmem>>, %arg2: memref<1024x128xf32, #tpu.memory_space<vmem>>, %arg3: memref<256x128xf32, #tpu.memory_space<vmem>>, %arg4: memref<1x128xf32, #tpu.memory_space<vmem>>, %arg5: memref<16x128xf32, #tpu.memory_space<vmem>>, %arg6: memref<1x128xf32, #tpu.memory_space<vmem>>, %arg7: memref<1x128xf32, #tpu.memory_space<vmem>>, %arg8: memref<1024x128xf32, #tpu.memory_space<vmem>>) attributes {dimension_semantics = [#tpu.dimension_semantics<arbitrary>], iteration_bounds = array<i64: 16>, scalar_prefetch = 0 : i64, scratch_operands = 0 : i64, tpu.core_type = #tpu.core_type<tc>, window_params = [{transform_indices = @transform_0, window_bounds = array<i64: 8, 1024, 128>}, {transform_indices = @transform_1, window_bounds = array<i64: 1024, 128>}, {pipeline_mode = #tpu.pipeline_mode<synchronous>, transform_indices = @transform_2, window_bounds = array<i64: 256, 128>}, {pipeline_mode = #tpu.pipeline_mode<synchronous>, transform_indices = @transform_3, window_bounds = array<i64: 1, 128>}, {pipeline_mode = #tpu.pipeline_mode<synchronous>, transform_indices = @transform_4, window_bounds = array<i64: 16, 128>}, {pipeline_mode = #tpu.pipeline_mode<synchronous>, transform_indices = @transform_5, window_bounds = array<i64: 1, 128>}, {pipeline_mode = #tpu.pipeline_mode<synchronous>, transform_indices = @transform_6, window_bounds = array<i64: 1, 128>}, {transform_indices = @transform_7, window_bounds = array<i64: 1024, 128>}]} {
    %get3A = arith.constant 0 : index
    %get3A_0 = arith.constant 0 : index
    %get3A_1 = vector.load %arg2[%get3A, %get3A_0] : memref<1024x128xf32, #tpu.memory_space<vmem>>, vector<1024x128xf32>
    %get3A_2 = arith.constant 0 : index
    %get3A_3 = arith.constant 0 : index
    %get3A_4 = arith.constant 0 : index
    %get3A_5 = vector.load %arg1[%get3A_2, %get3A_3, %get3A_4] : memref<8x1024x128xf32, #tpu.memory_space<vmem>>, vector<1x1024x128xf32>
    %get3A_6 = vector.shape_cast %get3A_5 : vector<1x1024x128xf32> to vector<1024x128xf32>
    %sub3A = arith.subf %get3A_1, %get3A_6 : vector<1024x128xf32>
    %concatenate3A = tpu.concatenate %sub3A, %get3A_6 in 1 : vector<1024x128xf32>, vector<1024x128xf32> -> vector<1024x256xf32>
    %get3A_7 = arith.constant 0 : index
    %get3A_8 = arith.constant 0 : index
    %get3A_9 = vector.load %arg3[%get3A_7, %get3A_8] : memref<256x128xf32, #tpu.memory_space<vmem>>, vector<256x128xf32>
    %dot_general3A = arith.constant dense<0.000000e+00> : vector<1024x128xf32>
    %dot_general3A_10 = tpu.matmul %concatenate3A, %get3A_9, %dot_general3A {dimension_numbers = #tpu.dot_dimension_numbers<[1], [0], [0], [1], [0, 0, 1, 1], [], []>, transpose_lhs_hint = false} : vector<1024x256xf32>, vector<256x128xf32>, vector<1024x128xf32> -> vector<1024x128xf32>
    %get3A_11 = arith.constant 0 : index
    %get3A_12 = arith.constant 0 : index
    %get3A_13 = vector.load %arg4[%get3A_11, %get3A_12] : memref<1x128xf32, #tpu.memory_space<vmem>>, vector<1x128xf32>
    %add3A = vector.broadcast %get3A_13 : vector<1x128xf32> to vector<1024x128xf32>
    %add3A_14 = arith.addf %dot_general3A_10, %add3A : vector<1024x128xf32>
    %get3A_15 = arith.constant 1 : index
    %get3A_16 = arith.constant 0 : index
    %get3A_17 = arith.constant 0 : index
    %get3A_18 = vector.load %arg1[%get3A_15, %get3A_16, %get3A_17] : memref<8x1024x128xf32, #tpu.memory_space<vmem>>, vector<1x1024x128xf32>
    %get3A_19 = vector.shape_cast %get3A_18 : vector<1x1024x128xf32> to vector<1024x128xf32>
    %sub3A_20 = arith.subf %get3A_1, %get3A_19 : vector<1024x128xf32>
    %concatenate3A_21 = tpu.concatenate %sub3A_20, %get3A_19 in 1 : vector<1024x128xf32>, vector<1024x128xf32> -> vector<1024x256xf32>
    %get3A_22 = arith.constant 0 : index
    %get3A_23 = arith.constant 0 : index
    %get3A_24 = vector.load %arg3[%get3A_22, %get3A_23] : memref<256x128xf32, #tpu.memory_space<vmem>>, vector<256x128xf32>
    %dot_general3A_25 = arith.constant dense<0.000000e+00> : vector<1024x128xf32>
    %dot_general3A_26 = tpu.matmul %concatenate3A_21, %get3A_24, %dot_general3A_25 {dimension_numbers = #tpu.dot_dimension_numbers<[1], [0], [0], [1], [0, 0, 1, 1], [], []>, transpose_lhs_hint = false} : vector<1024x256xf32>, vector<256x128xf32>, vector<1024x128xf32> -> vector<1024x128xf32>
    %get3A_27 = arith.constant 0 : index
    %get3A_28 = arith.constant 0 : index
    %get3A_29 = vector.load %arg4[%get3A_27, %get3A_28] : memref<1x128xf32, #tpu.memory_space<vmem>>, vector<1x128xf32>
    %add3A_30 = vector.broadcast %get3A_29 : vector<1x128xf32> to vector<1024x128xf32>
    %add3A_31 = arith.addf %dot_general3A_26, %add3A_30 : vector<1024x128xf32>
    %max3A = arith.maximumf %add3A_14, %add3A_31 : vector<1024x128xf32>
    %get3A_32 = arith.constant 2 : index
    %get3A_33 = arith.constant 0 : index
    %get3A_34 = arith.constant 0 : index
    %get3A_35 = vector.load %arg1[%get3A_32, %get3A_33, %get3A_34] : memref<8x1024x128xf32, #tpu.memory_space<vmem>>, vector<1x1024x128xf32>
    %get3A_36 = vector.shape_cast %get3A_35 : vector<1x1024x128xf32> to vector<1024x128xf32>
    %sub3A_37 = arith.subf %get3A_1, %get3A_36 : vector<1024x128xf32>
    %concatenate3A_38 = tpu.concatenate %sub3A_37, %get3A_36 in 1 : vector<1024x128xf32>, vector<1024x128xf32> -> vector<1024x256xf32>
    %get3A_39 = arith.constant 0 : index
    %get3A_40 = arith.constant 0 : index
    %get3A_41 = vector.load %arg3[%get3A_39, %get3A_40] : memref<256x128xf32, #tpu.memory_space<vmem>>, vector<256x128xf32>
    %dot_general3A_42 = arith.constant dense<0.000000e+00> : vector<1024x128xf32>
    %dot_general3A_43 = tpu.matmul %concatenate3A_38, %get3A_41, %dot_general3A_42 {dimension_numbers = #tpu.dot_dimension_numbers<[1], [0], [0], [1], [0, 0, 1, 1], [], []>, transpose_lhs_hint = false} : vector<1024x256xf32>, vector<256x128xf32>, vector<1024x128xf32> -> vector<1024x128xf32>
    %get3A_44 = arith.constant 0 : index
    %get3A_45 = arith.constant 0 : index
    %get3A_46 = vector.load %arg4[%get3A_44, %get3A_45] : memref<1x128xf32, #tpu.memory_space<vmem>>, vector<1x128xf32>
    %add3A_47 = vector.broadcast %get3A_46 : vector<1x128xf32> to vector<1024x128xf32>
    %add3A_48 = arith.addf %dot_general3A_43, %add3A_47 : vector<1024x128xf32>
    %max3A_49 = arith.maximumf %max3A, %add3A_48 : vector<1024x128xf32>
    %get3A_50 = arith.constant 3 : index
    %get3A_51 = arith.constant 0 : index
    %get3A_52 = arith.constant 0 : index
    %get3A_53 = vector.load %arg1[%get3A_50, %get3A_51, %get3A_52] : memref<8x1024x128xf32, #tpu.memory_space<vmem>>, vector<1x1024x128xf32>
    %get3A_54 = vector.shape_cast %get3A_53 : vector<1x1024x128xf32> to vector<1024x128xf32>
    %sub3A_55 = arith.subf %get3A_1, %get3A_54 : vector<1024x128xf32>
    %concatenate3A_56 = tpu.concatenate %sub3A_55, %get3A_54 in 1 : vector<1024x128xf32>, vector<1024x128xf32> -> vector<1024x256xf32>
    %get3A_57 = arith.constant 0 : index
    %get3A_58 = arith.constant 0 : index
    %get3A_59 = vector.load %arg3[%get3A_57, %get3A_58] : memref<256x128xf32, #tpu.memory_space<vmem>>, vector<256x128xf32>
    %dot_general3A_60 = arith.constant dense<0.000000e+00> : vector<1024x128xf32>
    %dot_general3A_61 = tpu.matmul %concatenate3A_56, %get3A_59, %dot_general3A_60 {dimension_numbers = #tpu.dot_dimension_numbers<[1], [0], [0], [1], [0, 0, 1, 1], [], []>, transpose_lhs_hint = false} : vector<1024x256xf32>, vector<256x128xf32>, vector<1024x128xf32> -> vector<1024x128xf32>
    %get3A_62 = arith.constant 0 : index
    %get3A_63 = arith.constant 0 : index
    %get3A_64 = vector.load %arg4[%get3A_62, %get3A_63] : memref<1x128xf32, #tpu.memory_space<vmem>>, vector<1x128xf32>
    %add3A_65 = vector.broadcast %get3A_64 : vector<1x128xf32> to vector<1024x128xf32>
    %add3A_66 = arith.addf %dot_general3A_61, %add3A_65 : vector<1024x128xf32>
    %max3A_67 = arith.maximumf %max3A_49, %add3A_66 : vector<1024x128xf32>
    %get3A_68 = arith.constant 4 : index
    %get3A_69 = arith.constant 0 : index
    %get3A_70 = arith.constant 0 : index
    %get3A_71 = vector.load %arg1[%get3A_68, %get3A_69, %get3A_70] : memref<8x1024x128xf32, #tpu.memory_space<vmem>>, vector<1x1024x128xf32>
    %get3A_72 = vector.shape_cast %get3A_71 : vector<1x1024x128xf32> to vector<1024x128xf32>
    %sub3A_73 = arith.subf %get3A_1, %get3A_72 : vector<1024x128xf32>
    %concatenate3A_74 = tpu.concatenate %sub3A_73, %get3A_72 in 1 : vector<1024x128xf32>, vector<1024x128xf32> -> vector<1024x256xf32>
    %get3A_75 = arith.constant 0 : index
    %get3A_76 = arith.constant 0 : index
    %get3A_77 = vector.load %arg3[%get3A_75, %get3A_76] : memref<256x128xf32, #tpu.memory_space<vmem>>, vector<256x128xf32>
    %dot_general3A_78 = arith.constant dense<0.000000e+00> : vector<1024x128xf32>
    %dot_general3A_79 = tpu.matmul %concatenate3A_74, %get3A_77, %dot_general3A_78 {dimension_numbers = #tpu.dot_dimension_numbers<[1], [0], [0], [1], [0, 0, 1, 1], [], []>, transpose_lhs_hint = false} : vector<1024x256xf32>, vector<256x128xf32>, vector<1024x128xf32> -> vector<1024x128xf32>
    %get3A_80 = arith.constant 0 : index
    %get3A_81 = arith.constant 0 : index
    %get3A_82 = vector.load %arg4[%get3A_80, %get3A_81] : memref<1x128xf32, #tpu.memory_space<vmem>>, vector<1x128xf32>
    %add3A_83 = vector.broadcast %get3A_82 : vector<1x128xf32> to vector<1024x128xf32>
    %add3A_84 = arith.addf %dot_general3A_79, %add3A_83 : vector<1024x128xf32>
    %max3A_85 = arith.maximumf %max3A_67, %add3A_84 : vector<1024x128xf32>
    %get3A_86 = arith.constant 5 : index
    %get3A_87 = arith.constant 0 : index
    %get3A_88 = arith.constant 0 : index
    %get3A_89 = vector.load %arg1[%get3A_86, %get3A_87, %get3A_88] : memref<8x1024x128xf32, #tpu.memory_space<vmem>>, vector<1x1024x128xf32>
    %get3A_90 = vector.shape_cast %get3A_89 : vector<1x1024x128xf32> to vector<1024x128xf32>
    %sub3A_91 = arith.subf %get3A_1, %get3A_90 : vector<1024x128xf32>
    %concatenate3A_92 = tpu.concatenate %sub3A_91, %get3A_90 in 1 : vector<1024x128xf32>, vector<1024x128xf32> -> vector<1024x256xf32>
    %get3A_93 = arith.constant 0 : index
    %get3A_94 = arith.constant 0 : index
    %get3A_95 = vector.load %arg3[%get3A_93, %get3A_94] : memref<256x128xf32, #tpu.memory_space<vmem>>, vector<256x128xf32>
    %dot_general3A_96 = arith.constant dense<0.000000e+00> : vector<1024x128xf32>
    %dot_general3A_97 = tpu.matmul %concatenate3A_92, %get3A_95, %dot_general3A_96 {dimension_numbers = #tpu.dot_dimension_numbers<[1], [0], [0], [1], [0, 0, 1, 1], [], []>, transpose_lhs_hint = false} : vector<1024x256xf32>, vector<256x128xf32>, vector<1024x128xf32> -> vector<1024x128xf32>
    %get3A_98 = arith.constant 0 : index
    %get3A_99 = arith.constant 0 : index
    %get3A_100 = vector.load %arg4[%get3A_98, %get3A_99] : memref<1x128xf32, #tpu.memory_space<vmem>>, vector<1x128xf32>
    %add3A_101 = vector.broadcast %get3A_100 : vector<1x128xf32> to vector<1024x128xf32>
    %add3A_102 = arith.addf %dot_general3A_97, %add3A_101 : vector<1024x128xf32>
    %max3A_103 = arith.maximumf %max3A_85, %add3A_102 : vector<1024x128xf32>
    %get3A_104 = arith.constant 6 : index
    %get3A_105 = arith.constant 0 : index
    %get3A_106 = arith.constant 0 : index
    %get3A_107 = vector.load %arg1[%get3A_104, %get3A_105, %get3A_106] : memref<8x1024x128xf32, #tpu.memory_space<vmem>>, vector<1x1024x128xf32>
    %get3A_108 = vector.shape_cast %get3A_107 : vector<1x1024x128xf32> to vector<1024x128xf32>
    %sub3A_109 = arith.subf %get3A_1, %get3A_108 : vector<1024x128xf32>
    %concatenate3A_110 = tpu.concatenate %sub3A_109, %get3A_108 in 1 : vector<1024x128xf32>, vector<1024x128xf32> -> vector<1024x256xf32>
    %get3A_111 = arith.constant 0 : index
    %get3A_112 = arith.constant 0 : index
    %get3A_113 = vector.load %arg3[%get3A_111, %get3A_112] : memref<256x128xf32, #tpu.memory_space<vmem>>, vector<256x128xf32>
    %dot_general3A_114 = arith.constant dense<0.000000e+00> : vector<1024x128xf32>
    %dot_general3A_115 = tpu.matmul %concatenate3A_110, %get3A_113, %dot_general3A_114 {dimension_numbers = #tpu.dot_dimension_numbers<[1], [0], [0], [1], [0, 0, 1, 1], [], []>, transpose_lhs_hint = false} : vector<1024x256xf32>, vector<256x128xf32>, vector<1024x128xf32> -> vector<1024x128xf32>
    %get3A_116 = arith.constant 0 : index
    %get3A_117 = arith.constant 0 : index
    %get3A_118 = vector.load %arg4[%get3A_116, %get3A_117] : memref<1x128xf32, #tpu.memory_space<vmem>>, vector<1x128xf32>
    %add3A_119 = vector.broadcast %get3A_118 : vector<1x128xf32> to vector<1024x128xf32>
    %add3A_120 = arith.addf %dot_general3A_115, %add3A_119 : vector<1024x128xf32>
    %max3A_121 = arith.maximumf %max3A_103, %add3A_120 : vector<1024x128xf32>
    %get3A_122 = arith.constant 7 : index
    %get3A_123 = arith.constant 0 : index
    %get3A_124 = arith.constant 0 : index
    %get3A_125 = vector.load %arg1[%get3A_122, %get3A_123, %get3A_124] : memref<8x1024x128xf32, #tpu.memory_space<vmem>>, vector<1x1024x128xf32>
    %get3A_126 = vector.shape_cast %get3A_125 : vector<1x1024x128xf32> to vector<1024x128xf32>
    %sub3A_127 = arith.subf %get3A_1, %get3A_126 : vector<1024x128xf32>
    %concatenate3A_128 = tpu.concatenate %sub3A_127, %get3A_126 in 1 : vector<1024x128xf32>, vector<1024x128xf32> -> vector<1024x256xf32>
    %get3A_129 = arith.constant 0 : index
    %get3A_130 = arith.constant 0 : index
    %get3A_131 = vector.load %arg3[%get3A_129, %get3A_130] : memref<256x128xf32, #tpu.memory_space<vmem>>, vector<256x128xf32>
    %dot_general3A_132 = arith.constant dense<0.000000e+00> : vector<1024x128xf32>
    %dot_general3A_133 = tpu.matmul %concatenate3A_128, %get3A_131, %dot_general3A_132 {dimension_numbers = #tpu.dot_dimension_numbers<[1], [0], [0], [1], [0, 0, 1, 1], [], []>, transpose_lhs_hint = false} : vector<1024x256xf32>, vector<256x128xf32>, vector<1024x128xf32> -> vector<1024x128xf32>
    %get3A_134 = arith.constant 0 : index
    %get3A_135 = arith.constant 0 : index
    %get3A_136 = vector.load %arg4[%get3A_134, %get3A_135] : memref<1x128xf32, #tpu.memory_space<vmem>>, vector<1x128xf32>
    %add3A_137 = vector.broadcast %get3A_136 : vector<1x128xf32> to vector<1024x128xf32>
    %add3A_138 = arith.addf %dot_general3A_133, %add3A_137 : vector<1024x128xf32>
    %max3A_139 = arith.maximumf %max3A_121, %add3A_138 : vector<1024x128xf32>
    %get3A_140 = arith.constant 0 : index
    %get3A_141 = arith.constant 0 : index
    %get3A_142 = vector.load %arg5[%get3A_140, %get3A_141] : memref<16x128xf32, #tpu.memory_space<vmem>>, vector<16x128xf32>
    %slice3A = vector.extract_strided_slice %get3A_142 {offsets = [0, 0], sizes = [1, 128], strides = [1, 1]} : vector<16x128xf32> to vector<1x128xf32>
    %squeeze3A = vector.shape_cast %slice3A : vector<1x128xf32> to vector<128xf32>
    %slice3A_143 = vector.extract_strided_slice %get3A_142 {offsets = [1, 0], sizes = [1, 128], strides = [1, 1]} : vector<16x128xf32> to vector<1x128xf32>
    %squeeze3A_144 = vector.shape_cast %slice3A_143 : vector<1x128xf32> to vector<128xf32>
    %add3A_145 = arith.addf %squeeze3A, %squeeze3A_144 : vector<128xf32>
    %slice3A_146 = vector.extract_strided_slice %get3A_142 {offsets = [2, 0], sizes = [1, 128], strides = [1, 1]} : vector<16x128xf32> to vector<1x128xf32>
    %squeeze3A_147 = vector.shape_cast %slice3A_146 : vector<1x128xf32> to vector<128xf32>
    %slice3A_148 = vector.extract_strided_slice %get3A_142 {offsets = [3, 0], sizes = [1, 128], strides = [1, 1]} : vector<16x128xf32> to vector<1x128xf32>
    %squeeze3A_149 = vector.shape_cast %slice3A_148 : vector<1x128xf32> to vector<128xf32>
    %add3A_150 = arith.addf %squeeze3A_147, %squeeze3A_149 : vector<128xf32>
    %add3A_151 = arith.addf %add3A_145, %add3A_150 : vector<128xf32>
    %slice3A_152 = vector.extract_strided_slice %get3A_142 {offsets = [4, 0], sizes = [1, 128], strides = [1, 1]} : vector<16x128xf32> to vector<1x128xf32>
    %squeeze3A_153 = vector.shape_cast %slice3A_152 : vector<1x128xf32> to vector<128xf32>
    %slice3A_154 = vector.extract_strided_slice %get3A_142 {offsets = [5, 0], sizes = [1, 128], strides = [1, 1]} : vector<16x128xf32> to vector<1x128xf32>
    %squeeze3A_155 = vector.shape_cast %slice3A_154 : vector<1x128xf32> to vector<128xf32>
    %add3A_156 = arith.addf %squeeze3A_153, %squeeze3A_155 : vector<128xf32>
    %slice3A_157 = vector.extract_strided_slice %get3A_142 {offsets = [6, 0], sizes = [1, 128], strides = [1, 1]} : vector<16x128xf32> to vector<1x128xf32>
    %squeeze3A_158 = vector.shape_cast %slice3A_157 : vector<1x128xf32> to vector<128xf32>
    %slice3A_159 = vector.extract_strided_slice %get3A_142 {offsets = [7, 0], sizes = [1, 128], strides = [1, 1]} : vector<16x128xf32> to vector<1x128xf32>
    %squeeze3A_160 = vector.shape_cast %slice3A_159 : vector<1x128xf32> to vector<128xf32>
    %add3A_161 = arith.addf %squeeze3A_158, %squeeze3A_160 : vector<128xf32>
    %add3A_162 = arith.addf %add3A_156, %add3A_161 : vector<128xf32>
    %add3A_163 = arith.addf %add3A_151, %add3A_162 : vector<128xf32>
    %slice3A_164 = vector.extract_strided_slice %get3A_142 {offsets = [8, 0], sizes = [1, 128], strides = [1, 1]} : vector<16x128xf32> to vector<1x128xf32>
    %squeeze3A_165 = vector.shape_cast %slice3A_164 : vector<1x128xf32> to vector<128xf32>
    %slice3A_166 = vector.extract_strided_slice %get3A_142 {offsets = [9, 0], sizes = [1, 128], strides = [1, 1]} : vector<16x128xf32> to vector<1x128xf32>
    %squeeze3A_167 = vector.shape_cast %slice3A_166 : vector<1x128xf32> to vector<128xf32>
    %add3A_168 = arith.addf %squeeze3A_165, %squeeze3A_167 : vector<128xf32>
    %slice3A_169 = vector.extract_strided_slice %get3A_142 {offsets = [10, 0], sizes = [1, 128], strides = [1, 1]} : vector<16x128xf32> to vector<1x128xf32>
    %squeeze3A_170 = vector.shape_cast %slice3A_169 : vector<1x128xf32> to vector<128xf32>
    %slice3A_171 = vector.extract_strided_slice %get3A_142 {offsets = [11, 0], sizes = [1, 128], strides = [1, 1]} : vector<16x128xf32> to vector<1x128xf32>
    %squeeze3A_172 = vector.shape_cast %slice3A_171 : vector<1x128xf32> to vector<128xf32>
    %add3A_173 = arith.addf %squeeze3A_170, %squeeze3A_172 : vector<128xf32>
    %add3A_174 = arith.addf %add3A_168, %add3A_173 : vector<128xf32>
    %slice3A_175 = vector.extract_strided_slice %get3A_142 {offsets = [12, 0], sizes = [1, 128], strides = [1, 1]} : vector<16x128xf32> to vector<1x128xf32>
    %squeeze3A_176 = vector.shape_cast %slice3A_175 : vector<1x128xf32> to vector<128xf32>
    %slice3A_177 = vector.extract_strided_slice %get3A_142 {offsets = [13, 0], sizes = [1, 128], strides = [1, 1]} : vector<16x128xf32> to vector<1x128xf32>
    %squeeze3A_178 = vector.shape_cast %slice3A_177 : vector<1x128xf32> to vector<128xf32>
    %add3A_179 = arith.addf %squeeze3A_176, %squeeze3A_178 : vector<128xf32>
    %slice3A_180 = vector.extract_strided_slice %get3A_142 {offsets = [14, 0], sizes = [1, 128], strides = [1, 1]} : vector<16x128xf32> to vector<1x128xf32>
    %squeeze3A_181 = vector.shape_cast %slice3A_180 : vector<1x128xf32> to vector<128xf32>
    %slice3A_182 = vector.extract_strided_slice %get3A_142 {offsets = [15, 0], sizes = [1, 128], strides = [1, 1]} : vector<16x128xf32> to vector<1x128xf32>
    %squeeze3A_183 = vector.shape_cast %slice3A_182 : vector<1x128xf32> to vector<128xf32>
    %add3A_184 = arith.addf %squeeze3A_181, %squeeze3A_183 : vector<128xf32>
    %add3A_185 = arith.addf %add3A_179, %add3A_184 : vector<128xf32>
    %add3A_186 = arith.addf %add3A_174, %add3A_185 : vector<128xf32>
    %mul3A = arith.constant 7.62939453E-6 : f32
    %mul3A_187 = vector.broadcast %mul3A : f32 to vector<128xf32>
    %mul3A_188 = arith.mulf %add3A_163, %mul3A_187 : vector<128xf32>
    %mul3A_189 = arith.constant 7.62939453E-6 : f32
    %mul3A_190 = vector.broadcast %mul3A_189 : f32 to vector<128xf32>
    %mul3A_191 = arith.mulf %add3A_186, %mul3A_190 : vector<128xf32>
    %mul3A_192 = arith.mulf %mul3A_188, %mul3A_188 : vector<128xf32>
    %sub3A_193 = arith.subf %mul3A_191, %mul3A_192 : vector<128xf32>
    %get3A_194 = arith.constant 0 : index
    %get3A_195 = arith.constant 0 : index
    %get3A_196 = vector.load %arg6[%get3A_194, %get3A_195] : memref<1x128xf32, #tpu.memory_space<vmem>>, vector<1x128xf32>
    %broadcast_in_dim3A = vector.shape_cast %mul3A_188 : vector<128xf32> to vector<1x128xf32>
    %sub3A_197 = vector.broadcast %broadcast_in_dim3A : vector<1x128xf32> to vector<1024x128xf32>
    %sub3A_198 = arith.subf %max3A_139, %sub3A_197 : vector<1024x128xf32>
    %mul3A_199 = vector.broadcast %get3A_196 : vector<1x128xf32> to vector<1024x128xf32>
    %mul3A_200 = arith.mulf %mul3A_199, %sub3A_198 : vector<1024x128xf32>
    %add3A_201 = arith.constant 9.99999974E-6 : f32
    %add3A_202 = vector.broadcast %add3A_201 : f32 to vector<128xf32>
    %add3A_203 = arith.addf %sub3A_193, %add3A_202 : vector<128xf32>
    %sqrt3A = math.sqrt %add3A_203 : vector<128xf32>
    %broadcast_in_dim3A_204 = vector.shape_cast %sqrt3A : vector<128xf32> to vector<1x128xf32>
    %div3A = vector.broadcast %broadcast_in_dim3A_204 : vector<1x128xf32> to vector<1024x128xf32>
    %div3A_205 = arith.divf %mul3A_200, %div3A : vector<1024x128xf32>
    %get3A_206 = arith.constant 0 : index
    %get3A_207 = arith.constant 0 : index
    %get3A_208 = vector.load %arg7[%get3A_206, %get3A_207] : memref<1x128xf32, #tpu.memory_space<vmem>>, vector<1x128xf32>
    %add3A_209 = vector.broadcast %get3A_208 : vector<1x128xf32> to vector<1024x128xf32>
    %add3A_210 = arith.addf %div3A_205, %add3A_209 : vector<1024x128xf32>
    %max3A_211 = arith.constant 0.000000e+00 : f32
    %max3A_212 = vector.broadcast %max3A_211 : f32 to vector<1024x128xf32>
    %max3A_213 = arith.maximumf %add3A_210, %max3A_212 : vector<1024x128xf32>
    %swap3A = arith.constant 0 : index
    %swap3A_214 = arith.constant 0 : index
    %swap3A_215 = vector.load %arg8[%swap3A, %swap3A_214] : memref<1024x128xf32, #tpu.memory_space<vmem>>, vector<1024x128xf32>
    tpu.vector_store %arg8[%swap3A, %swap3A_214], %max3A_213 {strides = array<i32>} : memref<1024x128xf32, #tpu.memory_space<vmem>>, vector<1024x128xf32>,
    return
  }
  func.func @transform_0(%arg0: i32) -> (i32, i32, i32) {
    %c0_i32 = arith.constant 0 : i32
    %c0_i32_0 = arith.constant 0 : i32
    %c0_i32_1 = arith.constant 0 : i32
    return %c0_i32, %arg0, %c0_i32_0 : i32, i32, i32
  }
  func.func @transform_1(%arg0: i32) -> (i32, i32) {
    %c0_i32 = arith.constant 0 : i32
    %c0_i32_0 = arith.constant 0 : i32
    return %arg0, %c0_i32 : i32, i32
  }
  func.func @transform_2(%arg0: i32) -> (i32, i32) {
    %c0_i32 = arith.constant 0 : i32
    %c0_i32_0 = arith.constant 0 : i32
    %c0_i32_1 = arith.constant 0 : i32
    return %c0_i32, %c0_i32_0 : i32, i32
  }
  func.func @transform_3(%arg0: i32) -> (i32, i32) {
    %c0_i32 = arith.constant 0 : i32
    %c0_i32_0 = arith.constant 0 : i32
    %c0_i32_1 = arith.constant 0 : i32
    return %c0_i32, %c0_i32_0 : i32, i32
  }
  func.func @transform_4(%arg0: i32) -> (i32, i32) {
    %c0_i32 = arith.constant 0 : i32
    %c0_i32_0 = arith.constant 0 : i32
    %c0_i32_1 = arith.constant 0 : i32
    return %c0_i32, %c0_i32_0 : i32, i32
  }
  func.func @transform_5(%arg0: i32) -> (i32, i32) {
    %c0_i32 = arith.constant 0 : i32
    %c0_i32_0 = arith.constant 0 : i32
    %c0_i32_1 = arith.constant 0 : i32
    return %c0_i32, %c0_i32_0 : i32, i32
  }
  func.func @transform_6(%arg0: i32) -> (i32, i32) {
    %c0_i32 = arith.constant 0 : i32
    %c0_i32_0 = arith.constant 0 : i32
    %c0_i32_1 = arith.constant 0 : i32
    return %c0_i32, %c0_i32_0 : i32, i32
  }
  func.func @transform_7(%arg0: i32) -> (i32, i32) {
    %c0_i32 = arith.constant 0 : i32
    %c0_i32_0 = arith.constant 0 : i32
    return %arg0, %c0_i32 : i32, i32
  }
}

module attributes {stable_mosaic.version = 14 : i64} {
  func.func @_stats_body(%arg0: i32, %arg1: i32, %arg2: memref<1x512x128xf32, #tpu.memory_space<vmem>>, %arg3: memref<512x128xf32, #tpu.memory_space<vmem>>, %arg4: memref<256x128xf32, #tpu.memory_space<vmem>>, %arg5: memref<1x128xf32, #tpu.memory_space<vmem>>, %arg6: memref<16x128xf32, #tpu.memory_space<vmem>>) attributes {dimension_semantics = [#tpu.dimension_semantics<arbitrary>, #tpu.dimension_semantics<arbitrary>], iteration_bounds = array<i64: 8, 32>, scalar_prefetch = 0 : i64, scratch_operands = 0 : i64, tpu.core_type = #tpu.core_type<tc>, window_params = [{transform_indices = @transform_0, window_bounds = array<i64: 1, 512, 128>}, {transform_indices = @transform_1, window_bounds = array<i64: 512, 128>}, {pipeline_mode = #tpu.pipeline_mode<synchronous>, transform_indices = @transform_2, window_bounds = array<i64: 256, 128>}, {pipeline_mode = #tpu.pipeline_mode<synchronous>, transform_indices = @transform_3, window_bounds = array<i64: 1, 128>}, {pipeline_mode = #tpu.pipeline_mode<synchronous>, transform_indices = @transform_4, window_bounds = array<i64: 16, 128>}]} {
    %get3A = arith.constant 0 : index
    %get3A_0 = arith.constant 0 : index
    %get3A_1 = vector.load %arg3[%get3A, %get3A_0] : memref<512x128xf32, #tpu.memory_space<vmem>>, vector<512x128xf32>
    %get3A_2 = arith.constant 0 : index
    %get3A_3 = arith.constant 0 : index
    %get3A_4 = arith.constant 0 : index
    %get3A_5 = vector.load %arg2[%get3A_2, %get3A_3, %get3A_4] : memref<1x512x128xf32, #tpu.memory_space<vmem>>, vector<1x512x128xf32>
    %get3A_6 = vector.shape_cast %get3A_5 : vector<1x512x128xf32> to vector<512x128xf32>
    %sub3A = arith.subf %get3A_1, %get3A_6 : vector<512x128xf32>
    %concatenate3A = tpu.concatenate %sub3A, %get3A_6 in 1 : vector<512x128xf32>, vector<512x128xf32> -> vector<512x256xf32>
    %get3A_7 = arith.constant 0 : index
    %get3A_8 = arith.constant 0 : index
    %get3A_9 = vector.load %arg4[%get3A_7, %get3A_8] : memref<256x128xf32, #tpu.memory_space<vmem>>, vector<256x128xf32>
    %dot_general3A = arith.constant dense<0.000000e+00> : vector<512x128xf32>
    %dot_general3A_10 = tpu.matmul %concatenate3A, %get3A_9, %dot_general3A {dimension_numbers = #tpu.dot_dimension_numbers<[1], [0], [0], [1], [0, 0, 1, 1], [], []>, transpose_lhs_hint = false} : vector<512x256xf32>, vector<256x128xf32>, vector<512x128xf32> -> vector<512x128xf32>
    %get3A_11 = arith.constant 0 : index
    %get3A_12 = arith.constant 0 : index
    %get3A_13 = vector.load %arg5[%get3A_11, %get3A_12] : memref<1x128xf32, #tpu.memory_space<vmem>>, vector<1x128xf32>
    %add3A = vector.broadcast %get3A_13 : vector<1x128xf32> to vector<512x128xf32>
    %add3A_14 = arith.addf %dot_general3A_10, %add3A : vector<512x128xf32>
    %reduce_sum3A = arith.constant dense<0.000000e+00> : vector<128xf32>
    %reduce_sum3A_15 = vector.multi_reduction <add>, %add3A_14, %reduce_sum3A [0] : vector<512x128xf32> to vector<128xf32>
    %mul3A = arith.mulf %add3A_14, %add3A_14 : vector<512x128xf32>
    %reduce_sum3A_16 = arith.constant dense<0.000000e+00> : vector<128xf32>
    %reduce_sum3A_17 = vector.multi_reduction <add>, %mul3A, %reduce_sum3A_16 [0] : vector<512x128xf32> to vector<128xf32>
    %iota3A = tpu.iota {dimensions = array<i32: 0>} : vector<16x128xi32>
    %eq3A = vector.broadcast %arg0 : i32 to vector<16x128xi32>
    %eq3A_18 = arith.cmpi eq, %iota3A, %eq3A : vector<16x128xi32>
    %broadcast_in_dim3A = vector.shape_cast %reduce_sum3A_15 : vector<128xf32> to vector<1x128xf32>
    %jit3A = arith.constant 0.000000e+00 : f32
    %broadcast_in_dim3A_19 = vector.shape_cast %broadcast_in_dim3A : vector<1x128xf32> to vector<1x128xf32>
    %broadcast_in_dim3A_20 = vector.broadcast %broadcast_in_dim3A_19 : vector<1x128xf32> to vector<16x128xf32>
    %broadcast_in_dim3A_21 = vector.broadcast %jit3A : f32 to vector<16x128xf32>
    %select_n3A = arith.select %eq3A_18, %broadcast_in_dim3A_20, %broadcast_in_dim3A_21 : vector<16x128xi1>, vector<16x128xf32>
    %add3A_22 = arith.constant 8 : i32
    %add3A_23 = arith.addi %arg0, %add3A_22 : i32
    %eq3A_24 = vector.broadcast %add3A_23 : i32 to vector<16x128xi32>
    %eq3A_25 = arith.cmpi eq, %iota3A, %eq3A_24 : vector<16x128xi32>
    %broadcast_in_dim3A_26 = vector.shape_cast %reduce_sum3A_17 : vector<128xf32> to vector<1x128xf32>
    %jit3A_27 = arith.constant 0.000000e+00 : f32
    %broadcast_in_dim3A_28 = vector.shape_cast %broadcast_in_dim3A_26 : vector<1x128xf32> to vector<1x128xf32>
    %broadcast_in_dim3A_29 = vector.broadcast %broadcast_in_dim3A_28 : vector<1x128xf32> to vector<16x128xf32>
    %broadcast_in_dim3A_30 = vector.broadcast %jit3A_27 : f32 to vector<16x128xf32>
    %select_n3A_31 = arith.select %eq3A_25, %broadcast_in_dim3A_29, %broadcast_in_dim3A_30 : vector<16x128xi1>, vector<16x128xf32>
    %add3A_32 = arith.addf %select_n3A, %select_n3A_31 : vector<16x128xf32>
    %eq3A_33 = arith.constant 0 : i32
    %eq3A_34 = arith.cmpi eq, %arg0, %eq3A_33 : i32
    %eq3A_35 = arith.constant 0 : i32
    %eq3A_36 = arith.cmpi eq, %arg1, %eq3A_35 : i32
    %and3A = arith.andi %eq3A_34, %eq3A_36 : i1
    %convert_element_type3A = arith.extui %and3A : i1 to i32
    %cond3A = arith.constant 0 : i32
    %cond3A_37 = arith.cmpi ne, %convert_element_type3A, %cond3A : i32
    scf.if %cond3A_37 {
      %broadcast_in_dim3A_44 = arith.constant 0.000000e+00 : f32
      %broadcast_in_dim3A_45 = vector.broadcast %broadcast_in_dim3A_44 : f32 to vector<16x128xf32>
      %swap3A_46 = arith.constant 0 : index
      %swap3A_47 = arith.constant 0 : index
      %swap3A_48 = vector.load %arg6[%swap3A_46, %swap3A_47] : memref<16x128xf32, #tpu.memory_space<vmem>>, vector<16x128xf32>
      tpu.vector_store %arg6[%swap3A_46, %swap3A_47], %broadcast_in_dim3A_45 {strides = array<i32>} : memref<16x128xf32, #tpu.memory_space<vmem>>, vector<16x128xf32>,
    } else {
    }
    %get3A_38 = arith.constant 0 : index
    %get3A_39 = arith.constant 0 : index
    %get3A_40 = vector.load %arg6[%get3A_38, %get3A_39] : memref<16x128xf32, #tpu.memory_space<vmem>>, vector<16x128xf32>
    %add3A_41 = arith.addf %get3A_40, %add3A_32 : vector<16x128xf32>
    %swap3A = arith.constant 0 : index
    %swap3A_42 = arith.constant 0 : index
    %swap3A_43 = vector.load %arg6[%swap3A, %swap3A_42] : memref<16x128xf32, #tpu.memory_space<vmem>>, vector<16x128xf32>
    tpu.vector_store %arg6[%swap3A, %swap3A_42], %add3A_41 {strides = array<i32>} : memref<16x128xf32, #tpu.memory_space<vmem>>, vector<16x128xf32>,
    return
  }
  func.func @transform_0(%arg0: i32, %arg1: i32) -> (i32, i32, i32) {
    %c0_i32 = arith.constant 0 : i32
    %c0_i32_0 = arith.constant 0 : i32
    return %arg0, %arg1, %c0_i32 : i32, i32, i32
  }
  func.func @transform_1(%arg0: i32, %arg1: i32) -> (i32, i32) {
    %c0_i32 = arith.constant 0 : i32
    %c0_i32_0 = arith.constant 0 : i32
    return %arg1, %c0_i32 : i32, i32
  }
  func.func @transform_2(%arg0: i32, %arg1: i32) -> (i32, i32) {
    %c0_i32 = arith.constant 0 : i32
    %c0_i32_0 = arith.constant 0 : i32
    %c0_i32_1 = arith.constant 0 : i32
    return %c0_i32, %c0_i32_0 : i32, i32
  }
  func.func @transform_3(%arg0: i32, %arg1: i32) -> (i32, i32) {
    %c0_i32 = arith.constant 0 : i32
    %c0_i32_0 = arith.constant 0 : i32
    %c0_i32_1 = arith.constant 0 : i32
    return %c0_i32, %c0_i32_0 : i32, i32
  }
  func.func @transform_4(%arg0: i32, %arg1: i32) -> (i32, i32) {
    %c0_i32 = arith.constant 0 : i32
    %c0_i32_0 = arith.constant 0 : i32
    %c0_i32_1 = arith.constant 0 : i32
    return %c0_i32, %c0_i32_0 : i32, i32
  }
}

module attributes {stable_mosaic.version = 14 : i64} {
  func.func @_stats_body(%arg0: i32, %arg1: i32, %arg2: memref<1x512x128xf32, #tpu.memory_space<vmem>>, %arg3: memref<512x128xf32, #tpu.memory_space<vmem>>, %arg4: memref<256x256xf32, #tpu.memory_space<vmem>>, %arg5: memref<1x256xf32, #tpu.memory_space<vmem>>, %arg6: memref<16x256xf32, #tpu.memory_space<vmem>>) attributes {dimension_semantics = [#tpu.dimension_semantics<arbitrary>, #tpu.dimension_semantics<arbitrary>], iteration_bounds = array<i64: 8, 32>, scalar_prefetch = 0 : i64, scratch_operands = 0 : i64, tpu.core_type = #tpu.core_type<tc>, window_params = [{transform_indices = @transform_0, window_bounds = array<i64: 1, 512, 128>}, {transform_indices = @transform_1, window_bounds = array<i64: 512, 128>}, {pipeline_mode = #tpu.pipeline_mode<synchronous>, transform_indices = @transform_2, window_bounds = array<i64: 256, 256>}, {pipeline_mode = #tpu.pipeline_mode<synchronous>, transform_indices = @transform_3, window_bounds = array<i64: 1, 256>}, {pipeline_mode = #tpu.pipeline_mode<synchronous>, transform_indices = @transform_4, window_bounds = array<i64: 16, 256>}]} {
    %get3A = arith.constant 0 : index
    %get3A_0 = arith.constant 0 : index
    %get3A_1 = vector.load %arg3[%get3A, %get3A_0] : memref<512x128xf32, #tpu.memory_space<vmem>>, vector<512x128xf32>
    %get3A_2 = arith.constant 0 : index
    %get3A_3 = arith.constant 0 : index
    %get3A_4 = arith.constant 0 : index
    %get3A_5 = vector.load %arg2[%get3A_2, %get3A_3, %get3A_4] : memref<1x512x128xf32, #tpu.memory_space<vmem>>, vector<1x512x128xf32>
    %get3A_6 = vector.shape_cast %get3A_5 : vector<1x512x128xf32> to vector<512x128xf32>
    %sub3A = arith.subf %get3A_1, %get3A_6 : vector<512x128xf32>
    %concatenate3A = tpu.concatenate %sub3A, %get3A_6 in 1 : vector<512x128xf32>, vector<512x128xf32> -> vector<512x256xf32>
    %get3A_7 = arith.constant 0 : index
    %get3A_8 = arith.constant 0 : index
    %get3A_9 = vector.load %arg4[%get3A_7, %get3A_8] : memref<256x256xf32, #tpu.memory_space<vmem>>, vector<256x256xf32>
    %dot_general3A = arith.constant dense<0.000000e+00> : vector<512x256xf32>
    %dot_general3A_10 = tpu.matmul %concatenate3A, %get3A_9, %dot_general3A {dimension_numbers = #tpu.dot_dimension_numbers<[1], [0], [0], [1], [0, 0, 1, 1], [], []>, transpose_lhs_hint = false} : vector<512x256xf32>, vector<256x256xf32>, vector<512x256xf32> -> vector<512x256xf32>
    %get3A_11 = arith.constant 0 : index
    %get3A_12 = arith.constant 0 : index
    %get3A_13 = vector.load %arg5[%get3A_11, %get3A_12] : memref<1x256xf32, #tpu.memory_space<vmem>>, vector<1x256xf32>
    %add3A = vector.broadcast %get3A_13 : vector<1x256xf32> to vector<512x256xf32>
    %add3A_14 = arith.addf %dot_general3A_10, %add3A : vector<512x256xf32>
    %reduce_sum3A = arith.constant dense<0.000000e+00> : vector<256xf32>
    %reduce_sum3A_15 = vector.multi_reduction <add>, %add3A_14, %reduce_sum3A [0] : vector<512x256xf32> to vector<256xf32>
    %mul3A = arith.mulf %add3A_14, %add3A_14 : vector<512x256xf32>
    %reduce_sum3A_16 = arith.constant dense<0.000000e+00> : vector<256xf32>
    %reduce_sum3A_17 = vector.multi_reduction <add>, %mul3A, %reduce_sum3A_16 [0] : vector<512x256xf32> to vector<256xf32>
    %iota3A = tpu.iota {dimensions = array<i32: 0>} : vector<16x256xi32>
    %eq3A = vector.broadcast %arg0 : i32 to vector<16x256xi32>
    %eq3A_18 = arith.cmpi eq, %iota3A, %eq3A : vector<16x256xi32>
    %broadcast_in_dim3A = vector.shape_cast %reduce_sum3A_15 : vector<256xf32> to vector<1x256xf32>
    %jit3A = arith.constant 0.000000e+00 : f32
    %broadcast_in_dim3A_19 = vector.shape_cast %broadcast_in_dim3A : vector<1x256xf32> to vector<1x256xf32>
    %broadcast_in_dim3A_20 = vector.broadcast %broadcast_in_dim3A_19 : vector<1x256xf32> to vector<16x256xf32>
    %broadcast_in_dim3A_21 = vector.broadcast %jit3A : f32 to vector<16x256xf32>
    %select_n3A = arith.select %eq3A_18, %broadcast_in_dim3A_20, %broadcast_in_dim3A_21 : vector<16x256xi1>, vector<16x256xf32>
    %add3A_22 = arith.constant 8 : i32
    %add3A_23 = arith.addi %arg0, %add3A_22 : i32
    %eq3A_24 = vector.broadcast %add3A_23 : i32 to vector<16x256xi32>
    %eq3A_25 = arith.cmpi eq, %iota3A, %eq3A_24 : vector<16x256xi32>
    %broadcast_in_dim3A_26 = vector.shape_cast %reduce_sum3A_17 : vector<256xf32> to vector<1x256xf32>
    %jit3A_27 = arith.constant 0.000000e+00 : f32
    %broadcast_in_dim3A_28 = vector.shape_cast %broadcast_in_dim3A_26 : vector<1x256xf32> to vector<1x256xf32>
    %broadcast_in_dim3A_29 = vector.broadcast %broadcast_in_dim3A_28 : vector<1x256xf32> to vector<16x256xf32>
    %broadcast_in_dim3A_30 = vector.broadcast %jit3A_27 : f32 to vector<16x256xf32>
    %select_n3A_31 = arith.select %eq3A_25, %broadcast_in_dim3A_29, %broadcast_in_dim3A_30 : vector<16x256xi1>, vector<16x256xf32>
    %add3A_32 = arith.addf %select_n3A, %select_n3A_31 : vector<16x256xf32>
    %eq3A_33 = arith.constant 0 : i32
    %eq3A_34 = arith.cmpi eq, %arg0, %eq3A_33 : i32
    %eq3A_35 = arith.constant 0 : i32
    %eq3A_36 = arith.cmpi eq, %arg1, %eq3A_35 : i32
    %and3A = arith.andi %eq3A_34, %eq3A_36 : i1
    %convert_element_type3A = arith.extui %and3A : i1 to i32
    %cond3A = arith.constant 0 : i32
    %cond3A_37 = arith.cmpi ne, %convert_element_type3A, %cond3A : i32
    scf.if %cond3A_37 {
      %broadcast_in_dim3A_44 = arith.constant 0.000000e+00 : f32
      %broadcast_in_dim3A_45 = vector.broadcast %broadcast_in_dim3A_44 : f32 to vector<16x256xf32>
      %swap3A_46 = arith.constant 0 : index
      %swap3A_47 = arith.constant 0 : index
      %swap3A_48 = vector.load %arg6[%swap3A_46, %swap3A_47] : memref<16x256xf32, #tpu.memory_space<vmem>>, vector<16x256xf32>
      tpu.vector_store %arg6[%swap3A_46, %swap3A_47], %broadcast_in_dim3A_45 {strides = array<i32>} : memref<16x256xf32, #tpu.memory_space<vmem>>, vector<16x256xf32>,
    } else {
    }
    %get3A_38 = arith.constant 0 : index
    %get3A_39 = arith.constant 0 : index
    %get3A_40 = vector.load %arg6[%get3A_38, %get3A_39] : memref<16x256xf32, #tpu.memory_space<vmem>>, vector<16x256xf32>
    %add3A_41 = arith.addf %get3A_40, %add3A_32 : vector<16x256xf32>
    %swap3A = arith.constant 0 : index
    %swap3A_42 = arith.constant 0 : index
    %swap3A_43 = vector.load %arg6[%swap3A, %swap3A_42] : memref<16x256xf32, #tpu.memory_space<vmem>>, vector<16x256xf32>
    tpu.vector_store %arg6[%swap3A, %swap3A_42], %add3A_41 {strides = array<i32>} : memref<16x256xf32, #tpu.memory_space<vmem>>, vector<16x256xf32>,
    return
  }
  func.func @transform_0(%arg0: i32, %arg1: i32) -> (i32, i32, i32) {
    %c0_i32 = arith.constant 0 : i32
    %c0_i32_0 = arith.constant 0 : i32
    return %arg0, %arg1, %c0_i32 : i32, i32, i32
  }
  func.func @transform_1(%arg0: i32, %arg1: i32) -> (i32, i32) {
    %c0_i32 = arith.constant 0 : i32
    %c0_i32_0 = arith.constant 0 : i32
    return %arg1, %c0_i32 : i32, i32
  }
  func.func @transform_2(%arg0: i32, %arg1: i32) -> (i32, i32) {
    %c0_i32 = arith.constant 0 : i32
    %c0_i32_0 = arith.constant 0 : i32
    %c0_i32_1 = arith.constant 0 : i32
    return %c0_i32, %c0_i32_0 : i32, i32
  }
  func.func @transform_3(%arg0: i32, %arg1: i32) -> (i32, i32) {
    %c0_i32 = arith.constant 0 : i32
    %c0_i32_0 = arith.constant 0 : i32
    %c0_i32_1 = arith.constant 0 : i32
    return %c0_i32, %c0_i32_0 : i32, i32
  }
  func.func @transform_4(%arg0: i32, %arg1: i32) -> (i32, i32) {
    %c0_i32 = arith.constant 0 : i32
    %c0_i32_0 = arith.constant 0 : i32
    %c0_i32_1 = arith.constant 0 : i32
    return %c0_i32, %c0_i32_0 : i32, i32
  }
}

module attributes {stable_mosaic.version = 14 : i64} {
  func.func @_out_body(%arg0: i32, %arg1: memref<8x1024x128xf32, #tpu.memory_space<vmem>>, %arg2: memref<1024x128xf32, #tpu.memory_space<vmem>>, %arg3: memref<256x256xf32, #tpu.memory_space<vmem>>, %arg4: memref<1x256xf32, #tpu.memory_space<vmem>>, %arg5: memref<16x256xf32, #tpu.memory_space<vmem>>, %arg6: memref<1x256xf32, #tpu.memory_space<vmem>>, %arg7: memref<1x256xf32, #tpu.memory_space<vmem>>, %arg8: memref<1024x256xf32, #tpu.memory_space<vmem>>) attributes {dimension_semantics = [#tpu.dimension_semantics<arbitrary>], iteration_bounds = array<i64: 16>, scalar_prefetch = 0 : i64, scratch_operands = 0 : i64, tpu.core_type = #tpu.core_type<tc>, window_params = [{transform_indices = @transform_0, window_bounds = array<i64: 8, 1024, 128>}, {transform_indices = @transform_1, window_bounds = array<i64: 1024, 128>}, {pipeline_mode = #tpu.pipeline_mode<synchronous>, transform_indices = @transform_2, window_bounds = array<i64: 256, 256>}, {pipeline_mode = #tpu.pipeline_mode<synchronous>, transform_indices = @transform_3, window_bounds = array<i64: 1, 256>}, {pipeline_mode = #tpu.pipeline_mode<synchronous>, transform_indices = @transform_4, window_bounds = array<i64: 16, 256>}, {pipeline_mode = #tpu.pipeline_mode<synchronous>, transform_indices = @transform_5, window_bounds = array<i64: 1, 256>}, {pipeline_mode = #tpu.pipeline_mode<synchronous>, transform_indices = @transform_6, window_bounds = array<i64: 1, 256>}, {transform_indices = @transform_7, window_bounds = array<i64: 1024, 256>}]} {
    %get3A = arith.constant 0 : index
    %get3A_0 = arith.constant 0 : index
    %get3A_1 = vector.load %arg2[%get3A, %get3A_0] : memref<1024x128xf32, #tpu.memory_space<vmem>>, vector<1024x128xf32>
    %get3A_2 = arith.constant 0 : index
    %get3A_3 = arith.constant 0 : index
    %get3A_4 = arith.constant 0 : index
    %get3A_5 = vector.load %arg1[%get3A_2, %get3A_3, %get3A_4] : memref<8x1024x128xf32, #tpu.memory_space<vmem>>, vector<1x1024x128xf32>
    %get3A_6 = vector.shape_cast %get3A_5 : vector<1x1024x128xf32> to vector<1024x128xf32>
    %sub3A = arith.subf %get3A_1, %get3A_6 : vector<1024x128xf32>
    %concatenate3A = tpu.concatenate %sub3A, %get3A_6 in 1 : vector<1024x128xf32>, vector<1024x128xf32> -> vector<1024x256xf32>
    %get3A_7 = arith.constant 0 : index
    %get3A_8 = arith.constant 0 : index
    %get3A_9 = vector.load %arg3[%get3A_7, %get3A_8] : memref<256x256xf32, #tpu.memory_space<vmem>>, vector<256x256xf32>
    %dot_general3A = arith.constant dense<0.000000e+00> : vector<1024x256xf32>
    %dot_general3A_10 = tpu.matmul %concatenate3A, %get3A_9, %dot_general3A {dimension_numbers = #tpu.dot_dimension_numbers<[1], [0], [0], [1], [0, 0, 1, 1], [], []>, transpose_lhs_hint = false} : vector<1024x256xf32>, vector<256x256xf32>, vector<1024x256xf32> -> vector<1024x256xf32>
    %get3A_11 = arith.constant 0 : index
    %get3A_12 = arith.constant 0 : index
    %get3A_13 = vector.load %arg4[%get3A_11, %get3A_12] : memref<1x256xf32, #tpu.memory_space<vmem>>, vector<1x256xf32>
    %add3A = vector.broadcast %get3A_13 : vector<1x256xf32> to vector<1024x256xf32>
    %add3A_14 = arith.addf %dot_general3A_10, %add3A : vector<1024x256xf32>
    %get3A_15 = arith.constant 1 : index
    %get3A_16 = arith.constant 0 : index
    %get3A_17 = arith.constant 0 : index
    %get3A_18 = vector.load %arg1[%get3A_15, %get3A_16, %get3A_17] : memref<8x1024x128xf32, #tpu.memory_space<vmem>>, vector<1x1024x128xf32>
    %get3A_19 = vector.shape_cast %get3A_18 : vector<1x1024x128xf32> to vector<1024x128xf32>
    %sub3A_20 = arith.subf %get3A_1, %get3A_19 : vector<1024x128xf32>
    %concatenate3A_21 = tpu.concatenate %sub3A_20, %get3A_19 in 1 : vector<1024x128xf32>, vector<1024x128xf32> -> vector<1024x256xf32>
    %get3A_22 = arith.constant 0 : index
    %get3A_23 = arith.constant 0 : index
    %get3A_24 = vector.load %arg3[%get3A_22, %get3A_23] : memref<256x256xf32, #tpu.memory_space<vmem>>, vector<256x256xf32>
    %dot_general3A_25 = arith.constant dense<0.000000e+00> : vector<1024x256xf32>
    %dot_general3A_26 = tpu.matmul %concatenate3A_21, %get3A_24, %dot_general3A_25 {dimension_numbers = #tpu.dot_dimension_numbers<[1], [0], [0], [1], [0, 0, 1, 1], [], []>, transpose_lhs_hint = false} : vector<1024x256xf32>, vector<256x256xf32>, vector<1024x256xf32> -> vector<1024x256xf32>
    %get3A_27 = arith.constant 0 : index
    %get3A_28 = arith.constant 0 : index
    %get3A_29 = vector.load %arg4[%get3A_27, %get3A_28] : memref<1x256xf32, #tpu.memory_space<vmem>>, vector<1x256xf32>
    %add3A_30 = vector.broadcast %get3A_29 : vector<1x256xf32> to vector<1024x256xf32>
    %add3A_31 = arith.addf %dot_general3A_26, %add3A_30 : vector<1024x256xf32>
    %max3A = arith.maximumf %add3A_14, %add3A_31 : vector<1024x256xf32>
    %get3A_32 = arith.constant 2 : index
    %get3A_33 = arith.constant 0 : index
    %get3A_34 = arith.constant 0 : index
    %get3A_35 = vector.load %arg1[%get3A_32, %get3A_33, %get3A_34] : memref<8x1024x128xf32, #tpu.memory_space<vmem>>, vector<1x1024x128xf32>
    %get3A_36 = vector.shape_cast %get3A_35 : vector<1x1024x128xf32> to vector<1024x128xf32>
    %sub3A_37 = arith.subf %get3A_1, %get3A_36 : vector<1024x128xf32>
    %concatenate3A_38 = tpu.concatenate %sub3A_37, %get3A_36 in 1 : vector<1024x128xf32>, vector<1024x128xf32> -> vector<1024x256xf32>
    %get3A_39 = arith.constant 0 : index
    %get3A_40 = arith.constant 0 : index
    %get3A_41 = vector.load %arg3[%get3A_39, %get3A_40] : memref<256x256xf32, #tpu.memory_space<vmem>>, vector<256x256xf32>
    %dot_general3A_42 = arith.constant dense<0.000000e+00> : vector<1024x256xf32>
    %dot_general3A_43 = tpu.matmul %concatenate3A_38, %get3A_41, %dot_general3A_42 {dimension_numbers = #tpu.dot_dimension_numbers<[1], [0], [0], [1], [0, 0, 1, 1], [], []>, transpose_lhs_hint = false} : vector<1024x256xf32>, vector<256x256xf32>, vector<1024x256xf32> -> vector<1024x256xf32>
    %get3A_44 = arith.constant 0 : index
    %get3A_45 = arith.constant 0 : index
    %get3A_46 = vector.load %arg4[%get3A_44, %get3A_45] : memref<1x256xf32, #tpu.memory_space<vmem>>, vector<1x256xf32>
    %add3A_47 = vector.broadcast %get3A_46 : vector<1x256xf32> to vector<1024x256xf32>
    %add3A_48 = arith.addf %dot_general3A_43, %add3A_47 : vector<1024x256xf32>
    %max3A_49 = arith.maximumf %max3A, %add3A_48 : vector<1024x256xf32>
    %get3A_50 = arith.constant 3 : index
    %get3A_51 = arith.constant 0 : index
    %get3A_52 = arith.constant 0 : index
    %get3A_53 = vector.load %arg1[%get3A_50, %get3A_51, %get3A_52] : memref<8x1024x128xf32, #tpu.memory_space<vmem>>, vector<1x1024x128xf32>
    %get3A_54 = vector.shape_cast %get3A_53 : vector<1x1024x128xf32> to vector<1024x128xf32>
    %sub3A_55 = arith.subf %get3A_1, %get3A_54 : vector<1024x128xf32>
    %concatenate3A_56 = tpu.concatenate %sub3A_55, %get3A_54 in 1 : vector<1024x128xf32>, vector<1024x128xf32> -> vector<1024x256xf32>
    %get3A_57 = arith.constant 0 : index
    %get3A_58 = arith.constant 0 : index
    %get3A_59 = vector.load %arg3[%get3A_57, %get3A_58] : memref<256x256xf32, #tpu.memory_space<vmem>>, vector<256x256xf32>
    %dot_general3A_60 = arith.constant dense<0.000000e+00> : vector<1024x256xf32>
    %dot_general3A_61 = tpu.matmul %concatenate3A_56, %get3A_59, %dot_general3A_60 {dimension_numbers = #tpu.dot_dimension_numbers<[1], [0], [0], [1], [0, 0, 1, 1], [], []>, transpose_lhs_hint = false} : vector<1024x256xf32>, vector<256x256xf32>, vector<1024x256xf32> -> vector<1024x256xf32>
    %get3A_62 = arith.constant 0 : index
    %get3A_63 = arith.constant 0 : index
    %get3A_64 = vector.load %arg4[%get3A_62, %get3A_63] : memref<1x256xf32, #tpu.memory_space<vmem>>, vector<1x256xf32>
    %add3A_65 = vector.broadcast %get3A_64 : vector<1x256xf32> to vector<1024x256xf32>
    %add3A_66 = arith.addf %dot_general3A_61, %add3A_65 : vector<1024x256xf32>
    %max3A_67 = arith.maximumf %max3A_49, %add3A_66 : vector<1024x256xf32>
    %get3A_68 = arith.constant 4 : index
    %get3A_69 = arith.constant 0 : index
    %get3A_70 = arith.constant 0 : index
    %get3A_71 = vector.load %arg1[%get3A_68, %get3A_69, %get3A_70] : memref<8x1024x128xf32, #tpu.memory_space<vmem>>, vector<1x1024x128xf32>
    %get3A_72 = vector.shape_cast %get3A_71 : vector<1x1024x128xf32> to vector<1024x128xf32>
    %sub3A_73 = arith.subf %get3A_1, %get3A_72 : vector<1024x128xf32>
    %concatenate3A_74 = tpu.concatenate %sub3A_73, %get3A_72 in 1 : vector<1024x128xf32>, vector<1024x128xf32> -> vector<1024x256xf32>
    %get3A_75 = arith.constant 0 : index
    %get3A_76 = arith.constant 0 : index
    %get3A_77 = vector.load %arg3[%get3A_75, %get3A_76] : memref<256x256xf32, #tpu.memory_space<vmem>>, vector<256x256xf32>
    %dot_general3A_78 = arith.constant dense<0.000000e+00> : vector<1024x256xf32>
    %dot_general3A_79 = tpu.matmul %concatenate3A_74, %get3A_77, %dot_general3A_78 {dimension_numbers = #tpu.dot_dimension_numbers<[1], [0], [0], [1], [0, 0, 1, 1], [], []>, transpose_lhs_hint = false} : vector<1024x256xf32>, vector<256x256xf32>, vector<1024x256xf32> -> vector<1024x256xf32>
    %get3A_80 = arith.constant 0 : index
    %get3A_81 = arith.constant 0 : index
    %get3A_82 = vector.load %arg4[%get3A_80, %get3A_81] : memref<1x256xf32, #tpu.memory_space<vmem>>, vector<1x256xf32>
    %add3A_83 = vector.broadcast %get3A_82 : vector<1x256xf32> to vector<1024x256xf32>
    %add3A_84 = arith.addf %dot_general3A_79, %add3A_83 : vector<1024x256xf32>
    %max3A_85 = arith.maximumf %max3A_67, %add3A_84 : vector<1024x256xf32>
    %get3A_86 = arith.constant 5 : index
    %get3A_87 = arith.constant 0 : index
    %get3A_88 = arith.constant 0 : index
    %get3A_89 = vector.load %arg1[%get3A_86, %get3A_87, %get3A_88] : memref<8x1024x128xf32, #tpu.memory_space<vmem>>, vector<1x1024x128xf32>
    %get3A_90 = vector.shape_cast %get3A_89 : vector<1x1024x128xf32> to vector<1024x128xf32>
    %sub3A_91 = arith.subf %get3A_1, %get3A_90 : vector<1024x128xf32>
    %concatenate3A_92 = tpu.concatenate %sub3A_91, %get3A_90 in 1 : vector<1024x128xf32>, vector<1024x128xf32> -> vector<1024x256xf32>
    %get3A_93 = arith.constant 0 : index
    %get3A_94 = arith.constant 0 : index
    %get3A_95 = vector.load %arg3[%get3A_93, %get3A_94] : memref<256x256xf32, #tpu.memory_space<vmem>>, vector<256x256xf32>
    %dot_general3A_96 = arith.constant dense<0.000000e+00> : vector<1024x256xf32>
    %dot_general3A_97 = tpu.matmul %concatenate3A_92, %get3A_95, %dot_general3A_96 {dimension_numbers = #tpu.dot_dimension_numbers<[1], [0], [0], [1], [0, 0, 1, 1], [], []>, transpose_lhs_hint = false} : vector<1024x256xf32>, vector<256x256xf32>, vector<1024x256xf32> -> vector<1024x256xf32>
    %get3A_98 = arith.constant 0 : index
    %get3A_99 = arith.constant 0 : index
    %get3A_100 = vector.load %arg4[%get3A_98, %get3A_99] : memref<1x256xf32, #tpu.memory_space<vmem>>, vector<1x256xf32>
    %add3A_101 = vector.broadcast %get3A_100 : vector<1x256xf32> to vector<1024x256xf32>
    %add3A_102 = arith.addf %dot_general3A_97, %add3A_101 : vector<1024x256xf32>
    %max3A_103 = arith.maximumf %max3A_85, %add3A_102 : vector<1024x256xf32>
    %get3A_104 = arith.constant 6 : index
    %get3A_105 = arith.constant 0 : index
    %get3A_106 = arith.constant 0 : index
    %get3A_107 = vector.load %arg1[%get3A_104, %get3A_105, %get3A_106] : memref<8x1024x128xf32, #tpu.memory_space<vmem>>, vector<1x1024x128xf32>
    %get3A_108 = vector.shape_cast %get3A_107 : vector<1x1024x128xf32> to vector<1024x128xf32>
    %sub3A_109 = arith.subf %get3A_1, %get3A_108 : vector<1024x128xf32>
    %concatenate3A_110 = tpu.concatenate %sub3A_109, %get3A_108 in 1 : vector<1024x128xf32>, vector<1024x128xf32> -> vector<1024x256xf32>
    %get3A_111 = arith.constant 0 : index
    %get3A_112 = arith.constant 0 : index
    %get3A_113 = vector.load %arg3[%get3A_111, %get3A_112] : memref<256x256xf32, #tpu.memory_space<vmem>>, vector<256x256xf32>
    %dot_general3A_114 = arith.constant dense<0.000000e+00> : vector<1024x256xf32>
    %dot_general3A_115 = tpu.matmul %concatenate3A_110, %get3A_113, %dot_general3A_114 {dimension_numbers = #tpu.dot_dimension_numbers<[1], [0], [0], [1], [0, 0, 1, 1], [], []>, transpose_lhs_hint = false} : vector<1024x256xf32>, vector<256x256xf32>, vector<1024x256xf32> -> vector<1024x256xf32>
    %get3A_116 = arith.constant 0 : index
    %get3A_117 = arith.constant 0 : index
    %get3A_118 = vector.load %arg4[%get3A_116, %get3A_117] : memref<1x256xf32, #tpu.memory_space<vmem>>, vector<1x256xf32>
    %add3A_119 = vector.broadcast %get3A_118 : vector<1x256xf32> to vector<1024x256xf32>
    %add3A_120 = arith.addf %dot_general3A_115, %add3A_119 : vector<1024x256xf32>
    %max3A_121 = arith.maximumf %max3A_103, %add3A_120 : vector<1024x256xf32>
    %get3A_122 = arith.constant 7 : index
    %get3A_123 = arith.constant 0 : index
    %get3A_124 = arith.constant 0 : index
    %get3A_125 = vector.load %arg1[%get3A_122, %get3A_123, %get3A_124] : memref<8x1024x128xf32, #tpu.memory_space<vmem>>, vector<1x1024x128xf32>
    %get3A_126 = vector.shape_cast %get3A_125 : vector<1x1024x128xf32> to vector<1024x128xf32>
    %sub3A_127 = arith.subf %get3A_1, %get3A_126 : vector<1024x128xf32>
    %concatenate3A_128 = tpu.concatenate %sub3A_127, %get3A_126 in 1 : vector<1024x128xf32>, vector<1024x128xf32> -> vector<1024x256xf32>
    %get3A_129 = arith.constant 0 : index
    %get3A_130 = arith.constant 0 : index
    %get3A_131 = vector.load %arg3[%get3A_129, %get3A_130] : memref<256x256xf32, #tpu.memory_space<vmem>>, vector<256x256xf32>
    %dot_general3A_132 = arith.constant dense<0.000000e+00> : vector<1024x256xf32>
    %dot_general3A_133 = tpu.matmul %concatenate3A_128, %get3A_131, %dot_general3A_132 {dimension_numbers = #tpu.dot_dimension_numbers<[1], [0], [0], [1], [0, 0, 1, 1], [], []>, transpose_lhs_hint = false} : vector<1024x256xf32>, vector<256x256xf32>, vector<1024x256xf32> -> vector<1024x256xf32>
    %get3A_134 = arith.constant 0 : index
    %get3A_135 = arith.constant 0 : index
    %get3A_136 = vector.load %arg4[%get3A_134, %get3A_135] : memref<1x256xf32, #tpu.memory_space<vmem>>, vector<1x256xf32>
    %add3A_137 = vector.broadcast %get3A_136 : vector<1x256xf32> to vector<1024x256xf32>
    %add3A_138 = arith.addf %dot_general3A_133, %add3A_137 : vector<1024x256xf32>
    %max3A_139 = arith.maximumf %max3A_121, %add3A_138 : vector<1024x256xf32>
    %get3A_140 = arith.constant 0 : index
    %get3A_141 = arith.constant 0 : index
    %get3A_142 = vector.load %arg5[%get3A_140, %get3A_141] : memref<16x256xf32, #tpu.memory_space<vmem>>, vector<16x256xf32>
    %slice3A = vector.extract_strided_slice %get3A_142 {offsets = [0, 0], sizes = [1, 256], strides = [1, 1]} : vector<16x256xf32> to vector<1x256xf32>
    %squeeze3A = vector.shape_cast %slice3A : vector<1x256xf32> to vector<256xf32>
    %slice3A_143 = vector.extract_strided_slice %get3A_142 {offsets = [1, 0], sizes = [1, 256], strides = [1, 1]} : vector<16x256xf32> to vector<1x256xf32>
    %squeeze3A_144 = vector.shape_cast %slice3A_143 : vector<1x256xf32> to vector<256xf32>
    %add3A_145 = arith.addf %squeeze3A, %squeeze3A_144 : vector<256xf32>
    %slice3A_146 = vector.extract_strided_slice %get3A_142 {offsets = [2, 0], sizes = [1, 256], strides = [1, 1]} : vector<16x256xf32> to vector<1x256xf32>
    %squeeze3A_147 = vector.shape_cast %slice3A_146 : vector<1x256xf32> to vector<256xf32>
    %slice3A_148 = vector.extract_strided_slice %get3A_142 {offsets = [3, 0], sizes = [1, 256], strides = [1, 1]} : vector<16x256xf32> to vector<1x256xf32>
    %squeeze3A_149 = vector.shape_cast %slice3A_148 : vector<1x256xf32> to vector<256xf32>
    %add3A_150 = arith.addf %squeeze3A_147, %squeeze3A_149 : vector<256xf32>
    %add3A_151 = arith.addf %add3A_145, %add3A_150 : vector<256xf32>
    %slice3A_152 = vector.extract_strided_slice %get3A_142 {offsets = [4, 0], sizes = [1, 256], strides = [1, 1]} : vector<16x256xf32> to vector<1x256xf32>
    %squeeze3A_153 = vector.shape_cast %slice3A_152 : vector<1x256xf32> to vector<256xf32>
    %slice3A_154 = vector.extract_strided_slice %get3A_142 {offsets = [5, 0], sizes = [1, 256], strides = [1, 1]} : vector<16x256xf32> to vector<1x256xf32>
    %squeeze3A_155 = vector.shape_cast %slice3A_154 : vector<1x256xf32> to vector<256xf32>
    %add3A_156 = arith.addf %squeeze3A_153, %squeeze3A_155 : vector<256xf32>
    %slice3A_157 = vector.extract_strided_slice %get3A_142 {offsets = [6, 0], sizes = [1, 256], strides = [1, 1]} : vector<16x256xf32> to vector<1x256xf32>
    %squeeze3A_158 = vector.shape_cast %slice3A_157 : vector<1x256xf32> to vector<256xf32>
    %slice3A_159 = vector.extract_strided_slice %get3A_142 {offsets = [7, 0], sizes = [1, 256], strides = [1, 1]} : vector<16x256xf32> to vector<1x256xf32>
    %squeeze3A_160 = vector.shape_cast %slice3A_159 : vector<1x256xf32> to vector<256xf32>
    %add3A_161 = arith.addf %squeeze3A_158, %squeeze3A_160 : vector<256xf32>
    %add3A_162 = arith.addf %add3A_156, %add3A_161 : vector<256xf32>
    %add3A_163 = arith.addf %add3A_151, %add3A_162 : vector<256xf32>
    %slice3A_164 = vector.extract_strided_slice %get3A_142 {offsets = [8, 0], sizes = [1, 256], strides = [1, 1]} : vector<16x256xf32> to vector<1x256xf32>
    %squeeze3A_165 = vector.shape_cast %slice3A_164 : vector<1x256xf32> to vector<256xf32>
    %slice3A_166 = vector.extract_strided_slice %get3A_142 {offsets = [9, 0], sizes = [1, 256], strides = [1, 1]} : vector<16x256xf32> to vector<1x256xf32>
    %squeeze3A_167 = vector.shape_cast %slice3A_166 : vector<1x256xf32> to vector<256xf32>
    %add3A_168 = arith.addf %squeeze3A_165, %squeeze3A_167 : vector<256xf32>
    %slice3A_169 = vector.extract_strided_slice %get3A_142 {offsets = [10, 0], sizes = [1, 256], strides = [1, 1]} : vector<16x256xf32> to vector<1x256xf32>
    %squeeze3A_170 = vector.shape_cast %slice3A_169 : vector<1x256xf32> to vector<256xf32>
    %slice3A_171 = vector.extract_strided_slice %get3A_142 {offsets = [11, 0], sizes = [1, 256], strides = [1, 1]} : vector<16x256xf32> to vector<1x256xf32>
    %squeeze3A_172 = vector.shape_cast %slice3A_171 : vector<1x256xf32> to vector<256xf32>
    %add3A_173 = arith.addf %squeeze3A_170, %squeeze3A_172 : vector<256xf32>
    %add3A_174 = arith.addf %add3A_168, %add3A_173 : vector<256xf32>
    %slice3A_175 = vector.extract_strided_slice %get3A_142 {offsets = [12, 0], sizes = [1, 256], strides = [1, 1]} : vector<16x256xf32> to vector<1x256xf32>
    %squeeze3A_176 = vector.shape_cast %slice3A_175 : vector<1x256xf32> to vector<256xf32>
    %slice3A_177 = vector.extract_strided_slice %get3A_142 {offsets = [13, 0], sizes = [1, 256], strides = [1, 1]} : vector<16x256xf32> to vector<1x256xf32>
    %squeeze3A_178 = vector.shape_cast %slice3A_177 : vector<1x256xf32> to vector<256xf32>
    %add3A_179 = arith.addf %squeeze3A_176, %squeeze3A_178 : vector<256xf32>
    %slice3A_180 = vector.extract_strided_slice %get3A_142 {offsets = [14, 0], sizes = [1, 256], strides = [1, 1]} : vector<16x256xf32> to vector<1x256xf32>
    %squeeze3A_181 = vector.shape_cast %slice3A_180 : vector<1x256xf32> to vector<256xf32>
    %slice3A_182 = vector.extract_strided_slice %get3A_142 {offsets = [15, 0], sizes = [1, 256], strides = [1, 1]} : vector<16x256xf32> to vector<1x256xf32>
    %squeeze3A_183 = vector.shape_cast %slice3A_182 : vector<1x256xf32> to vector<256xf32>
    %add3A_184 = arith.addf %squeeze3A_181, %squeeze3A_183 : vector<256xf32>
    %add3A_185 = arith.addf %add3A_179, %add3A_184 : vector<256xf32>
    %add3A_186 = arith.addf %add3A_174, %add3A_185 : vector<256xf32>
    %mul3A = arith.constant 7.62939453E-6 : f32
    %mul3A_187 = vector.broadcast %mul3A : f32 to vector<256xf32>
    %mul3A_188 = arith.mulf %add3A_163, %mul3A_187 : vector<256xf32>
    %mul3A_189 = arith.constant 7.62939453E-6 : f32
    %mul3A_190 = vector.broadcast %mul3A_189 : f32 to vector<256xf32>
    %mul3A_191 = arith.mulf %add3A_186, %mul3A_190 : vector<256xf32>
    %mul3A_192 = arith.mulf %mul3A_188, %mul3A_188 : vector<256xf32>
    %sub3A_193 = arith.subf %mul3A_191, %mul3A_192 : vector<256xf32>
    %get3A_194 = arith.constant 0 : index
    %get3A_195 = arith.constant 0 : index
    %get3A_196 = vector.load %arg6[%get3A_194, %get3A_195] : memref<1x256xf32, #tpu.memory_space<vmem>>, vector<1x256xf32>
    %broadcast_in_dim3A = vector.shape_cast %mul3A_188 : vector<256xf32> to vector<1x256xf32>
    %sub3A_197 = vector.broadcast %broadcast_in_dim3A : vector<1x256xf32> to vector<1024x256xf32>
    %sub3A_198 = arith.subf %max3A_139, %sub3A_197 : vector<1024x256xf32>
    %mul3A_199 = vector.broadcast %get3A_196 : vector<1x256xf32> to vector<1024x256xf32>
    %mul3A_200 = arith.mulf %mul3A_199, %sub3A_198 : vector<1024x256xf32>
    %add3A_201 = arith.constant 9.99999974E-6 : f32
    %add3A_202 = vector.broadcast %add3A_201 : f32 to vector<256xf32>
    %add3A_203 = arith.addf %sub3A_193, %add3A_202 : vector<256xf32>
    %sqrt3A = math.sqrt %add3A_203 : vector<256xf32>
    %broadcast_in_dim3A_204 = vector.shape_cast %sqrt3A : vector<256xf32> to vector<1x256xf32>
    %div3A = vector.broadcast %broadcast_in_dim3A_204 : vector<1x256xf32> to vector<1024x256xf32>
    %div3A_205 = arith.divf %mul3A_200, %div3A : vector<1024x256xf32>
    %get3A_206 = arith.constant 0 : index
    %get3A_207 = arith.constant 0 : index
    %get3A_208 = vector.load %arg7[%get3A_206, %get3A_207] : memref<1x256xf32, #tpu.memory_space<vmem>>, vector<1x256xf32>
    %add3A_209 = vector.broadcast %get3A_208 : vector<1x256xf32> to vector<1024x256xf32>
    %add3A_210 = arith.addf %div3A_205, %add3A_209 : vector<1024x256xf32>
    %max3A_211 = arith.constant 0.000000e+00 : f32
    %max3A_212 = vector.broadcast %max3A_211 : f32 to vector<1024x256xf32>
    %max3A_213 = arith.maximumf %add3A_210, %max3A_212 : vector<1024x256xf32>
    %swap3A = arith.constant 0 : index
    %swap3A_214 = arith.constant 0 : index
    %swap3A_215 = vector.load %arg8[%swap3A, %swap3A_214] : memref<1024x256xf32, #tpu.memory_space<vmem>>, vector<1024x256xf32>
    tpu.vector_store %arg8[%swap3A, %swap3A_214], %max3A_213 {strides = array<i32>} : memref<1024x256xf32, #tpu.memory_space<vmem>>, vector<1024x256xf32>,
    return
  }
  func.func @transform_0(%arg0: i32) -> (i32, i32, i32) {
    %c0_i32 = arith.constant 0 : i32
    %c0_i32_0 = arith.constant 0 : i32
    %c0_i32_1 = arith.constant 0 : i32
    return %c0_i32, %arg0, %c0_i32_0 : i32, i32, i32
  }
  func.func @transform_1(%arg0: i32) -> (i32, i32) {
    %c0_i32 = arith.constant 0 : i32
    %c0_i32_0 = arith.constant 0 : i32
    return %arg0, %c0_i32 : i32, i32
  }
  func.func @transform_2(%arg0: i32) -> (i32, i32) {
    %c0_i32 = arith.constant 0 : i32
    %c0_i32_0 = arith.constant 0 : i32
    %c0_i32_1 = arith.constant 0 : i32
    return %c0_i32, %c0_i32_0 : i32, i32
  }
  func.func @transform_3(%arg0: i32) -> (i32, i32) {
    %c0_i32 = arith.constant 0 : i32
    %c0_i32_0 = arith.constant 0 : i32
    %c0_i32_1 = arith.constant 0 : i32
    return %c0_i32, %c0_i32_0 : i32, i32
  }
  func.func @transform_4(%arg0: i32) -> (i32, i32) {
    %c0_i32 = arith.constant 0 : i32
    %c0_i32_0 = arith.constant 0 : i32
    %c0_i32_1 = arith.constant 0 : i32
    return %c0_i32, %c0_i32_0 : i32, i32
  }
  func.func @transform_5(%arg0: i32) -> (i32, i32) {
    %c0_i32 = arith.constant 0 : i32
    %c0_i32_0 = arith.constant 0 : i32
    %c0_i32_1 = arith.constant 0 : i32
    return %c0_i32, %c0_i32_0 : i32, i32
  }
  func.func @transform_6(%arg0: i32) -> (i32, i32) {
    %c0_i32 = arith.constant 0 : i32
    %c0_i32_0 = arith.constant 0 : i32
    %c0_i32_1 = arith.constant 0 : i32
    return %c0_i32, %c0_i32_0 : i32, i32
  }
  func.func @transform_7(%arg0: i32) -> (i32, i32) {
    %c0_i32 = arith.constant 0 : i32
    %c0_i32_0 = arith.constant 0 : i32
    return %arg0, %c0_i32 : i32, i32
  }
}

module attributes {stable_mosaic.version = 14 : i64} {
  func.func @_pool_body(%arg0: i32, %arg1: memref<1x1024x256xf32, #tpu.memory_space<vmem>>, %arg2: memref<1x1x256xf32, #tpu.memory_space<vmem>>) attributes {dimension_semantics = [#tpu.dimension_semantics<arbitrary>], iteration_bounds = array<i64: 16>, scalar_prefetch = 0 : i64, scratch_operands = 0 : i64, tpu.core_type = #tpu.core_type<tc>, window_params = [{transform_indices = @transform_0, window_bounds = array<i64: 1, 1024, 256>}, {transform_indices = @transform_1, window_bounds = array<i64: 1, 1, 256>}]} {
    %get3A = arith.constant 0 : index
    %get3A_0 = arith.constant 0 : index
    %get3A_1 = arith.constant 0 : index
    %get3A_2 = vector.load %arg1[%get3A, %get3A_0, %get3A_1] : memref<1x1024x256xf32, #tpu.memory_space<vmem>>, vector<1x1024x256xf32>
    %get3A_3 = vector.shape_cast %get3A_2 : vector<1x1024x256xf32> to vector<1024x256xf32>
    %reduce_max3A = arith.constant dense<0xFF800000> : vector<256xf32>
    %reduce_max3A_4 = vector.multi_reduction <maximumf>, %get3A_3, %reduce_max3A [0] : vector<1024x256xf32> to vector<256xf32>
    %swap3A = arith.constant 0 : index
    %swap3A_5 = arith.constant 0 : index
    %swap3A_6 = arith.constant 0 : index
    %swap3A_7 = vector.load %arg2[%swap3A, %swap3A_5, %swap3A_6] : memref<1x1x256xf32, #tpu.memory_space<vmem>>, vector<1x1x256xf32>
    %swap3A_8 = vector.shape_cast %swap3A_7 : vector<1x1x256xf32> to vector<256xf32>
    %swap3A_9 = vector.shape_cast %reduce_max3A_4 : vector<256xf32> to vector<1x1x256xf32>
    tpu.vector_store %arg2[%swap3A, %swap3A_5, %swap3A_6], %swap3A_9 {strides = array<i32>} : memref<1x1x256xf32, #tpu.memory_space<vmem>>, vector<1x1x256xf32>,
    return
  }
  func.func @transform_0(%arg0: i32) -> (i32, i32, i32) {
    %c0_i32 = arith.constant 0 : i32
    %c0_i32_0 = arith.constant 0 : i32
    %c0_i32_1 = arith.constant 0 : i32
    return %arg0, %c0_i32, %c0_i32_0 : i32, i32, i32
  }
  func.func @transform_1(%arg0: i32) -> (i32, i32, i32) {
    %c0_i32 = arith.constant 0 : i32
    %c0_i32_0 = arith.constant 0 : i32
    %c0_i32_1 = arith.constant 0 : i32
    return %arg0, %c0_i32, %c0_i32_0 : i32, i32, i32
  }
}

module attributes {stable_mosaic.version = 14 : i64} {
  func.func @_head_body(%arg0: memref<16x256xf32, #tpu.memory_space<vmem>>, %arg1: memref<256x512xf32, #tpu.memory_space<vmem>>, %arg2: memref<1x512xf32, #tpu.memory_space<vmem>>, %arg3: memref<512x40xf32, #tpu.memory_space<vmem>>, %arg4: memref<1x40xf32, #tpu.memory_space<vmem>>, %arg5: memref<16x40xf32, #tpu.memory_space<vmem>>) attributes {dimension_semantics = [], scalar_prefetch = 0 : i64, scratch_operands = 0 : i64, tpu.core_type = #tpu.core_type<tc>} {
    %get3A = arith.constant 0 : index
    %get3A_0 = arith.constant 0 : index
    %get3A_1 = vector.load %arg0[%get3A, %get3A_0] : memref<16x256xf32, #tpu.memory_space<vmem>>, vector<16x256xf32>
    %get3A_2 = arith.constant 0 : index
    %get3A_3 = arith.constant 0 : index
    %get3A_4 = vector.load %arg1[%get3A_2, %get3A_3] : memref<256x512xf32, #tpu.memory_space<vmem>>, vector<256x512xf32>
    %dot_general3A = arith.constant dense<0.000000e+00> : vector<16x512xf32>
    %dot_general3A_5 = tpu.matmul %get3A_1, %get3A_4, %dot_general3A {dimension_numbers = #tpu.dot_dimension_numbers<[1], [0], [0], [1], [0, 0, 1, 1], [], []>, transpose_lhs_hint = false} : vector<16x256xf32>, vector<256x512xf32>, vector<16x512xf32> -> vector<16x512xf32>
    %get3A_6 = arith.constant 0 : index
    %get3A_7 = arith.constant 0 : index
    %get3A_8 = vector.load %arg2[%get3A_6, %get3A_7] : memref<1x512xf32, #tpu.memory_space<vmem>>, vector<1x512xf32>
    %add3A = vector.broadcast %get3A_8 : vector<1x512xf32> to vector<16x512xf32>
    %add3A_9 = arith.addf %dot_general3A_5, %add3A : vector<16x512xf32>
    %max3A = arith.constant 0.000000e+00 : f32
    %max3A_10 = vector.broadcast %max3A : f32 to vector<16x512xf32>
    %max3A_11 = arith.maximumf %add3A_9, %max3A_10 : vector<16x512xf32>
    %get3A_12 = arith.constant 0 : index
    %get3A_13 = arith.constant 0 : index
    %get3A_14 = vector.load %arg3[%get3A_12, %get3A_13] : memref<512x40xf32, #tpu.memory_space<vmem>>, vector<512x40xf32>
    %dot_general3A_15 = arith.constant dense<0.000000e+00> : vector<16x40xf32>
    %dot_general3A_16 = tpu.matmul %max3A_11, %get3A_14, %dot_general3A_15 {dimension_numbers = #tpu.dot_dimension_numbers<[1], [0], [0], [1], [0, 0, 1, 1], [], []>, transpose_lhs_hint = false} : vector<16x512xf32>, vector<512x40xf32>, vector<16x40xf32> -> vector<16x40xf32>
    %get3A_17 = arith.constant 0 : index
    %get3A_18 = arith.constant 0 : index
    %get3A_19 = vector.load %arg4[%get3A_17, %get3A_18] : memref<1x40xf32, #tpu.memory_space<vmem>>, vector<1x40xf32>
    %add3A_20 = vector.broadcast %get3A_19 : vector<1x40xf32> to vector<16x40xf32>
    %add3A_21 = arith.addf %dot_general3A_16, %add3A_20 : vector<16x40xf32>
    %swap3A = arith.constant 0 : index
    %swap3A_22 = arith.constant 0 : index
    %swap3A_23 = vector.load %arg5[%swap3A, %swap3A_22] : memref<16x40xf32, #tpu.memory_space<vmem>>, vector<16x40xf32>
    tpu.vector_store %arg5[%swap3A, %swap3A_22], %add3A_21 {strides = array<i32>} : memref<16x40xf32, #tpu.memory_space<vmem>>, vector<16x40xf32>,
    return
  }
}

</mosaic_0001>

<sc_bundles>
// kernel: kernel.20.cloned.1.call-start
scs
__scs_entry_jumppad:
0x0: {  	(pc) =	sbr.rel $0x88, $3  }
0x1: {  	(tag) =	ssettag $0x0;
	lr =	simm.s32 $0x1  }
0x2: {  	[smem:$0x3F8C] =	sst lr;
	_ =	strace $0xD0000000  }
0x3: {  	_ = 	snop  }
0x4: {  	_ = 	snop  }
0x5: {  	_ = 	snop  }
0x6: {  	_ = 	snop  }
0x7: {  	_ = 	snop  }
__scs_overlays_trampoline_lowered:
0x8: {  	[smem:$0x3F9B] =	sst s0  }
0x9: {  	[smem:$0x3F9C] =	sst s1  }
0xa: {  	[smem:$0x3F9D] =	sst s2  }
0xb: {  	[smem:$0x3F9E] =	sst s3  }
0xc: {  	[smem:$0x3F9F] =	sst s4  }
0xd: {  	[smem:$0x3FA0] =	sst s5  }
0xe: {  	[smem:$0x3FA1] =	sst s6  }
0xf: {  	[smem:$0x3FA2] =	sst s7  }
0x10: {  	[smem:$0x3FA3] =	sst s8  }
0x11: {  	[smem:$0x3FA4] =	sst s9;
	s0 =	simm.s32 @!p0 $0x0  }
0x12: {  	s1 =	sld [smem:$0x3F8A];
	s0 =	simm.s32 @p0 $0x1  }
0x13: {  	[smem:$0x3FA5] =	sst s0;
	s0 =	simm.s32 @!p1 $0x0  }
0x14: {  	s2 =	sld [smem:$0x3F89];
	s0 =	simm.s32 @p1 $0x1  }
0x15: {  	[smem:$0x3FA6] =	sst s0;
	s0 =	simm.s32 @!p2 $0x0  }
0x16: {  	s3 =	sld [smem:$0x3FDB];
	s0 =	simm.s32 @p2 $0x1  }
0x17: {  	s4 =	simm.s32 $0x1BF5;
	[smem:$0x3FA8] =	sst s0  }
0x18: {  	s0 =	sld [smem:$0x3F8B];
	_ =	swait.ge [sflag:s4], $0x0  }
0x19: {  	s7 =	sld [smem:$0x3F8C]  }
0x1a: {  	s8 =	sadd.s32 $0xFFFFE003, lr  }
0x1b: {  	s9 =	sadd.s32 $0xFFFFFEF7, lr;
	s5 =	simm.s32 $0xFFFFFFFF;
	p2 =	slt.u32 s8, $0xFFFFF086  }
0x1c: {  	p1 =	slt.u32 s9, $0xF7A;
	s5 =	simm.s32 @!p2 $0x0  }
0x1d: {  	s5 =	simm.s32 @p1 $0x1;
	p0 =	seq.s32 s7, s2  }
0x1e: {  	s7 =	smul.u32 @!p0 $0xF7A, s2;
	p2 =	seq.s32 @!p0 s5, $0x0  }
0x1f: {  	s9 =	smul.u32 $0xF7A, s1;
	s8 =	simm.s32 @!p0 $0x1BF5;
	p2 =	por !p2, p0  }
0x20: {  	[sflag:s8] =	ssyncset.s32 @!p0 $0xFFFFF086;
	s6 =	sadd.s32 @!p0 s3, s7;
	s7 =	simm.s32 @!p0 $0x108  }
0x21: {  	s3 =	sadd.s32 s3, s9;
	s6 =	sadd.s32 @!p0 $0x88, s6;
	s7 =	simm.s32 @p2 $0x1082  }
0x22: {  	[simem:s7], [sflag:s8] =	dma.local @!p0 [hbm:s6], $0xF7A  }
0x23: {  	s9 =	sor.u32 $0xD0000000, s2;
	s6 =	simm.s32 $0x108;
	_ =	swait.ge @!p0 [sflag:s8], $0x0  }
0x24: {  	s3 =	sadd.s32 $0x88, s3;
	s6 =	simm.s32 @!p1 $0x1082;
	[sflag:s4] =	ssyncset.s32 $0xFFFFF086  }
0x25: {  	[simem:s6], [sflag:s4] =	dma.local [hbm:s3], $0xF7A  }
0x26: {  	[smem:$0x3F8C] =	sst s1;
	(tag) =	ssettag s2;
	_ =	strace s9  }
0x27: {  	s1 =	sld [smem:$0x3F9C]  }
0x28: {  	s2 =	sld [smem:$0x3F9D]  }
0x29: {  	s4 =	sld [smem:$0x3F9F]  }
0x2a: {  	p0 =	seq.s32 s5, $0x0;
	s5 =	sld [smem:$0x3FA0]  }
0x2b: {  	s6 =	sld [smem:$0x3FA1]  }
0x2c: {  	s7 =	sld [smem:$0x3FA2]  }
0x2d: {  	s3 =	simm.s32 $0x108;
	s8 =	sld [smem:$0x3FA3]  }
0x2e: {  	s3 =	simm.s32 @!p0 $0x1082;
	s9 =	sld [smem:$0x3FA4]  }
0x2f: {  	lr =	sadd.s32 s0, s3;
	s0 =	sld [smem:$0x3F9B]  }
0x30: {  	s3 =	sld [smem:$0x3F9E]  }
0x31: {  	[smem:$0x3FA7] =	sst s10  }
0x32: {  	s10 =	sld [smem:$0x3FA5];
	_ =	sdelay $0x3  }
0x33: {  	p0 =	seq.s32 s10, $0x1;
	s10 =	sld [smem:$0x3FA7];
	_ =	sdelay $0x3  }
0x34: {  	[smem:$0x3FA7] =	sst s10  }
0x35: {  	s10 =	sld [smem:$0x3FA6];
	_ =	sdelay $0x3  }
0x36: {  	p1 =	seq.s32 s10, $0x1;
	s10 =	sld [smem:$0x3FA7];
	_ =	sdelay $0x3  }
0x37: {  	[smem:$0x3FA7] =	sst s10  }
0x38: {  	s10 =	sld [smem:$0x3FA8]  }
0x39: {  	_ = 	snop;
	(pc) =	sbr.ind lr, $3  }
0x3a: {  	_ = 	snop  }
0x3b: {  	_ = 	snop  }
0x3c: {  	p2 =	seq.s32 s10, $0x1;
	s10 =	sld [smem:$0x3FA7]  }
0x3d: {  	_ =	shalt  }
0x3e: {  	_ =	shalt  }
0x3f: {  	_ =	shalt  }
0x40: {  	_ =	shalt  }
0x41: {  	_ =	shalt  }
0x42: {  	_ =	shalt  }
0x43: {  	_ =	shalt  }
0x44: {  	_ =	shalt  }
0x45: {  	_ =	shalt  }
0x46: {  	_ =	shalt  }
0x47: {  	_ =	shalt  }
0x48: {  	_ =	shalt  }
0x49: {  	_ =	shalt  }
0x4a: {  	_ =	shalt  }
0x4b: {  	_ =	shalt  }
0x4c: {  	_ =	shalt  }
0x4d: {  	_ =	shalt  }
0x4e: {  	_ =	shalt  }
0x4f: {  	_ =	shalt  }
0x50: {  	_ =	shalt  }
0x51: {  	_ =	shalt  }
0x52: {  	_ =	shalt  }
0x53: {  	_ =	shalt  }
0x54: {  	_ =	shalt  }
0x55: {  	_ =	shalt  }
0x56: {  	_ =	shalt  }
0x57: {  	_ =	shalt  }
0x58: {  	_ =	shalt  }
0x59: {  	_ =	shalt  }
0x5a: {  	_ =	shalt  }
0x5b: {  	_ =	shalt  }
0x5c: {  	_ =	shalt  }
0x5d: {  	_ =	shalt  }
0x5e: {  	_ =	shalt  }
0x5f: {  	_ =	shalt  }
0x60: {  	_ =	shalt  }
0x61: {  	_ =	shalt  }
0x62: {  	_ =	shalt  }
0x63: {  	_ =	shalt  }
0x64: {  	_ =	shalt  }
0x65: {  	_ =	shalt  }
0x66: {  	_ =	shalt  }
0x67: {  	_ =	shalt  }
0x68: {  	_ =	shalt  }
0x69: {  	_ =	shalt  }
0x6a: {  	_ =	shalt  }
0x6b: {  	_ =	shalt  }
0x6c: {  	_ =	shalt  }
0x6d: {  	_ =	shalt  }
0x6e: {  	_ =	shalt  }
0x6f: {  	_ =	shalt  }
0x70: {  	_ =	shalt  }
0x71: {  	_ =	shalt  }
0x72: {  	_ =	shalt  }
0x73: {  	_ =	shalt  }
0x74: {  	_ =	shalt  }
0x75: {  	_ =	shalt  }
0x76: {  	_ =	shalt  }
0x77: {  	_ =	shalt  }
0x78: {  	_ =	shalt  }
0x79: {  	_ =	shalt  }
0x7a: {  	_ =	shalt  }
0x7b: {  	_ =	shalt  }
0x7c: {  	_ =	shalt  }
0x7d: {  	_ =	shalt  }
0x7e: {  	_ =	shalt  }
0x7f: {  	_ =	shalt  }
0x80: {  	_ =	shalt  }
0x81: {  	_ =	shalt  }
0x82: {  	_ =	shalt  }
0x83: {  	_ =	shalt  }
0x84: {  	_ =	shalt  }
0x85: {  	_ =	shalt  }
0x86: {  	_ =	shalt  }
0x87: {  	_ =	shalt  }
.Lfunc_end0:
.L_simem_size_0:
called_computation_lowered:
.L_overlay_start_0:
0x88: {  	s2 =	sld [smem:$0x3FD9]  }
0x89: {  	s3 =	sld [smem:$0x3FFE];
	_ =	sdelay $0x1  }
0x8a: {  	s1 =	srdreg.scid  }
0x8b: {  	s0 =	sand.u32 $0x1, s1  }
0x8c: {  	s16 =	sshll.u32 s0, $0xA;
	s2 =	sadd.s32 s3, s2  }
0x8d: {  	s2 =	sadd.s32 s2, s16  }
0x8e: {  	[smem:$0x3FB3] =	sst s2  }
0x8f: {  	_ = 	snop  }
0x90: {  	(tm) =	ssettm $0x1  }
0x91: {  	s17 =	sld [smem:$0x3FFB];
	_ =	sdelay $0x3  }
0x92: {  	_ =	strace s17  }
0x93: {  	s2 =	sld [smem:$0x3FFC];
	_ =	sdelay $0x3  }
0x94: {  	_ =	strace s2  }
0x95: {  	s2 =	sld [smem:$0x3FFD];
	_ =	sdelay $0x3  }
0x96: {  	_ =	strace s2  }
0x97: {  	_ =	strace $0x8FFFFFFF  }
0x98: {  	s18 =	sld [smem:$0x3FDB];
	_ =	sdelay $0x1  }
0x99: {  	s19 =	simm.s32 $_scs_section_size  }
0x9a: {  	s4 =	simm.s32 $_size__tile_overlayer_lowered;
	s5 =	simm.s32 $_tile_overlayer_lowered  }
0x9b: {  	s22 =	simm.s32 $0x1BFF;
	s21 =	sshll.u32 s5, $0x1;
	s2 =	sadd.s32 s19, s18  }
0x9c: {  	s6 =	simm.s32 $0x0;
	s20 =	sshll.u32 s4, $0x1;
	s4 =	sadd.s32 s21, s2  }
0x9d: {  	[timem:s6], [sflag:s22] =	dma.local [hbm:s4], s20  }
0x9e: {  	_ =	swait.ge [sflag:s22], s20  }
0x9f: {  	s3 =	ssub.s32 $0x0, s20;
	[sflag:s22] =	ssyncset.done $0x0  }
0xa0: {  	[sflag:s22] =	ssyncadd.s32 s3;
	_ =	sdelay $0x1  }
0xa1: {  	s23 =	simm.s32 $0x1B8B  }
0xa2: {  	_ =	swait.ge [sflag:s23], $0x1  }
0xa3: {  	[sflag:s23] =	ssyncset.done $0x0  }
0xa4: {  	s25 =	simm.s32 $0x1B8E;
	s24 =	sld [smem:$0x3FFE];
	[sflag:s23] =	ssyncadd.s32 $0xFFFFFFFF  }
0xa5: {  	s26 =	simm.s32 $execute0_lowered;
	[smem:$0x3FD2] =	sst s25  }
0xa6: {  	s4 =	sshll.u32 s26, $0x1;
	_ =	strace $0x80000046;
	[dreg:$0x1] =	wrdreg $0xFFFFFFFF  }
0xa7: {  	s28 =	simm.s32 $_size_execute0_lowered;
	s2 =	sadd.s32 s2, s4;
	[dreg:$0x0] =	wrdreg $0x0  }
0xa8: {  	s4 =	sshll.u32 s28, $0x1;
	[dreg:$0x2] =	wrdreg s2  }
0xa9: {  	[dreg:$0x3] =	wrdreg s4  }
0xaa: {  	[dreg:$0x4] =	wrdreg $0xC0  }
0xab: {  	_ =	task [dreg:s6], $0x5FFFF  }
0xac: {  	[dreg:$0x1] =	wrdreg $0xFFFFFFFF  }
0xad: {  	[dreg:$0x0] =	wrdreg $0x60  }
0xae: {  	[dreg:$0x2] =	wrdreg s24  }
0xaf: {  	[dreg:$0x3] =	wrdreg $0x9  }
0xb0: {  	_ =	task.clear_ibuf [dreg:s6], $0x4FFFF;
	_ =	strace $0x90000046  }
0xb1: {  	s29 =	simm.s32 $0x9;
	_ =	strace $0x80000048  }
0xb2: {  	_ =	swait.ge [sflag:s29], $0x1  }
0xb3: {  	[sflag:s29] =	ssyncadd.s32 $0xFFFFFFFF  }
0xb4: {  	_ =	strace $0x90000048  }
0xb5: {  	_ =	sfence  }
0xb6: {  	s30 =	sld [smem:$0x0];
	_ =	sdelay $0x2  }
0xb7: {  	s31 =	sshll.u32 s1, $0xD;
	s1 =	sshrl.u32 s1, $0x2  }
0xb8: {  	s3 =	sand.u32 $0x4000, s31;
	s1 =	sadd.s32 s1, s30  }
0xb9: {  	s0 =	sor.u32 s3, s0;
	s1 =	sshll.u32 s1, $0x11  }
0xba: {  	s0 =	sor.u32 s1, s0  }
0xbb: {  	s0 =	sadd.s32 $0x8F2B, s0  }
0xbc: {  	[sflag:s0] =	ssyncadd.remote.s32 $0x1  }
0xbd: {  	_ =	sfence.sel $0xFFFF  }
0xbe: {  	[dreg:$0x0] =	wrdreg $0xFFFFFFFF;
	(pc) =	sbr.abs _section_cstart, $3  }
0xbf: {  	[dreg:$0x1] =	wrdreg $0xFFFFFFFF  }
0xc0: {  	_ =	task.clear_ibuf [dreg:s6], $0x2FFFF;
	_ =	strace $0x9FFFFFFF  }
0xc1: {  	(tm) =	ssettm $0x7FFFFFFF  }
tec
execute0_lowered:
.L_overlay_start_1:
0x0: {  	(tag) =	ssettag $0x1  }
0x1: {  	s4 =	rddreg [dreg:$0x0]  }
0x2: {  	s0 =	rddreg [dreg:$0x1];
	s2 =	simm.s32 $0x0;
	s3 =	srdreg.scid  }
0x3: {  	s1 =	stileid.u32;
	s10 =	simm.s32 $0x0;
	[smem:$0x7FF] =	sst s2  }
0x4: {  	s5 =	sand.u32 $0x1, s3;
	s6 =	sshll.u32 s1, $0xD;
	s3 =	sadd.s32 $0x6C00, s4  }
0x5: {  	s8 =	sshll.u32 s1, $0x11;
	_ =	strace $0x80000047;
	s7 =	sshll.u32 s5, $0xC  }
0x6: {  	s31 =	ssub.s32 $0x2, s5;
	s8 =	sadd.s32 s8, s4;
	s5 =	sshll.u32 s5, $0x10  }
0x7: {  	s6 =	sor.u32 s7, s6;
	s9 =	sshrl.u32 s31, $0x1;
	s5 =	sadd.s32 s5, s8  }
0x8: {  	s8 =	simm.s32 $0x80;
	s6 =	sshrl.u32 s6, $0x3;
	s7 =	ssub.s32 s31, s9  }
0x9: {  	s5 =	sadd.s32 $0x4AC00, s5;
	s9 =	simm.s32 $0x1;
	s6 =	sadd.s32 s6, s4  }
0xa: {  	s4 =	smax.u32 s7, $0x1;
	s7 =	simm.s32 $0x2;
	s6 =	sadd.s32 $0x46C00, s6  }
.LBB2_1:
0xb: {  	s11 =	sadd.s32 $0x0, s6  }
0xc: {  	[tilespmem:s2], [sflag:$0x2] =	stream.linear.gather [hbm4b:s11+s2], $0x80, $0x38;
	[tilespmem:$0x4080] =	vst v63  }
0xd: {  	_ =	swait.ge [sflag:s7], $0x80  }
0xe: {  	[sflag:s7] =	ssyncset.done $0x0  }
0xf: {  	[sflag:s7] =	ssyncadd.s32 $0xFFFFFF80  }
0x10: {  	[tilespmem:s8], [sflag:$0x1] =	stream.indirect.gather [hbm4b:s3+s8], $0x80, s2, s8, $0xb8;
	[tilespmem:$0x4080] =	vst v63  }
0x11: {  	_ =	swait.ge [sflag:s9], $0x4000  }
0x12: {  	[sflag:s9] =	ssyncset.done $0x0  }
0x13: {  	[sflag:s9] =	ssyncadd.s32 $0xFFFFC000  }
0x14: {  	[hbm4b:s5+s2] =	stream.linear.scatter [tilespmem:s8], [sflag:$0x2], $0x4000, $0x38;
	[tilespmem:$0x4080] =	vst v63  }
0x15: {  	s12 =	simm.s32 $0x10;
	_ =	swait.ge [sflag:s7], $0x4000  }
0x16: {  	s13 =	simm.s32 $0x20;
	s11 =	sadd.s32 $0x800, s5;
	[sflag:s7] =	ssyncset.done $0x0  }
.LBB2_2:
0x17: {  	s14 =	sadd.s32 s12, s6  }
0x18: {  	[sflag:s7] =	ssyncadd.s32 $0xFFFFC000;
	s12 =	smov.u32 s13;
	s15 =	sadd.s32 $0x10, s13  }
0x19: {  	[tilespmem:s2], [sflag:$0x2] =	stream.linear.gather [hbm4b:s14+s2], $0x80, $0x38;
	[tilespmem:$0x4080] =	vst v63  }
0x1a: {  	p0 =	sne.s32 s13, $0x1F0;
	_ =	swait.ge [sflag:s7], $0x80  }
0x1b: {  	[sflag:s7] =	ssyncset.done $0x0  }
0x1c: {  	[sflag:s7] =	ssyncadd.s32 $0xFFFFFF80  }
0x1d: {  	[tilespmem:s8], [sflag:$0x1] =	stream.indirect.gather [hbm4b:s3+s8], $0x80, s2, s8, $0xb8;
	[tilespmem:$0x4080] =	vst v63  }
0x1e: {  	_ =	swait.ge [sflag:s9], $0x4000  }
.Ltmp0:
0x1f: {  	[sflag:s9] =	ssyncset.done $0x0;
	(pc) =	sbr.rel @p0 .LBB2_2-.Ltmp0, $4  }
0x20: {  	[sflag:s9] =	ssyncadd.s32 $0xFFFFC000  }
0x21: {  	[hbm4b:s11+s2] =	stream.linear.scatter [tilespmem:s8], [sflag:$0x2], $0x4000, $0x38;
	[tilespmem:$0x4080] =	vst v63  }
0x22: {  	_ =	swait.ge [sflag:s7], $0x4000  }
0x23: {  	s13 =	smov.u32 s15;
	s11 =	sadd.s32 $0x800, s11;
	[sflag:s7] =	ssyncset.done $0x0  }
0x24: {  	s12 =	sadd.s32 s12, s6;
	[sflag:s7] =	ssyncadd.s32 $0xFFFFC000  }
0x25: {  	[tilespmem:s2], [sflag:$0x2] =	stream.linear.gather [hbm4b:s12+s2], $0x80, $0x38;
	[tilespmem:$0x4080] =	vst v63  }
0x26: {  	_ =	swait.ge [sflag:s7], $0x80  }
0x27: {  	[sflag:s7] =	ssyncset.done $0x0  }
0x28: {  	[sflag:s7] =	ssyncadd.s32 $0xFFFFFF80  }
0x29: {  	[tilespmem:s8], [sflag:$0x1] =	stream.indirect.gather [hbm4b:s3+s8], $0x80, s2, s8, $0xb8;
	[tilespmem:$0x4080] =	vst v63  }
0x2a: {  	s10 =	sadd.s32 $0x1, s10;
	_ =	swait.ge [sflag:s9], $0x4000  }
0x2b: {  	p0 =	sne.s32 s10, s4;
	[sflag:s9] =	ssyncset.done $0x0  }
.Ltmp1:
0x2c: {  	[sflag:s9] =	ssyncadd.s32 $0xFFFFC000;
	(pc) =	sbr.rel @p0 .LBB2_1-.Ltmp1, $4  }
0x2d: {  	[hbm4b:s11+s2] =	stream.linear.scatter [tilespmem:s8], [sflag:$0x2], $0x4000, $0x38;
	[tilespmem:$0x4080] =	vst v63  }
0x2e: {  	_ =	swait.ge [sflag:s7], $0x4000  }
0x2f: {  	[sflag:s7] =	ssyncset.done $0x0  }
0x30: {  	[sflag:s7] =	ssyncadd.s32 $0xFFFFC000  }
0x31: {  	_ =	sfence.sel $0x180000  }
0x32: {  	[bflag:$0x0] =	sbarrier.arrive $0xFFFF  }
0x33: {  	p0 =	sne.s32 s1, $0x0;
	_ =	strace $0x90000047  }
0x34: {  	s0 =	sadd.s32 @!p0 $0x100000, s0;
	[bflag:$0x2] =	sbarrier.arrive $0xFFFF  }
0x35: {  	[sflag:s0] =	ssyncadd.tile.s32 @!p0 $0x1;
	_ =	shalt  }
.Lfunc_end2:
_tile_overlayer_lowered:
.L_overlay_start_2:
0x36: {  	(tag) =	ssettag $0x2  }
0x37: {  	s0 =	rddreg [dreg:$0x0];
	s2 =	stileid.u32  }
0x38: {  	s1 =	rddreg [dreg:$0x1];
	p0 =	sne.s32 s2, $0x0  }
0x39: {  	s3 =	rddreg [dreg:$0x2];
	[bflag:$0x3] =	sbarrier.arrive $0xFFFF;
	s2 =	simm.s32 @!p0 $0x1C02  }
0x3a: {  	[timem:s3], [sflag:s2] =	dma.local @!p0 [hbm:s0], s1  }
0x3b: {  	s0 =	simm.s32 @!p0 $0x2  }
0x3c: {  	_ =	swait.ge @!p0 [sflag:s0], s1  }
0x3d: {  	s1 =	ssub.s32 @!p0 $0x0, s1;
	[sflag:s0] =	ssyncset.done @!p0 $0x0  }
0x3e: {  	[sflag:s0] =	ssyncadd.s32 @!p0 s1  }
0x3f: {  	[bflag:$0x3] =	sbarrier.arrive $0xFFFF  }
0x40: {  	_ =	shalt  }

// kernel: kernel.23.cloned.1.call-start
scs
__scs_entry_jumppad:
0x0: {  	(pc) =	sbr.rel $0x88, $3  }
0x1: {  	(tag) =	ssettag $0x0;
	lr =	simm.s32 $0x1  }
0x2: {  	[smem:$0x3F8C] =	sst lr;
	_ =	strace $0xD0000000  }
0x3: {  	_ = 	snop  }
0x4: {  	_ = 	snop  }
0x5: {  	_ = 	snop  }
0x6: {  	_ = 	snop  }
0x7: {  	_ = 	snop  }
__scs_overlays_trampoline_lowered:
0x8: {  	[smem:$0x3F9B] =	sst s0  }
0x9: {  	[smem:$0x3F9C] =	sst s1  }
0xa: {  	[smem:$0x3F9D] =	sst s2  }
0xb: {  	[smem:$0x3F9E] =	sst s3  }
0xc: {  	[smem:$0x3F9F] =	sst s4  }
0xd: {  	[smem:$0x3FA0] =	sst s5  }
0xe: {  	[smem:$0x3FA1] =	sst s6  }
0xf: {  	[smem:$0x3FA2] =	sst s7  }
0x10: {  	[smem:$0x3FA3] =	sst s8  }
0x11: {  	[smem:$0x3FA4] =	sst s9;
	s0 =	simm.s32 @!p0 $0x0  }
0x12: {  	s1 =	sld [smem:$0x3F8A];
	s0 =	simm.s32 @p0 $0x1  }
0x13: {  	[smem:$0x3FA5] =	sst s0;
	s0 =	simm.s32 @!p1 $0x0  }
0x14: {  	s2 =	sld [smem:$0x3F89];
	s0 =	simm.s32 @p1 $0x1  }
0x15: {  	[smem:$0x3FA6] =	sst s0;
	s0 =	simm.s32 @!p2 $0x0  }
0x16: {  	s3 =	sld [smem:$0x3FDB];
	s0 =	simm.s32 @p2 $0x1  }
0x17: {  	s4 =	simm.s32 $0x1BF5;
	[smem:$0x3FA8] =	sst s0  }
0x18: {  	s0 =	sld [smem:$0x3F8B];
	_ =	swait.ge [sflag:s4], $0x0  }
0x19: {  	s7 =	sld [smem:$0x3F8C]  }
0x1a: {  	s8 =	sadd.s32 $0xFFFFE003, lr  }
0x1b: {  	s9 =	sadd.s32 $0xFFFFFEF7, lr;
	s5 =	simm.s32 $0xFFFFFFFF;
	p2 =	slt.u32 s8, $0xFFFFF086  }
0x1c: {  	p1 =	slt.u32 s9, $0xF7A;
	s5 =	simm.s32 @!p2 $0x0  }
0x1d: {  	s5 =	simm.s32 @p1 $0x1;
	p0 =	seq.s32 s7, s2  }
0x1e: {  	s7 =	smul.u32 @!p0 $0xF7A, s2;
	p2 =	seq.s32 @!p0 s5, $0x0  }
0x1f: {  	s9 =	smul.u32 $0xF7A, s1;
	s8 =	simm.s32 @!p0 $0x1BF5;
	p2 =	por !p2, p0  }
0x20: {  	[sflag:s8] =	ssyncset.s32 @!p0 $0xFFFFF086;
	s6 =	sadd.s32 @!p0 s3, s7;
	s7 =	simm.s32 @!p0 $0x108  }
0x21: {  	s3 =	sadd.s32 s3, s9;
	s6 =	sadd.s32 @!p0 $0x88, s6;
	s7 =	simm.s32 @p2 $0x1082  }
0x22: {  	[simem:s7], [sflag:s8] =	dma.local @!p0 [hbm:s6], $0xF7A  }
0x23: {  	s9 =	sor.u32 $0xD0000000, s2;
	s6 =	simm.s32 $0x108;
	_ =	swait.ge @!p0 [sflag:s8], $0x0  }
0x24: {  	s3 =	sadd.s32 $0x88, s3;
	s6 =	simm.s32 @!p1 $0x1082;
	[sflag:s4] =	ssyncset.s32 $0xFFFFF086  }
0x25: {  	[simem:s6], [sflag:s4] =	dma.local [hbm:s3], $0xF7A  }
0x26: {  	[smem:$0x3F8C] =	sst s1;
	(tag) =	ssettag s2;
	_ =	strace s9  }
0x27: {  	s1 =	sld [smem:$0x3F9C]  }
0x28: {  	s2 =	sld [smem:$0x3F9D]  }
0x29: {  	s4 =	sld [smem:$0x3F9F]  }
0x2a: {  	p0 =	seq.s32 s5, $0x0;
	s5 =	sld [smem:$0x3FA0]  }
0x2b: {  	s6 =	sld [smem:$0x3FA1]  }
0x2c: {  	s7 =	sld [smem:$0x3FA2]  }
0x2d: {  	s3 =	simm.s32 $0x108;
	s8 =	sld [smem:$0x3FA3]  }
0x2e: {  	s3 =	simm.s32 @!p0 $0x1082;
	s9 =	sld [smem:$0x3FA4]  }
0x2f: {  	lr =	sadd.s32 s0, s3;
	s0 =	sld [smem:$0x3F9B]  }
0x30: {  	s3 =	sld [smem:$0x3F9E]  }
0x31: {  	[smem:$0x3FA7] =	sst s10  }
0x32: {  	s10 =	sld [smem:$0x3FA5];
	_ =	sdelay $0x3  }
0x33: {  	p0 =	seq.s32 s10, $0x1;
	s10 =	sld [smem:$0x3FA7];
	_ =	sdelay $0x3  }
0x34: {  	[smem:$0x3FA7] =	sst s10  }
0x35: {  	s10 =	sld [smem:$0x3FA6];
	_ =	sdelay $0x3  }
0x36: {  	p1 =	seq.s32 s10, $0x1;
	s10 =	sld [smem:$0x3FA7];
	_ =	sdelay $0x3  }
0x37: {  	[smem:$0x3FA7] =	sst s10  }
0x38: {  	s10 =	sld [smem:$0x3FA8]  }
0x39: {  	_ = 	snop;
	(pc) =	sbr.ind lr, $3  }
0x3a: {  	_ = 	snop  }
0x3b: {  	_ = 	snop  }
0x3c: {  	p2 =	seq.s32 s10, $0x1;
	s10 =	sld [smem:$0x3FA7]  }
0x3d: {  	_ =	shalt  }
0x3e: {  	_ =	shalt  }
0x3f: {  	_ =	shalt  }
0x40: {  	_ =	shalt  }
0x41: {  	_ =	shalt  }
0x42: {  	_ =	shalt  }
0x43: {  	_ =	shalt  }
0x44: {  	_ =	shalt  }
0x45: {  	_ =	shalt  }
0x46: {  	_ =	shalt  }
0x47: {  	_ =	shalt  }
0x48: {  	_ =	shalt  }
0x49: {  	_ =	shalt  }
0x4a: {  	_ =	shalt  }
0x4b: {  	_ =	shalt  }
0x4c: {  	_ =	shalt  }
0x4d: {  	_ =	shalt  }
0x4e: {  	_ =	shalt  }
0x4f: {  	_ =	shalt  }
0x50: {  	_ =	shalt  }
0x51: {  	_ =	shalt  }
0x52: {  	_ =	shalt  }
0x53: {  	_ =	shalt  }
0x54: {  	_ =	shalt  }
0x55: {  	_ =	shalt  }
0x56: {  	_ =	shalt  }
0x57: {  	_ =	shalt  }
0x58: {  	_ =	shalt  }
0x59: {  	_ =	shalt  }
0x5a: {  	_ =	shalt  }
0x5b: {  	_ =	shalt  }
0x5c: {  	_ =	shalt  }
0x5d: {  	_ =	shalt  }
0x5e: {  	_ =	shalt  }
0x5f: {  	_ =	shalt  }
0x60: {  	_ =	shalt  }
0x61: {  	_ =	shalt  }
0x62: {  	_ =	shalt  }
0x63: {  	_ =	shalt  }
0x64: {  	_ =	shalt  }
0x65: {  	_ =	shalt  }
0x66: {  	_ =	shalt  }
0x67: {  	_ =	shalt  }
0x68: {  	_ =	shalt  }
0x69: {  	_ =	shalt  }
0x6a: {  	_ =	shalt  }
0x6b: {  	_ =	shalt  }
0x6c: {  	_ =	shalt  }
0x6d: {  	_ =	shalt  }
0x6e: {  	_ =	shalt  }
0x6f: {  	_ =	shalt  }
0x70: {  	_ =	shalt  }
0x71: {  	_ =	shalt  }
0x72: {  	_ =	shalt  }
0x73: {  	_ =	shalt  }
0x74: {  	_ =	shalt  }
0x75: {  	_ =	shalt  }
0x76: {  	_ =	shalt  }
0x77: {  	_ =	shalt  }
0x78: {  	_ =	shalt  }
0x79: {  	_ =	shalt  }
0x7a: {  	_ =	shalt  }
0x7b: {  	_ =	shalt  }
0x7c: {  	_ =	shalt  }
0x7d: {  	_ =	shalt  }
0x7e: {  	_ =	shalt  }
0x7f: {  	_ =	shalt  }
0x80: {  	_ =	shalt  }
0x81: {  	_ =	shalt  }
0x82: {  	_ =	shalt  }
0x83: {  	_ =	shalt  }
0x84: {  	_ =	shalt  }
0x85: {  	_ =	shalt  }
0x86: {  	_ =	shalt  }
0x87: {  	_ =	shalt  }
.Lfunc_end0:
.L_simem_size_0:
called_computation.1_lowered:
.L_overlay_start_0:
0x88: {  	s2 =	sld [smem:$0x3FD9]  }
0x89: {  	s3 =	sld [smem:$0x3FFE];
	_ =	sdelay $0x1  }
0x8a: {  	s1 =	srdreg.scid  }
0x8b: {  	s0 =	sand.u32 $0x1, s1  }
0x8c: {  	s16 =	sshll.u32 s0, $0xA;
	s2 =	sadd.s32 s3, s2  }
0x8d: {  	s2 =	sadd.s32 s2, s16  }
0x8e: {  	[smem:$0x3FB3] =	sst s2  }
0x8f: {  	_ = 	snop  }
0x90: {  	(tm) =	ssettm $0x1  }
0x91: {  	s17 =	sld [smem:$0x3FFB];
	_ =	sdelay $0x3  }
0x92: {  	_ =	strace s17  }
0x93: {  	s2 =	sld [smem:$0x3FFC];
	_ =	sdelay $0x3  }
0x94: {  	_ =	strace s2  }
0x95: {  	s2 =	sld [smem:$0x3FFD];
	_ =	sdelay $0x3  }
0x96: {  	_ =	strace s2  }
0x97: {  	_ =	strace $0x8FFFFFFF  }
0x98: {  	s18 =	sld [smem:$0x3FDB];
	_ =	sdelay $0x1  }
0x99: {  	s19 =	simm.s32 $_scs_section_size  }
0x9a: {  	s4 =	simm.s32 $_size__tile_overlayer_lowered;
	s5 =	simm.s32 $_tile_overlayer_lowered  }
0x9b: {  	s22 =	simm.s32 $0x1BFF;
	s21 =	sshll.u32 s5, $0x1;
	s2 =	sadd.s32 s19, s18  }
0x9c: {  	s6 =	simm.s32 $0x0;
	s20 =	sshll.u32 s4, $0x1;
	s4 =	sadd.s32 s21, s2  }
0x9d: {  	[timem:s6], [sflag:s22] =	dma.local [hbm:s4], s20  }
0x9e: {  	_ =	swait.ge [sflag:s22], s20  }
0x9f: {  	s3 =	ssub.s32 $0x0, s20;
	[sflag:s22] =	ssyncset.done $0x0  }
0xa0: {  	[sflag:s22] =	ssyncadd.s32 s3;
	_ =	sdelay $0x1  }
0xa1: {  	s23 =	simm.s32 $0x1B8B  }
0xa2: {  	_ =	swait.ge [sflag:s23], $0x1  }
0xa3: {  	[sflag:s23] =	ssyncset.done $0x0  }
0xa4: {  	s25 =	simm.s32 $0x1B8E;
	s24 =	sld [smem:$0x3FFE];
	[sflag:s23] =	ssyncadd.s32 $0xFFFFFFFF  }
0xa5: {  	s26 =	simm.s32 $execute0_lowered;
	[smem:$0x3FD2] =	sst s25  }
0xa6: {  	s4 =	sshll.u32 s26, $0x1;
	_ =	strace $0x80000049;
	[dreg:$0x1] =	wrdreg $0xFFFFFFFF  }
0xa7: {  	s28 =	simm.s32 $_size_execute0_lowered;
	s2 =	sadd.s32 s2, s4;
	[dreg:$0x0] =	wrdreg $0x0  }
0xa8: {  	s4 =	sshll.u32 s28, $0x1;
	[dreg:$0x2] =	wrdreg s2  }
0xa9: {  	[dreg:$0x3] =	wrdreg s4  }
0xaa: {  	[dreg:$0x4] =	wrdreg $0xC0  }
0xab: {  	_ =	task [dreg:s6], $0x5FFFF  }
0xac: {  	[dreg:$0x1] =	wrdreg $0xFFFFFFFF  }
0xad: {  	[dreg:$0x0] =	wrdreg $0x60  }
0xae: {  	[dreg:$0x2] =	wrdreg s24  }
0xaf: {  	[dreg:$0x3] =	wrdreg $0x9  }
0xb0: {  	_ =	task.clear_ibuf [dreg:s6], $0x4FFFF;
	_ =	strace $0x90000049  }
0xb1: {  	s29 =	simm.s32 $0x9;
	_ =	strace $0x8000004B  }
0xb2: {  	_ =	swait.ge [sflag:s29], $0x1  }
0xb3: {  	[sflag:s29] =	ssyncadd.s32 $0xFFFFFFFF  }
0xb4: {  	_ =	strace $0x9000004B  }
0xb5: {  	_ =	sfence  }
0xb6: {  	s30 =	sld [smem:$0x0];
	_ =	sdelay $0x2  }
0xb7: {  	s31 =	sshll.u32 s1, $0xD;
	s1 =	sshrl.u32 s1, $0x2  }
0xb8: {  	s3 =	sand.u32 $0x4000, s31;
	s1 =	sadd.s32 s1, s30  }
0xb9: {  	s0 =	sor.u32 s3, s0;
	s1 =	sshll.u32 s1, $0x11  }
0xba: {  	s0 =	sor.u32 s1, s0  }
0xbb: {  	s0 =	sadd.s32 $0x8F2B, s0  }
0xbc: {  	[sflag:s0] =	ssyncadd.remote.s32 $0x1  }
0xbd: {  	_ =	sfence.sel $0xFFFF  }
0xbe: {  	[dreg:$0x0] =	wrdreg $0xFFFFFFFF;
	(pc) =	sbr.abs _section_cstart, $3  }
0xbf: {  	[dreg:$0x1] =	wrdreg $0xFFFFFFFF  }
0xc0: {  	_ =	task.clear_ibuf [dreg:s6], $0x2FFFF;
	_ =	strace $0x9FFFFFFF  }
0xc1: {  	(tm) =	ssettm $0x7FFFFFFF  }
tec
execute0_lowered:
.L_overlay_start_1:
0x0: {  	(tag) =	ssettag $0x1  }
0x1: {  	s4 =	rddreg [dreg:$0x0]  }
0x2: {  	s0 =	rddreg [dreg:$0x1];
	s2 =	simm.s32 $0x0;
	s3 =	srdreg.scid  }
0x3: {  	s1 =	stileid.u32;
	s10 =	simm.s32 $0x0;
	[smem:$0x7FF] =	sst s2  }
0x4: {  	s5 =	sand.u32 $0x1, s3;
	s6 =	sshll.u32 s1, $0xD;
	s3 =	sadd.s32 $0x6C00, s4  }
0x5: {  	s8 =	sshll.u32 s1, $0x11;
	_ =	strace $0x8000004A;
	s7 =	sshll.u32 s5, $0xC  }
0x6: {  	s31 =	ssub.s32 $0x2, s5;
	s8 =	sadd.s32 s8, s4;
	s5 =	sshll.u32 s5, $0x10  }
0x7: {  	s6 =	sor.u32 s7, s6;
	s9 =	sshrl.u32 s31, $0x1;
	s5 =	sadd.s32 s5, s8  }
0x8: {  	s8 =	simm.s32 $0x80;
	s6 =	sshrl.u32 s6, $0x3;
	s7 =	ssub.s32 s31, s9  }
0x9: {  	s5 =	sadd.s32 $0x4AC00, s5;
	s9 =	simm.s32 $0x1;
	s6 =	sadd.s32 s6, s4  }
0xa: {  	s4 =	smax.u32 s7, $0x1;
	s7 =	simm.s32 $0x2;
	s6 =	sadd.s32 $0x46C00, s6  }
.LBB2_1:
0xb: {  	s11 =	sadd.s32 $0x0, s6  }
0xc: {  	[tilespmem:s2], [sflag:$0x2] =	stream.linear.gather [hbm4b:s11+s2], $0x80, $0x38;
	[tilespmem:$0x4080] =	vst v63  }
0xd: {  	_ =	swait.ge [sflag:s7], $0x80  }
0xe: {  	[sflag:s7] =	ssyncset.done $0x0  }
0xf: {  	[sflag:s7] =	ssyncadd.s32 $0xFFFFFF80  }
0x10: {  	[tilespmem:s8], [sflag:$0x1] =	stream.indirect.gather [hbm4b:s3+s8], $0x80, s2, s8, $0xb8;
	[tilespmem:$0x4080] =	vst v63  }
0x11: {  	_ =	swait.ge [sflag:s9], $0x4000  }
0x12: {  	[sflag:s9] =	ssyncset.done $0x0  }
0x13: {  	[sflag:s9] =	ssyncadd.s32 $0xFFFFC000  }
0x14: {  	[hbm4b:s5+s2] =	stream.linear.scatter [tilespmem:s8], [sflag:$0x2], $0x4000, $0x38;
	[tilespmem:$0x4080] =	vst v63  }
0x15: {  	s12 =	simm.s32 $0x10;
	_ =	swait.ge [sflag:s7], $0x4000  }
0x16: {  	s13 =	simm.s32 $0x20;
	s11 =	sadd.s32 $0x800, s5;
	[sflag:s7] =	ssyncset.done $0x0  }
.LBB2_2:
0x17: {  	s14 =	sadd.s32 s12, s6  }
0x18: {  	[sflag:s7] =	ssyncadd.s32 $0xFFFFC000;
	s12 =	smov.u32 s13;
	s15 =	sadd.s32 $0x10, s13  }
0x19: {  	[tilespmem:s2], [sflag:$0x2] =	stream.linear.gather [hbm4b:s14+s2], $0x80, $0x38;
	[tilespmem:$0x4080] =	vst v63  }
0x1a: {  	p0 =	sne.s32 s13, $0x1F0;
	_ =	swait.ge [sflag:s7], $0x80  }
0x1b: {  	[sflag:s7] =	ssyncset.done $0x0  }
0x1c: {  	[sflag:s7] =	ssyncadd.s32 $0xFFFFFF80  }
0x1d: {  	[tilespmem:s8], [sflag:$0x1] =	stream.indirect.gather [hbm4b:s3+s8], $0x80, s2, s8, $0xb8;
	[tilespmem:$0x4080] =	vst v63  }
0x1e: {  	_ =	swait.ge [sflag:s9], $0x4000  }
.Ltmp0:
0x1f: {  	[sflag:s9] =	ssyncset.done $0x0;
	(pc) =	sbr.rel @p0 .LBB2_2-.Ltmp0, $4  }
0x20: {  	[sflag:s9] =	ssyncadd.s32 $0xFFFFC000  }
0x21: {  	[hbm4b:s11+s2] =	stream.linear.scatter [tilespmem:s8], [sflag:$0x2], $0x4000, $0x38;
	[tilespmem:$0x4080] =	vst v63  }
0x22: {  	_ =	swait.ge [sflag:s7], $0x4000  }
0x23: {  	s13 =	smov.u32 s15;
	s11 =	sadd.s32 $0x800, s11;
	[sflag:s7] =	ssyncset.done $0x0  }
0x24: {  	s12 =	sadd.s32 s12, s6;
	[sflag:s7] =	ssyncadd.s32 $0xFFFFC000  }
0x25: {  	[tilespmem:s2], [sflag:$0x2] =	stream.linear.gather [hbm4b:s12+s2], $0x80, $0x38;
	[tilespmem:$0x4080] =	vst v63  }
0x26: {  	_ =	swait.ge [sflag:s7], $0x80  }
0x27: {  	[sflag:s7] =	ssyncset.done $0x0  }
0x28: {  	[sflag:s7] =	ssyncadd.s32 $0xFFFFFF80  }
0x29: {  	[tilespmem:s8], [sflag:$0x1] =	stream.indirect.gather [hbm4b:s3+s8], $0x80, s2, s8, $0xb8;
	[tilespmem:$0x4080] =	vst v63  }
0x2a: {  	s10 =	sadd.s32 $0x1, s10;
	_ =	swait.ge [sflag:s9], $0x4000  }
0x2b: {  	p0 =	sne.s32 s10, s4;
	[sflag:s9] =	ssyncset.done $0x0  }
.Ltmp1:
0x2c: {  	[sflag:s9] =	ssyncadd.s32 $0xFFFFC000;
	(pc) =	sbr.rel @p0 .LBB2_1-.Ltmp1, $4  }
0x2d: {  	[hbm4b:s11+s2] =	stream.linear.scatter [tilespmem:s8], [sflag:$0x2], $0x4000, $0x38;
	[tilespmem:$0x4080] =	vst v63  }
0x2e: {  	_ =	swait.ge [sflag:s7], $0x4000  }
0x2f: {  	[sflag:s7] =	ssyncset.done $0x0  }
0x30: {  	[sflag:s7] =	ssyncadd.s32 $0xFFFFC000  }
0x31: {  	_ =	sfence.sel $0x180000  }
0x32: {  	[bflag:$0x0] =	sbarrier.arrive $0xFFFF  }
0x33: {  	p0 =	sne.s32 s1, $0x0;
	_ =	strace $0x9000004A  }
0x34: {  	s0 =	sadd.s32 @!p0 $0x100000, s0;
	[bflag:$0x2] =	sbarrier.arrive $0xFFFF  }
0x35: {  	[sflag:s0] =	ssyncadd.tile.s32 @!p0 $0x1;
	_ =	shalt  }
.Lfunc_end2:
_tile_overlayer_lowered:
.L_overlay_start_2:
0x36: {  	(tag) =	ssettag $0x2  }
0x37: {  	s0 =	rddreg [dreg:$0x0];
	s2 =	stileid.u32  }
0x38: {  	s1 =	rddreg [dreg:$0x1];
	p0 =	sne.s32 s2, $0x0  }
0x39: {  	s3 =	rddreg [dreg:$0x2];
	[bflag:$0x3] =	sbarrier.arrive $0xFFFF;
	s2 =	simm.s32 @!p0 $0x1C02  }
0x3a: {  	[timem:s3], [sflag:s2] =	dma.local @!p0 [hbm:s0], s1  }
0x3b: {  	s0 =	simm.s32 @!p0 $0x2  }
0x3c: {  	_ =	swait.ge @!p0 [sflag:s0], s1  }
0x3d: {  	s1 =	ssub.s32 @!p0 $0x0, s1;
	[sflag:s0] =	ssyncset.done @!p0 $0x0  }
0x3e: {  	[sflag:s0] =	ssyncadd.s32 @!p0 s1  }
0x3f: {  	[bflag:$0x3] =	sbarrier.arrive $0xFFFF  }
0x40: {  	_ =	shalt  }

// kernel: kernel.26.cloned.1.call-start
scs
__scs_entry_jumppad:
0x0: {  	(pc) =	sbr.rel $0x88, $3  }
0x1: {  	(tag) =	ssettag $0x0;
	lr =	simm.s32 $0x1  }
0x2: {  	[smem:$0x3F8C] =	sst lr;
	_ =	strace $0xD0000000  }
0x3: {  	_ = 	snop  }
0x4: {  	_ = 	snop  }
0x5: {  	_ = 	snop  }
0x6: {  	_ = 	snop  }
0x7: {  	_ = 	snop  }
__scs_overlays_trampoline_lowered:
0x8: {  	[smem:$0x3F9B] =	sst s0  }
0x9: {  	[smem:$0x3F9C] =	sst s1  }
0xa: {  	[smem:$0x3F9D] =	sst s2  }
0xb: {  	[smem:$0x3F9E] =	sst s3  }
0xc: {  	[smem:$0x3F9F] =	sst s4  }
0xd: {  	[smem:$0x3FA0] =	sst s5  }
0xe: {  	[smem:$0x3FA1] =	sst s6  }
0xf: {  	[smem:$0x3FA2] =	sst s7  }
0x10: {  	[smem:$0x3FA3] =	sst s8  }
0x11: {  	[smem:$0x3FA4] =	sst s9;
	s0 =	simm.s32 @!p0 $0x0  }
0x12: {  	s1 =	sld [smem:$0x3F8A];
	s0 =	simm.s32 @p0 $0x1  }
0x13: {  	[smem:$0x3FA5] =	sst s0;
	s0 =	simm.s32 @!p1 $0x0  }
0x14: {  	s2 =	sld [smem:$0x3F89];
	s0 =	simm.s32 @p1 $0x1  }
0x15: {  	[smem:$0x3FA6] =	sst s0;
	s0 =	simm.s32 @!p2 $0x0  }
0x16: {  	s3 =	sld [smem:$0x3FDB];
	s0 =	simm.s32 @p2 $0x1  }
0x17: {  	s4 =	simm.s32 $0x1BF5;
	[smem:$0x3FA8] =	sst s0  }
0x18: {  	s0 =	sld [smem:$0x3F8B];
	_ =	swait.ge [sflag:s4], $0x0  }
0x19: {  	s7 =	sld [smem:$0x3F8C]  }
0x1a: {  	s8 =	sadd.s32 $0xFFFFE003, lr  }
0x1b: {  	s9 =	sadd.s32 $0xFFFFFEF7, lr;
	s5 =	simm.s32 $0xFFFFFFFF;
	p2 =	slt.u32 s8, $0xFFFFF086  }
0x1c: {  	p1 =	slt.u32 s9, $0xF7A;
	s5 =	simm.s32 @!p2 $0x0  }
0x1d: {  	s5 =	simm.s32 @p1 $0x1;
	p0 =	seq.s32 s7, s2  }
0x1e: {  	s7 =	smul.u32 @!p0 $0xF7A, s2;
	p2 =	seq.s32 @!p0 s5, $0x0  }
0x1f: {  	s9 =	smul.u32 $0xF7A, s1;
	s8 =	simm.s32 @!p0 $0x1BF5;
	p2 =	por !p2, p0  }
0x20: {  	[sflag:s8] =	ssyncset.s32 @!p0 $0xFFFFF086;
	s6 =	sadd.s32 @!p0 s3, s7;
	s7 =	simm.s32 @!p0 $0x108  }
0x21: {  	s3 =	sadd.s32 s3, s9;
	s6 =	sadd.s32 @!p0 $0x88, s6;
	s7 =	simm.s32 @p2 $0x1082  }
0x22: {  	[simem:s7], [sflag:s8] =	dma.local @!p0 [hbm:s6], $0xF7A  }
0x23: {  	s9 =	sor.u32 $0xD0000000, s2;
	s6 =	simm.s32 $0x108;
	_ =	swait.ge @!p0 [sflag:s8], $0x0  }
0x24: {  	s3 =	sadd.s32 $0x88, s3;
	s6 =	simm.s32 @!p1 $0x1082;
	[sflag:s4] =	ssyncset.s32 $0xFFFFF086  }
0x25: {  	[simem:s6], [sflag:s4] =	dma.local [hbm:s3], $0xF7A  }
0x26: {  	[smem:$0x3F8C] =	sst s1;
	(tag) =	ssettag s2;
	_ =	strace s9  }
0x27: {  	s1 =	sld [smem:$0x3F9C]  }
0x28: {  	s2 =	sld [smem:$0x3F9D]  }
0x29: {  	s4 =	sld [smem:$0x3F9F]  }
0x2a: {  	p0 =	seq.s32 s5, $0x0;
	s5 =	sld [smem:$0x3FA0]  }
0x2b: {  	s6 =	sld [smem:$0x3FA1]  }
0x2c: {  	s7 =	sld [smem:$0x3FA2]  }
0x2d: {  	s3 =	simm.s32 $0x108;
	s8 =	sld [smem:$0x3FA3]  }
0x2e: {  	s3 =	simm.s32 @!p0 $0x1082;
	s9 =	sld [smem:$0x3FA4]  }
0x2f: {  	lr =	sadd.s32 s0, s3;
	s0 =	sld [smem:$0x3F9B]  }
0x30: {  	s3 =	sld [smem:$0x3F9E]  }
0x31: {  	[smem:$0x3FA7] =	sst s10  }
0x32: {  	s10 =	sld [smem:$0x3FA5];
	_ =	sdelay $0x3  }
0x33: {  	p0 =	seq.s32 s10, $0x1;
	s10 =	sld [smem:$0x3FA7];
	_ =	sdelay $0x3  }
0x34: {  	[smem:$0x3FA7] =	sst s10  }
0x35: {  	s10 =	sld [smem:$0x3FA6];
	_ =	sdelay $0x3  }
0x36: {  	p1 =	seq.s32 s10, $0x1;
	s10 =	sld [smem:$0x3FA7];
	_ =	sdelay $0x3  }
0x37: {  	[smem:$0x3FA7] =	sst s10  }
0x38: {  	s10 =	sld [smem:$0x3FA8]  }
0x39: {  	_ = 	snop;
	(pc) =	sbr.ind lr, $3  }
0x3a: {  	_ = 	snop  }
0x3b: {  	_ = 	snop  }
0x3c: {  	p2 =	seq.s32 s10, $0x1;
	s10 =	sld [smem:$0x3FA7]  }
0x3d: {  	_ =	shalt  }
0x3e: {  	_ =	shalt  }
0x3f: {  	_ =	shalt  }
0x40: {  	_ =	shalt  }
0x41: {  	_ =	shalt  }
0x42: {  	_ =	shalt  }
0x43: {  	_ =	shalt  }
0x44: {  	_ =	shalt  }
0x45: {  	_ =	shalt  }
0x46: {  	_ =	shalt  }
0x47: {  	_ =	shalt  }
0x48: {  	_ =	shalt  }
0x49: {  	_ =	shalt  }
0x4a: {  	_ =	shalt  }
0x4b: {  	_ =	shalt  }
0x4c: {  	_ =	shalt  }
0x4d: {  	_ =	shalt  }
0x4e: {  	_ =	shalt  }
0x4f: {  	_ =	shalt  }
0x50: {  	_ =	shalt  }
0x51: {  	_ =	shalt  }
0x52: {  	_ =	shalt  }
0x53: {  	_ =	shalt  }
0x54: {  	_ =	shalt  }
0x55: {  	_ =	shalt  }
0x56: {  	_ =	shalt  }
0x57: {  	_ =	shalt  }
0x58: {  	_ =	shalt  }
0x59: {  	_ =	shalt  }
0x5a: {  	_ =	shalt  }
0x5b: {  	_ =	shalt  }
0x5c: {  	_ =	shalt  }
0x5d: {  	_ =	shalt  }
0x5e: {  	_ =	shalt  }
0x5f: {  	_ =	shalt  }
0x60: {  	_ =	shalt  }
0x61: {  	_ =	shalt  }
0x62: {  	_ =	shalt  }
0x63: {  	_ =	shalt  }
0x64: {  	_ =	shalt  }
0x65: {  	_ =	shalt  }
0x66: {  	_ =	shalt  }
0x67: {  	_ =	shalt  }
0x68: {  	_ =	shalt  }
0x69: {  	_ =	shalt  }
0x6a: {  	_ =	shalt  }
0x6b: {  	_ =	shalt  }
0x6c: {  	_ =	shalt  }
0x6d: {  	_ =	shalt  }
0x6e: {  	_ =	shalt  }
0x6f: {  	_ =	shalt  }
0x70: {  	_ =	shalt  }
0x71: {  	_ =	shalt  }
0x72: {  	_ =	shalt  }
0x73: {  	_ =	shalt  }
0x74: {  	_ =	shalt  }
0x75: {  	_ =	shalt  }
0x76: {  	_ =	shalt  }
0x77: {  	_ =	shalt  }
0x78: {  	_ =	shalt  }
0x79: {  	_ =	shalt  }
0x7a: {  	_ =	shalt  }
0x7b: {  	_ =	shalt  }
0x7c: {  	_ =	shalt  }
0x7d: {  	_ =	shalt  }
0x7e: {  	_ =	shalt  }
0x7f: {  	_ =	shalt  }
0x80: {  	_ =	shalt  }
0x81: {  	_ =	shalt  }
0x82: {  	_ =	shalt  }
0x83: {  	_ =	shalt  }
0x84: {  	_ =	shalt  }
0x85: {  	_ =	shalt  }
0x86: {  	_ =	shalt  }
0x87: {  	_ =	shalt  }
.Lfunc_end0:
.L_simem_size_0:
called_computation.2_lowered:
.L_overlay_start_0:
0x88: {  	s2 =	sld [smem:$0x3FD9]  }
0x89: {  	s3 =	sld [smem:$0x3FFE];
	_ =	sdelay $0x1  }
0x8a: {  	s1 =	srdreg.scid  }
0x8b: {  	s0 =	sand.u32 $0x1, s1  }
0x8c: {  	s16 =	sshll.u32 s0, $0xA;
	s2 =	sadd.s32 s3, s2  }
0x8d: {  	s2 =	sadd.s32 s2, s16  }
0x8e: {  	[smem:$0x3FB3] =	sst s2  }
0x8f: {  	_ = 	snop  }
0x90: {  	(tm) =	ssettm $0x1  }
0x91: {  	s17 =	sld [smem:$0x3FFB];
	_ =	sdelay $0x3  }
0x92: {  	_ =	strace s17  }
0x93: {  	s2 =	sld [smem:$0x3FFC];
	_ =	sdelay $0x3  }
0x94: {  	_ =	strace s2  }
0x95: {  	s2 =	sld [smem:$0x3FFD];
	_ =	sdelay $0x3  }
0x96: {  	_ =	strace s2  }
0x97: {  	_ =	strace $0x8FFFFFFF  }
0x98: {  	s18 =	sld [smem:$0x3FDB];
	_ =	sdelay $0x1  }
0x99: {  	s19 =	simm.s32 $_scs_section_size  }
0x9a: {  	s4 =	simm.s32 $_size__tile_overlayer_lowered;
	s5 =	simm.s32 $_tile_overlayer_lowered  }
0x9b: {  	s22 =	simm.s32 $0x1BFF;
	s21 =	sshll.u32 s5, $0x1;
	s2 =	sadd.s32 s19, s18  }
0x9c: {  	s6 =	simm.s32 $0x0;
	s20 =	sshll.u32 s4, $0x1;
	s4 =	sadd.s32 s21, s2  }
0x9d: {  	[timem:s6], [sflag:s22] =	dma.local [hbm:s4], s20  }
0x9e: {  	_ =	swait.ge [sflag:s22], s20  }
0x9f: {  	s3 =	ssub.s32 $0x0, s20;
	[sflag:s22] =	ssyncset.done $0x0  }
0xa0: {  	[sflag:s22] =	ssyncadd.s32 s3;
	_ =	sdelay $0x1  }
0xa1: {  	s23 =	simm.s32 $0x1B8B  }
0xa2: {  	_ =	swait.ge [sflag:s23], $0x1  }
0xa3: {  	[sflag:s23] =	ssyncset.done $0x0  }
0xa4: {  	s25 =	simm.s32 $0x1B8E;
	s24 =	sld [smem:$0x3FFE];
	[sflag:s23] =	ssyncadd.s32 $0xFFFFFFFF  }
0xa5: {  	s26 =	simm.s32 $execute0_lowered;
	[smem:$0x3FD2] =	sst s25  }
0xa6: {  	s4 =	sshll.u32 s26, $0x1;
	_ =	strace $0x8000004C;
	[dreg:$0x1] =	wrdreg $0xFFFFFFFF  }
0xa7: {  	s28 =	simm.s32 $_size_execute0_lowered;
	s2 =	sadd.s32 s2, s4;
	[dreg:$0x0] =	wrdreg $0x0  }
0xa8: {  	s4 =	sshll.u32 s28, $0x1;
	[dreg:$0x2] =	wrdreg s2  }
0xa9: {  	[dreg:$0x3] =	wrdreg s4  }
0xaa: {  	[dreg:$0x4] =	wrdreg $0xC0  }
0xab: {  	_ =	task [dreg:s6], $0x5FFFF  }
0xac: {  	[dreg:$0x1] =	wrdreg $0xFFFFFFFF  }
0xad: {  	[dreg:$0x0] =	wrdreg $0x60  }
0xae: {  	[dreg:$0x2] =	wrdreg s24  }
0xaf: {  	[dreg:$0x3] =	wrdreg $0x9  }
0xb0: {  	_ =	task.clear_ibuf [dreg:s6], $0x4FFFF;
	_ =	strace $0x9000004C  }
0xb1: {  	s29 =	simm.s32 $0x9;
	_ =	strace $0x8000004E  }
0xb2: {  	_ =	swait.ge [sflag:s29], $0x1  }
0xb3: {  	[sflag:s29] =	ssyncadd.s32 $0xFFFFFFFF  }
0xb4: {  	_ =	strace $0x9000004E  }
0xb5: {  	_ =	sfence  }
0xb6: {  	s30 =	sld [smem:$0x0];
	_ =	sdelay $0x2  }
0xb7: {  	s31 =	sshll.u32 s1, $0xD;
	s1 =	sshrl.u32 s1, $0x2  }
0xb8: {  	s3 =	sand.u32 $0x4000, s31;
	s1 =	sadd.s32 s1, s30  }
0xb9: {  	s0 =	sor.u32 s3, s0;
	s1 =	sshll.u32 s1, $0x11  }
0xba: {  	s0 =	sor.u32 s1, s0  }
0xbb: {  	s0 =	sadd.s32 $0x8F2B, s0  }
0xbc: {  	[sflag:s0] =	ssyncadd.remote.s32 $0x1  }
0xbd: {  	_ =	sfence.sel $0xFFFF  }
0xbe: {  	[dreg:$0x0] =	wrdreg $0xFFFFFFFF;
	(pc) =	sbr.abs _section_cstart, $3  }
0xbf: {  	[dreg:$0x1] =	wrdreg $0xFFFFFFFF  }
0xc0: {  	_ =	task.clear_ibuf [dreg:s6], $0x2FFFF;
	_ =	strace $0x9FFFFFFF  }
0xc1: {  	(tm) =	ssettm $0x7FFFFFFF  }
tec
execute0_lowered:
.L_overlay_start_1:
0x0: {  	(tag) =	ssettag $0x1  }
0x1: {  	s4 =	rddreg [dreg:$0x0]  }
0x2: {  	s0 =	rddreg [dreg:$0x1];
	s2 =	simm.s32 $0x0;
	s3 =	srdreg.scid  }
0x3: {  	s1 =	stileid.u32;
	s10 =	simm.s32 $0x0;
	[smem:$0x7FF] =	sst s2  }
0x4: {  	s5 =	sand.u32 $0x1, s3;
	s6 =	sshll.u32 s1, $0xD;
	s3 =	sadd.s32 $0x6C00, s4  }
0x5: {  	s8 =	sshll.u32 s1, $0x11;
	_ =	strace $0x8000004D;
	s7 =	sshll.u32 s5, $0xC  }
0x6: {  	s31 =	ssub.s32 $0x2, s5;
	s8 =	sadd.s32 s8, s4;
	s5 =	sshll.u32 s5, $0x10  }
0x7: {  	s6 =	sor.u32 s7, s6;
	s9 =	sshrl.u32 s31, $0x1;
	s5 =	sadd.s32 s5, s8  }
0x8: {  	s8 =	simm.s32 $0x80;
	s6 =	sshrl.u32 s6, $0x3;
	s7 =	ssub.s32 s31, s9  }
0x9: {  	s5 =	sadd.s32 $0x4AC00, s5;
	s9 =	simm.s32 $0x1;
	s6 =	sadd.s32 s6, s4  }
0xa: {  	s4 =	smax.u32 s7, $0x1;
	s7 =	simm.s32 $0x2;
	s6 =	sadd.s32 $0x46C00, s6  }
.LBB2_1:
0xb: {  	s11 =	sadd.s32 $0x0, s6  }
0xc: {  	[tilespmem:s2], [sflag:$0x2] =	stream.linear.gather [hbm4b:s11+s2], $0x80, $0x38;
	[tilespmem:$0x4080] =	vst v63  }
0xd: {  	_ =	swait.ge [sflag:s7], $0x80  }
0xe: {  	[sflag:s7] =	ssyncset.done $0x0  }
0xf: {  	[sflag:s7] =	ssyncadd.s32 $0xFFFFFF80  }
0x10: {  	[tilespmem:s8], [sflag:$0x1] =	stream.indirect.gather [hbm4b:s3+s8], $0x80, s2, s8, $0xb8;
	[tilespmem:$0x4080] =	vst v63  }
0x11: {  	_ =	swait.ge [sflag:s9], $0x4000  }
0x12: {  	[sflag:s9] =	ssyncset.done $0x0  }
0x13: {  	[sflag:s9] =	ssyncadd.s32 $0xFFFFC000  }
0x14: {  	[hbm4b:s5+s2] =	stream.linear.scatter [tilespmem:s8], [sflag:$0x2], $0x4000, $0x38;
	[tilespmem:$0x4080] =	vst v63  }
0x15: {  	s12 =	simm.s32 $0x10;
	_ =	swait.ge [sflag:s7], $0x4000  }
0x16: {  	s13 =	simm.s32 $0x20;
	s11 =	sadd.s32 $0x800, s5;
	[sflag:s7] =	ssyncset.done $0x0  }
.LBB2_2:
0x17: {  	s14 =	sadd.s32 s12, s6  }
0x18: {  	[sflag:s7] =	ssyncadd.s32 $0xFFFFC000;
	s12 =	smov.u32 s13;
	s15 =	sadd.s32 $0x10, s13  }
0x19: {  	[tilespmem:s2], [sflag:$0x2] =	stream.linear.gather [hbm4b:s14+s2], $0x80, $0x38;
	[tilespmem:$0x4080] =	vst v63  }
0x1a: {  	p0 =	sne.s32 s13, $0x1F0;
	_ =	swait.ge [sflag:s7], $0x80  }
0x1b: {  	[sflag:s7] =	ssyncset.done $0x0  }
0x1c: {  	[sflag:s7] =	ssyncadd.s32 $0xFFFFFF80  }
0x1d: {  	[tilespmem:s8], [sflag:$0x1] =	stream.indirect.gather [hbm4b:s3+s8], $0x80, s2, s8, $0xb8;
	[tilespmem:$0x4080] =	vst v63  }
0x1e: {  	_ =	swait.ge [sflag:s9], $0x4000  }
.Ltmp0:
0x1f: {  	[sflag:s9] =	ssyncset.done $0x0;
	(pc) =	sbr.rel @p0 .LBB2_2-.Ltmp0, $4  }
0x20: {  	[sflag:s9] =	ssyncadd.s32 $0xFFFFC000  }
0x21: {  	[hbm4b:s11+s2] =	stream.linear.scatter [tilespmem:s8], [sflag:$0x2], $0x4000, $0x38;
	[tilespmem:$0x4080] =	vst v63  }
0x22: {  	_ =	swait.ge [sflag:s7], $0x4000  }
0x23: {  	s13 =	smov.u32 s15;
	s11 =	sadd.s32 $0x800, s11;
	[sflag:s7] =	ssyncset.done $0x0  }
0x24: {  	s12 =	sadd.s32 s12, s6;
	[sflag:s7] =	ssyncadd.s32 $0xFFFFC000  }
0x25: {  	[tilespmem:s2], [sflag:$0x2] =	stream.linear.gather [hbm4b:s12+s2], $0x80, $0x38;
	[tilespmem:$0x4080] =	vst v63  }
0x26: {  	_ =	swait.ge [sflag:s7], $0x80  }
0x27: {  	[sflag:s7] =	ssyncset.done $0x0  }
0x28: {  	[sflag:s7] =	ssyncadd.s32 $0xFFFFFF80  }
0x29: {  	[tilespmem:s8], [sflag:$0x1] =	stream.indirect.gather [hbm4b:s3+s8], $0x80, s2, s8, $0xb8;
	[tilespmem:$0x4080] =	vst v63  }
0x2a: {  	s10 =	sadd.s32 $0x1, s10;
	_ =	swait.ge [sflag:s9], $0x4000  }
0x2b: {  	p0 =	sne.s32 s10, s4;
	[sflag:s9] =	ssyncset.done $0x0  }
.Ltmp1:
0x2c: {  	[sflag:s9] =	ssyncadd.s32 $0xFFFFC000;
	(pc) =	sbr.rel @p0 .LBB2_1-.Ltmp1, $4  }
0x2d: {  	[hbm4b:s11+s2] =	stream.linear.scatter [tilespmem:s8], [sflag:$0x2], $0x4000, $0x38;
	[tilespmem:$0x4080] =	vst v63  }
0x2e: {  	_ =	swait.ge [sflag:s7], $0x4000  }
0x2f: {  	[sflag:s7] =	ssyncset.done $0x0  }
0x30: {  	[sflag:s7] =	ssyncadd.s32 $0xFFFFC000  }
0x31: {  	_ =	sfence.sel $0x180000  }
0x32: {  	[bflag:$0x0] =	sbarrier.arrive $0xFFFF  }
0x33: {  	p0 =	sne.s32 s1, $0x0;
	_ =	strace $0x9000004D  }
0x34: {  	s0 =	sadd.s32 @!p0 $0x100000, s0;
	[bflag:$0x2] =	sbarrier.arrive $0xFFFF  }
0x35: {  	[sflag:s0] =	ssyncadd.tile.s32 @!p0 $0x1;
	_ =	shalt  }
.Lfunc_end2:
_tile_overlayer_lowered:
.L_overlay_start_2:
0x36: {  	(tag) =	ssettag $0x2  }
0x37: {  	s0 =	rddreg [dreg:$0x0];
	s2 =	stileid.u32  }
0x38: {  	s1 =	rddreg [dreg:$0x1];
	p0 =	sne.s32 s2, $0x0  }
0x39: {  	s3 =	rddreg [dreg:$0x2];
	[bflag:$0x3] =	sbarrier.arrive $0xFFFF;
	s2 =	simm.s32 @!p0 $0x1C02  }
0x3a: {  	[timem:s3], [sflag:s2] =	dma.local @!p0 [hbm:s0], s1  }
0x3b: {  	s0 =	simm.s32 @!p0 $0x2  }
0x3c: {  	_ =	swait.ge @!p0 [sflag:s0], s1  }
0x3d: {  	s1 =	ssub.s32 @!p0 $0x0, s1;
	[sflag:s0] =	ssyncset.done @!p0 $0x0  }
0x3e: {  	[sflag:s0] =	ssyncadd.s32 @!p0 s1  }
0x3f: {  	[bflag:$0x3] =	sbarrier.arrive $0xFFFF  }
0x40: {  	_ =	shalt  }

// kernel: kernel.29.cloned.1.call-start
scs
__scs_entry_jumppad:
0x0: {  	(pc) =	sbr.rel $0x88, $3  }
0x1: {  	(tag) =	ssettag $0x0;
	lr =	simm.s32 $0x1  }
0x2: {  	[smem:$0x3F8C] =	sst lr;
	_ =	strace $0xD0000000  }
0x3: {  	_ = 	snop  }
0x4: {  	_ = 	snop  }
0x5: {  	_ = 	snop  }
0x6: {  	_ = 	snop  }
0x7: {  	_ = 	snop  }
__scs_overlays_trampoline_lowered:
0x8: {  	[smem:$0x3F9B] =	sst s0  }
0x9: {  	[smem:$0x3F9C] =	sst s1  }
0xa: {  	[smem:$0x3F9D] =	sst s2  }
0xb: {  	[smem:$0x3F9E] =	sst s3  }
0xc: {  	[smem:$0x3F9F] =	sst s4  }
0xd: {  	[smem:$0x3FA0] =	sst s5  }
0xe: {  	[smem:$0x3FA1] =	sst s6  }
0xf: {  	[smem:$0x3FA2] =	sst s7  }
0x10: {  	[smem:$0x3FA3] =	sst s8  }
0x11: {  	[smem:$0x3FA4] =	sst s9;
	s0 =	simm.s32 @!p0 $0x0  }
0x12: {  	s1 =	sld [smem:$0x3F8A];
	s0 =	simm.s32 @p0 $0x1  }
0x13: {  	[smem:$0x3FA5] =	sst s0;
	s0 =	simm.s32 @!p1 $0x0  }
0x14: {  	s2 =	sld [smem:$0x3F89];
	s0 =	simm.s32 @p1 $0x1  }
0x15: {  	[smem:$0x3FA6] =	sst s0;
	s0 =	simm.s32 @!p2 $0x0  }
0x16: {  	s3 =	sld [smem:$0x3FDB];
	s0 =	simm.s32 @p2 $0x1  }
0x17: {  	s4 =	simm.s32 $0x1BF5;
	[smem:$0x3FA8] =	sst s0  }
0x18: {  	s0 =	sld [smem:$0x3F8B];
	_ =	swait.ge [sflag:s4], $0x0  }
0x19: {  	s7 =	sld [smem:$0x3F8C]  }
0x1a: {  	s8 =	sadd.s32 $0xFFFFE003, lr  }
0x1b: {  	s9 =	sadd.s32 $0xFFFFFEF7, lr;
	s5 =	simm.s32 $0xFFFFFFFF;
	p2 =	slt.u32 s8, $0xFFFFF086  }
0x1c: {  	p1 =	slt.u32 s9, $0xF7A;
	s5 =	simm.s32 @!p2 $0x0  }
0x1d: {  	s5 =	simm.s32 @p1 $0x1;
	p0 =	seq.s32 s7, s2  }
0x1e: {  	s7 =	smul.u32 @!p0 $0xF7A, s2;
	p2 =	seq.s32 @!p0 s5, $0x0  }
0x1f: {  	s9 =	smul.u32 $0xF7A, s1;
	s8 =	simm.s32 @!p0 $0x1BF5;
	p2 =	por !p2, p0  }
0x20: {  	[sflag:s8] =	ssyncset.s32 @!p0 $0xFFFFF086;
	s6 =	sadd.s32 @!p0 s3, s7;
	s7 =	simm.s32 @!p0 $0x108  }
0x21: {  	s3 =	sadd.s32 s3, s9;
	s6 =	sadd.s32 @!p0 $0x88, s6;
	s7 =	simm.s32 @p2 $0x1082  }
0x22: {  	[simem:s7], [sflag:s8] =	dma.local @!p0 [hbm:s6], $0xF7A  }
0x23: {  	s9 =	sor.u32 $0xD0000000, s2;
	s6 =	simm.s32 $0x108;
	_ =	swait.ge @!p0 [sflag:s8], $0x0  }
0x24: {  	s3 =	sadd.s32 $0x88, s3;
	s6 =	simm.s32 @!p1 $0x1082;
	[sflag:s4] =	ssyncset.s32 $0xFFFFF086  }
0x25: {  	[simem:s6], [sflag:s4] =	dma.local [hbm:s3], $0xF7A  }
0x26: {  	[smem:$0x3F8C] =	sst s1;
	(tag) =	ssettag s2;
	_ =	strace s9  }
0x27: {  	s1 =	sld [smem:$0x3F9C]  }
0x28: {  	s2 =	sld [smem:$0x3F9D]  }
0x29: {  	s4 =	sld [smem:$0x3F9F]  }
0x2a: {  	p0 =	seq.s32 s5, $0x0;
	s5 =	sld [smem:$0x3FA0]  }
0x2b: {  	s6 =	sld [smem:$0x3FA1]  }
0x2c: {  	s7 =	sld [smem:$0x3FA2]  }
0x2d: {  	s3 =	simm.s32 $0x108;
	s8 =	sld [smem:$0x3FA3]  }
0x2e: {  	s3 =	simm.s32 @!p0 $0x1082;
	s9 =	sld [smem:$0x3FA4]  }
0x2f: {  	lr =	sadd.s32 s0, s3;
	s0 =	sld [smem:$0x3F9B]  }
0x30: {  	s3 =	sld [smem:$0x3F9E]  }
0x31: {  	[smem:$0x3FA7] =	sst s10  }
0x32: {  	s10 =	sld [smem:$0x3FA5];
	_ =	sdelay $0x3  }
0x33: {  	p0 =	seq.s32 s10, $0x1;
	s10 =	sld [smem:$0x3FA7];
	_ =	sdelay $0x3  }
0x34: {  	[smem:$0x3FA7] =	sst s10  }
0x35: {  	s10 =	sld [smem:$0x3FA6];
	_ =	sdelay $0x3  }
0x36: {  	p1 =	seq.s32 s10, $0x1;
	s10 =	sld [smem:$0x3FA7];
	_ =	sdelay $0x3  }
0x37: {  	[smem:$0x3FA7] =	sst s10  }
0x38: {  	s10 =	sld [smem:$0x3FA8]  }
0x39: {  	_ = 	snop;
	(pc) =	sbr.ind lr, $3  }
0x3a: {  	_ = 	snop  }
0x3b: {  	_ = 	snop  }
0x3c: {  	p2 =	seq.s32 s10, $0x1;
	s10 =	sld [smem:$0x3FA7]  }
0x3d: {  	_ =	shalt  }
0x3e: {  	_ =	shalt  }
0x3f: {  	_ =	shalt  }
0x40: {  	_ =	shalt  }
0x41: {  	_ =	shalt  }
0x42: {  	_ =	shalt  }
0x43: {  	_ =	shalt  }
0x44: {  	_ =	shalt  }
0x45: {  	_ =	shalt  }
0x46: {  	_ =	shalt  }
0x47: {  	_ =	shalt  }
0x48: {  	_ =	shalt  }
0x49: {  	_ =	shalt  }
0x4a: {  	_ =	shalt  }
0x4b: {  	_ =	shalt  }
0x4c: {  	_ =	shalt  }
0x4d: {  	_ =	shalt  }
0x4e: {  	_ =	shalt  }
0x4f: {  	_ =	shalt  }
0x50: {  	_ =	shalt  }
0x51: {  	_ =	shalt  }
0x52: {  	_ =	shalt  }
0x53: {  	_ =	shalt  }
0x54: {  	_ =	shalt  }
0x55: {  	_ =	shalt  }
0x56: {  	_ =	shalt  }
0x57: {  	_ =	shalt  }
0x58: {  	_ =	shalt  }
0x59: {  	_ =	shalt  }
0x5a: {  	_ =	shalt  }
0x5b: {  	_ =	shalt  }
0x5c: {  	_ =	shalt  }
0x5d: {  	_ =	shalt  }
0x5e: {  	_ =	shalt  }
0x5f: {  	_ =	shalt  }
0x60: {  	_ =	shalt  }
0x61: {  	_ =	shalt  }
0x62: {  	_ =	shalt  }
0x63: {  	_ =	shalt  }
0x64: {  	_ =	shalt  }
0x65: {  	_ =	shalt  }
0x66: {  	_ =	shalt  }
0x67: {  	_ =	shalt  }
0x68: {  	_ =	shalt  }
0x69: {  	_ =	shalt  }
0x6a: {  	_ =	shalt  }
0x6b: {  	_ =	shalt  }
0x6c: {  	_ =	shalt  }
0x6d: {  	_ =	shalt  }
0x6e: {  	_ =	shalt  }
0x6f: {  	_ =	shalt  }
0x70: {  	_ =	shalt  }
0x71: {  	_ =	shalt  }
0x72: {  	_ =	shalt  }
0x73: {  	_ =	shalt  }
0x74: {  	_ =	shalt  }
0x75: {  	_ =	shalt  }
0x76: {  	_ =	shalt  }
0x77: {  	_ =	shalt  }
0x78: {  	_ =	shalt  }
0x79: {  	_ =	shalt  }
0x7a: {  	_ =	shalt  }
0x7b: {  	_ =	shalt  }
0x7c: {  	_ =	shalt  }
0x7d: {  	_ =	shalt  }
0x7e: {  	_ =	shalt  }
0x7f: {  	_ =	shalt  }
0x80: {  	_ =	shalt  }
0x81: {  	_ =	shalt  }
0x82: {  	_ =	shalt  }
0x83: {  	_ =	shalt  }
0x84: {  	_ =	shalt  }
0x85: {  	_ =	shalt  }
0x86: {  	_ =	shalt  }
0x87: {  	_ =	shalt  }
.Lfunc_end0:
.L_simem_size_0:
called_computation.3_lowered:
.L_overlay_start_0:
0x88: {  	s2 =	sld [smem:$0x3FD9]  }
0x89: {  	s3 =	sld [smem:$0x3FFE];
	_ =	sdelay $0x1  }
0x8a: {  	s1 =	srdreg.scid  }
0x8b: {  	s0 =	sand.u32 $0x1, s1  }
0x8c: {  	s16 =	sshll.u32 s0, $0xA;
	s2 =	sadd.s32 s3, s2  }
0x8d: {  	s2 =	sadd.s32 s2, s16  }
0x8e: {  	[smem:$0x3FB3] =	sst s2  }
0x8f: {  	_ = 	snop  }
0x90: {  	(tm) =	ssettm $0x1  }
0x91: {  	s17 =	sld [smem:$0x3FFB];
	_ =	sdelay $0x3  }
0x92: {  	_ =	strace s17  }
0x93: {  	s2 =	sld [smem:$0x3FFC];
	_ =	sdelay $0x3  }
0x94: {  	_ =	strace s2  }
0x95: {  	s2 =	sld [smem:$0x3FFD];
	_ =	sdelay $0x3  }
0x96: {  	_ =	strace s2  }
0x97: {  	_ =	strace $0x8FFFFFFF  }
0x98: {  	s18 =	sld [smem:$0x3FDB];
	_ =	sdelay $0x1  }
0x99: {  	s19 =	simm.s32 $_scs_section_size  }
0x9a: {  	s4 =	simm.s32 $_size__tile_overlayer_lowered;
	s5 =	simm.s32 $_tile_overlayer_lowered  }
0x9b: {  	s22 =	simm.s32 $0x1BFF;
	s21 =	sshll.u32 s5, $0x1;
	s2 =	sadd.s32 s19, s18  }
0x9c: {  	s6 =	simm.s32 $0x0;
	s20 =	sshll.u32 s4, $0x1;
	s4 =	sadd.s32 s21, s2  }
0x9d: {  	[timem:s6], [sflag:s22] =	dma.local [hbm:s4], s20  }
0x9e: {  	_ =	swait.ge [sflag:s22], s20  }
0x9f: {  	s3 =	ssub.s32 $0x0, s20;
	[sflag:s22] =	ssyncset.done $0x0  }
0xa0: {  	[sflag:s22] =	ssyncadd.s32 s3;
	_ =	sdelay $0x1  }
0xa1: {  	s23 =	simm.s32 $0x1B8B  }
0xa2: {  	_ =	swait.ge [sflag:s23], $0x1  }
0xa3: {  	[sflag:s23] =	ssyncset.done $0x0  }
0xa4: {  	s25 =	simm.s32 $0x1B8E;
	s24 =	sld [smem:$0x3FFE];
	[sflag:s23] =	ssyncadd.s32 $0xFFFFFFFF  }
0xa5: {  	s26 =	simm.s32 $execute0_lowered;
	[smem:$0x3FD2] =	sst s25  }
0xa6: {  	s4 =	sshll.u32 s26, $0x1;
	_ =	strace $0x8000004F;
	[dreg:$0x1] =	wrdreg $0xFFFFFFFF  }
0xa7: {  	s28 =	simm.s32 $_size_execute0_lowered;
	s2 =	sadd.s32 s2, s4;
	[dreg:$0x0] =	wrdreg $0x0  }
0xa8: {  	s4 =	sshll.u32 s28, $0x1;
	[dreg:$0x2] =	wrdreg s2  }
0xa9: {  	[dreg:$0x3] =	wrdreg s4  }
0xaa: {  	[dreg:$0x4] =	wrdreg $0xC0  }
0xab: {  	_ =	task [dreg:s6], $0x5FFFF  }
0xac: {  	[dreg:$0x1] =	wrdreg $0xFFFFFFFF  }
0xad: {  	[dreg:$0x0] =	wrdreg $0x60  }
0xae: {  	[dreg:$0x2] =	wrdreg s24  }
0xaf: {  	[dreg:$0x3] =	wrdreg $0x9  }
0xb0: {  	_ =	task.clear_ibuf [dreg:s6], $0x4FFFF;
	_ =	strace $0x9000004F  }
0xb1: {  	s29 =	simm.s32 $0x9;
	_ =	strace $0x80000051  }
0xb2: {  	_ =	swait.ge [sflag:s29], $0x1  }
0xb3: {  	[sflag:s29] =	ssyncadd.s32 $0xFFFFFFFF  }
0xb4: {  	_ =	strace $0x90000051  }
0xb5: {  	_ =	sfence  }
0xb6: {  	s30 =	sld [smem:$0x0];
	_ =	sdelay $0x2  }
0xb7: {  	s31 =	sshll.u32 s1, $0xD;
	s1 =	sshrl.u32 s1, $0x2  }
0xb8: {  	s3 =	sand.u32 $0x4000, s31;
	s1 =	sadd.s32 s1, s30  }
0xb9: {  	s0 =	sor.u32 s3, s0;
	s1 =	sshll.u32 s1, $0x11  }
0xba: {  	s0 =	sor.u32 s1, s0  }
0xbb: {  	s0 =	sadd.s32 $0x8F2B, s0  }
0xbc: {  	[sflag:s0] =	ssyncadd.remote.s32 $0x1  }
0xbd: {  	_ =	sfence.sel $0xFFFF  }
0xbe: {  	[dreg:$0x0] =	wrdreg $0xFFFFFFFF;
	(pc) =	sbr.abs _section_cstart, $3  }
0xbf: {  	[dreg:$0x1] =	wrdreg $0xFFFFFFFF  }
0xc0: {  	_ =	task.clear_ibuf [dreg:s6], $0x2FFFF;
	_ =	strace $0x9FFFFFFF  }
0xc1: {  	(tm) =	ssettm $0x7FFFFFFF  }
tec
execute0_lowered:
.L_overlay_start_1:
0x0: {  	(tag) =	ssettag $0x1  }
0x1: {  	s4 =	rddreg [dreg:$0x0]  }
0x2: {  	s0 =	rddreg [dreg:$0x1];
	s2 =	simm.s32 $0x0;
	s3 =	srdreg.scid  }
0x3: {  	s1 =	stileid.u32;
	s10 =	simm.s32 $0x0;
	[smem:$0x7FF] =	sst s2  }
0x4: {  	s5 =	sand.u32 $0x1, s3;
	s6 =	sshll.u32 s1, $0xD;
	s3 =	sadd.s32 $0x6C00, s4  }
0x5: {  	s8 =	sshll.u32 s1, $0x11;
	_ =	strace $0x80000050;
	s7 =	sshll.u32 s5, $0xC  }
0x6: {  	s31 =	ssub.s32 $0x2, s5;
	s8 =	sadd.s32 s8, s4;
	s5 =	sshll.u32 s5, $0x10  }
0x7: {  	s6 =	sor.u32 s7, s6;
	s9 =	sshrl.u32 s31, $0x1;
	s5 =	sadd.s32 s5, s8  }
0x8: {  	s8 =	simm.s32 $0x80;
	s6 =	sshrl.u32 s6, $0x3;
	s7 =	ssub.s32 s31, s9  }
0x9: {  	s5 =	sadd.s32 $0x4AC00, s5;
	s9 =	simm.s32 $0x1;
	s6 =	sadd.s32 s6, s4  }
0xa: {  	s4 =	smax.u32 s7, $0x1;
	s7 =	simm.s32 $0x2;
	s6 =	sadd.s32 $0x46C00, s6  }
.LBB2_1:
0xb: {  	s11 =	sadd.s32 $0x0, s6  }
0xc: {  	[tilespmem:s2], [sflag:$0x2] =	stream.linear.gather [hbm4b:s11+s2], $0x80, $0x38;
	[tilespmem:$0x4080] =	vst v63  }
0xd: {  	_ =	swait.ge [sflag:s7], $0x80  }
0xe: {  	[sflag:s7] =	ssyncset.done $0x0  }
0xf: {  	[sflag:s7] =	ssyncadd.s32 $0xFFFFFF80  }
0x10: {  	[tilespmem:s8], [sflag:$0x1] =	stream.indirect.gather [hbm4b:s3+s8], $0x80, s2, s8, $0xb8;
	[tilespmem:$0x4080] =	vst v63  }
0x11: {  	_ =	swait.ge [sflag:s9], $0x4000  }
0x12: {  	[sflag:s9] =	ssyncset.done $0x0  }
0x13: {  	[sflag:s9] =	ssyncadd.s32 $0xFFFFC000  }
0x14: {  	[hbm4b:s5+s2] =	stream.linear.scatter [tilespmem:s8], [sflag:$0x2], $0x4000, $0x38;
	[tilespmem:$0x4080] =	vst v63  }
0x15: {  	s12 =	simm.s32 $0x10;
	_ =	swait.ge [sflag:s7], $0x4000  }
0x16: {  	s13 =	simm.s32 $0x20;
	s11 =	sadd.s32 $0x800, s5;
	[sflag:s7] =	ssyncset.done $0x0  }
.LBB2_2:
0x17: {  	s14 =	sadd.s32 s12, s6  }
0x18: {  	[sflag:s7] =	ssyncadd.s32 $0xFFFFC000;
	s12 =	smov.u32 s13;
	s15 =	sadd.s32 $0x10, s13  }
0x19: {  	[tilespmem:s2], [sflag:$0x2] =	stream.linear.gather [hbm4b:s14+s2], $0x80, $0x38;
	[tilespmem:$0x4080] =	vst v63  }
0x1a: {  	p0 =	sne.s32 s13, $0x1F0;
	_ =	swait.ge [sflag:s7], $0x80  }
0x1b: {  	[sflag:s7] =	ssyncset.done $0x0  }
0x1c: {  	[sflag:s7] =	ssyncadd.s32 $0xFFFFFF80  }
0x1d: {  	[tilespmem:s8], [sflag:$0x1] =	stream.indirect.gather [hbm4b:s3+s8], $0x80, s2, s8, $0xb8;
	[tilespmem:$0x4080] =	vst v63  }
0x1e: {  	_ =	swait.ge [sflag:s9], $0x4000  }
.Ltmp0:
0x1f: {  	[sflag:s9] =	ssyncset.done $0x0;
	(pc) =	sbr.rel @p0 .LBB2_2-.Ltmp0, $4  }
0x20: {  	[sflag:s9] =	ssyncadd.s32 $0xFFFFC000  }
0x21: {  	[hbm4b:s11+s2] =	stream.linear.scatter [tilespmem:s8], [sflag:$0x2], $0x4000, $0x38;
	[tilespmem:$0x4080] =	vst v63  }
0x22: {  	_ =	swait.ge [sflag:s7], $0x4000  }
0x23: {  	s13 =	smov.u32 s15;
	s11 =	sadd.s32 $0x800, s11;
	[sflag:s7] =	ssyncset.done $0x0  }
0x24: {  	s12 =	sadd.s32 s12, s6;
	[sflag:s7] =	ssyncadd.s32 $0xFFFFC000  }
0x25: {  	[tilespmem:s2], [sflag:$0x2] =	stream.linear.gather [hbm4b:s12+s2], $0x80, $0x38;
	[tilespmem:$0x4080] =	vst v63  }
0x26: {  	_ =	swait.ge [sflag:s7], $0x80  }
0x27: {  	[sflag:s7] =	ssyncset.done $0x0  }
0x28: {  	[sflag:s7] =	ssyncadd.s32 $0xFFFFFF80  }
0x29: {  	[tilespmem:s8], [sflag:$0x1] =	stream.indirect.gather [hbm4b:s3+s8], $0x80, s2, s8, $0xb8;
	[tilespmem:$0x4080] =	vst v63  }
0x2a: {  	s10 =	sadd.s32 $0x1, s10;
	_ =	swait.ge [sflag:s9], $0x4000  }
0x2b: {  	p0 =	sne.s32 s10, s4;
	[sflag:s9] =	ssyncset.done $0x0  }
.Ltmp1:
0x2c: {  	[sflag:s9] =	ssyncadd.s32 $0xFFFFC000;
	(pc) =	sbr.rel @p0 .LBB2_1-.Ltmp1, $4  }
0x2d: {  	[hbm4b:s11+s2] =	stream.linear.scatter [tilespmem:s8], [sflag:$0x2], $0x4000, $0x38;
	[tilespmem:$0x4080] =	vst v63  }
0x2e: {  	_ =	swait.ge [sflag:s7], $0x4000  }
0x2f: {  	[sflag:s7] =	ssyncset.done $0x0  }
0x30: {  	[sflag:s7] =	ssyncadd.s32 $0xFFFFC000  }
0x31: {  	_ =	sfence.sel $0x180000  }
0x32: {  	[bflag:$0x0] =	sbarrier.arrive $0xFFFF  }
0x33: {  	p0 =	sne.s32 s1, $0x0;
	_ =	strace $0x90000050  }
0x34: {  	s0 =	sadd.s32 @!p0 $0x100000, s0;
	[bflag:$0x2] =	sbarrier.arrive $0xFFFF  }
0x35: {  	[sflag:s0] =	ssyncadd.tile.s32 @!p0 $0x1;
	_ =	shalt  }
.Lfunc_end2:
_tile_overlayer_lowered:
.L_overlay_start_2:
0x36: {  	(tag) =	ssettag $0x2  }
0x37: {  	s0 =	rddreg [dreg:$0x0];
	s2 =	stileid.u32  }
0x38: {  	s1 =	rddreg [dreg:$0x1];
	p0 =	sne.s32 s2, $0x0  }
0x39: {  	s3 =	rddreg [dreg:$0x2];
	[bflag:$0x3] =	sbarrier.arrive $0xFFFF;
	s2 =	simm.s32 @!p0 $0x1C02  }
0x3a: {  	[timem:s3], [sflag:s2] =	dma.local @!p0 [hbm:s0], s1  }
0x3b: {  	s0 =	simm.s32 @!p0 $0x2  }
0x3c: {  	_ =	swait.ge @!p0 [sflag:s0], s1  }
0x3d: {  	s1 =	ssub.s32 @!p0 $0x0, s1;
	[sflag:s0] =	ssyncset.done @!p0 $0x0  }
0x3e: {  	[sflag:s0] =	ssyncadd.s32 @!p0 s1  }
0x3f: {  	[bflag:$0x3] =	sbarrier.arrive $0xFFFF  }
0x40: {  	_ =	shalt  }

</sc_bundles>
